<compile_context>
chip_gen: v7x
topology: tpu7x:2x2x1
jax: 0.10.2.dev20260603
libtpu: 0.0.44.dev20260713+nightly
codegen_flags: <defaults>
</compile_context>

<pallas_src>
import jax
import jax.numpy as jnp
from jax.experimental import pallas as pl
from jax.experimental.pallas import tpu as pltpu
from jax.experimental.pallas import tpu_sc as plsc

D = 1024
H = 16
KVH = 4
HD = 64
T = 2048
E = 8
I = 512
EPS = 1e-6
QKV_N = (H + KVH + KVH) * HD
ROPE_N = (H + KVH) * HD
TB = 256
BQ = 1024
BK = 512
SEG = 256
NBLK = (2 * T + E * (SEG - 1) + SEG - 1) // SEG
SCW = 128
CW = 256
NCH = D // CW

_LN_THETA = 13.815510557964274


def _qkv_kernel(pos_ref, hs_ref, ln1_ref, w2_ref, q_ref, k_ref, v_ref):
    x = hs_ref[...]
    ms = jnp.mean(x * x, axis=-1, keepdims=True)
    xn = (x * jax.lax.rsqrt(ms + EPS) * ln1_ref[...]).astype(jnp.bfloat16)
    both = jnp.dot(xn, w2_ref[...], preferred_element_type=jnp.float32)
    qkv = both[:, :QKV_N]
    partner = both[:, QKV_N:]
    rot_in = qkv[:, :ROPE_N]
    pos = pos_ref[0, :].astype(jnp.float32)
    half = HD // 2
    fl = jax.lax.broadcasted_iota(jnp.int32, (TB, half), 1)
    inv = jnp.exp(fl.astype(jnp.float32) / half * (-_LN_THETA))
    f = pos[:, None] * inv
    cos32 = jnp.cos(f)
    sin32 = jnp.sin(f)
    bi = jax.lax.broadcasted_iota(jnp.int32, (half, ROPE_N), 0)
    bl = jax.lax.broadcasted_iota(jnp.int32, (half, ROPE_N), 1)
    sel = (bl % half == bi).astype(jnp.float32)
    cosf = jnp.dot(cos32, sel, preferred_element_type=jnp.float32)
    sinf = jnp.dot(sin32, sel, preferred_element_type=jnp.float32)
    lane = jax.lax.broadcasted_iota(jnp.int32, (TB, ROPE_N), 1)
    sign = jnp.where(lane % HD < half, -1.0, 1.0)
    rotated = (rot_in * cosf + sign * partner * sinf).astype(jnp.bfloat16)
    qh = rotated[:, :H * HD].reshape(TB, H, HD).transpose(1, 0, 2)
    kh = rotated[:, H * HD:].reshape(TB, KVH, HD).transpose(1, 0, 2)
    vh = qkv[:, ROPE_N:].astype(jnp.bfloat16).reshape(
        TB, KVH, HD).transpose(1, 0, 2)
    q_ref[...] = qh
    k_ref[...] = kh
    v_ref[...] = jnp.concatenate(
        [vh, jnp.ones((KVH, TB, 1), jnp.bfloat16),
         jnp.zeros((KVH, TB, 128 - HD - 1), jnp.bfloat16)], axis=-1)


_LOG2E = 1.4426950408889634


def _attn_kernel(q_ref, k_ref, v_ref, o_ref):
    qb = pl.program_id(1)
    scale = HD ** -0.5 * _LOG2E
    qa = (q_ref[0].astype(jnp.float32) * scale).astype(jnp.bfloat16)
    qc = (q_ref[1].astype(jnp.float32) * scale).astype(jnp.bfloat16)

    def step(kb, carry, masked):
        ma, acca, mc, accc = carry
        kblk = k_ref[0, pl.ds(kb * BK, BK), :]
        vblk = v_ref[0, pl.ds(kb * BK, BK), :]
        sa = jax.lax.dot_general(qa, kblk, (((1,), (1,)), ((), ())),
                                 preferred_element_type=jnp.float32)
        sc_ = jax.lax.dot_general(qc, kblk, (((1,), (1,)), ((), ())),
                                  preferred_element_type=jnp.float32)
        if masked:
            row = qb * BQ + jax.lax.broadcasted_iota(jnp.int32, (BQ, BK), 0)
            colb = jax.lax.broadcasted_iota(jnp.int32, (BQ, BK), 1)
            keep = kb * BK + colb <= row
            sa = jnp.where(keep, sa, -1e30)
            sc_ = jnp.where(keep, sc_, -1e30)
        mna = jnp.maximum(ma, jnp.max(sa, axis=-1, keepdims=True))
        mnc = jnp.maximum(mc, jnp.max(sc_, axis=-1, keepdims=True))
        pa = jnp.exp2(sa - mna)
        pc = jnp.exp2(sc_ - mnc)
        acca2 = acca * jnp.exp2(ma - mna) + jnp.dot(
            pa.astype(jnp.bfloat16), vblk, preferred_element_type=jnp.float32)
        accc2 = accc * jnp.exp2(mc - mnc) + jnp.dot(
            pc.astype(jnp.bfloat16), vblk, preferred_element_type=jnp.float32)
        return mna, acca2, mnc, accc2

    init = (jnp.full((BQ, 1), -1e30, jnp.float32),
            jnp.zeros((BQ, 128), jnp.float32),
            jnp.full((BQ, 1), -1e30, jnp.float32),
            jnp.zeros((BQ, 128), jnp.float32))
    ndiag = BQ // BK
    carry = jax.lax.fori_loop(0, qb * ndiag,
                              lambda kb, c: step(kb, c, False), init)
    for j in range(ndiag):
        carry = step(qb * ndiag + j, carry, True)
    ma, acca, mc, accc = carry
    ca = acca[:, :HD] / acca[:, HD:HD + 1]
    cc = accc[:, :HD] / accc[:, HD:HD + 1]
    o_ref[...] = jnp.concatenate([ca, cc], axis=1).astype(jnp.bfloat16)


def _first_argmax(a, lanes):
    m = jnp.max(a, axis=-1, keepdims=True)
    l = jax.lax.broadcasted_iota(jnp.int32, a.shape, 1)
    idx = jnp.min(jnp.where(a == m, l, lanes), axis=-1, keepdims=True)
    return m, idx


def _route_dispatch_kernel(ctx_ref, hs_ref, wo_ref, ln2_ref, gw_ref,
                           gb_ref, h1_ref, h2f_ref, dest_ref, tw_ref,
                           be_ref):
    attn = jnp.dot(ctx_ref[...], wo_ref[...], preferred_element_type=jnp.float32)
    h1 = hs_ref[...] + attn
    ms = jnp.mean(h1 * h1, axis=-1, keepdims=True)
    h2 = h1 * jax.lax.rsqrt(ms + EPS) * ln2_ref[...]
    h1_ref[...] = h1
    h2f_ref[...] = h2

    logits = jnp.dot(h2, gw_ref[...], preferred_element_type=jnp.float32)
    scores = jax.nn.sigmoid(logits)
    sc = scores + gb_ref[...]
    lane8 = jax.lax.broadcasted_iota(jnp.int32, (T, E), 1)
    scs = pltpu.roll(sc, E - 1, axis=1)
    gsum = sc + scs
    garr = jnp.where(lane8 % 2 == 0, gsum, -jnp.inf)
    _, g_i1 = _first_argmax(garr, E)
    garr2 = jnp.where(lane8 == g_i1, -jnp.inf, garr)
    _, g_i2 = _first_argmax(garr2, E)
    glane = lane8 - (lane8 % 2)
    elig = (glane == g_i1) | (glane == g_i2)
    masked = jnp.where(elig, sc, -jnp.inf)
    _, e_i1 = _first_argmax(masked, E)
    masked2 = jnp.where(lane8 == e_i1, -jnp.inf, masked)
    _, e_i2 = _first_argmax(masked2, E)
    sel = (lane8 == e_i1) | (lane8 == e_i2)
    w = jnp.transpose(jnp.where(sel, scores, 0.0))

    m = w > 0.0
    x = m.astype(jnp.float32)
    lane = jax.lax.broadcasted_iota(jnp.int32, (E, T), 1)
    c = x
    sh = 1
    while sh < T:
        c = c + jnp.where(lane >= sh, pltpu.roll(c, sh, axis=1), 0.0)
        sh *= 2
    pos = c - x
    counts = c[:, T - 1 : T]
    padded = jnp.floor((counts + (SEG - 1)) / SEG) * SEG
    e_i = jax.lax.broadcasted_iota(jnp.int32, (E, E), 0)
    e_j = jax.lax.broadcasted_iota(jnp.int32, (E, E), 1)
    l8 = (e_i > e_j).astype(jnp.float32)
    starts = jax.lax.dot_general(l8, padded, (((1,), (0,)), ((), ())),
                                 preferred_element_type=jnp.float32)
    destT = (starts + pos).astype(jnp.int32)
    er = jax.lax.broadcasted_iota(jnp.int32, (E, T), 0)
    r0 = jnp.min(jnp.where(m, er, E), axis=0, keepdims=True)
    r1 = jnp.max(jnp.where(m, er, -1), axis=0, keepdims=True)
    dest0 = jnp.sum(jnp.where(er == r0, destT, 0), axis=0, keepdims=True)
    dest1 = jnp.sum(jnp.where(er == r1, destT, 0), axis=0, keepdims=True)
    tw0 = jnp.sum(jnp.where(er == r0, w, 0.0), axis=0, keepdims=True)
    tw1 = jnp.sum(jnp.where(er == r1, w, 0.0), axis=0, keepdims=True)
    nrm = tw0 + tw1 + 1e-20
    dest_ref[0:1, :] = dest0
    dest_ref[1:2, :] = dest1
    tw_ref[0:1, :] = tw0 / nrm
    tw_ref[1:2, :] = tw1 / nrm
    b = jax.lax.broadcasted_iota(jnp.int32, (E, NBLK), 1)
    ge = ((b * SEG).astype(jnp.float32) >= starts).astype(jnp.int32)
    be_ref[...] = jnp.sum(ge, axis=0, keepdims=True) - 1


def _expert_kernel(be_ref, x_ref, wgu_ref, wdn_ref, y_ref):
    e = be_ref[pl.program_id(0)]
    x = x_ref[...].astype(jnp.bfloat16)
    gu = jnp.dot(x, wgu_ref[e], preferred_element_type=jnp.float32)
    g = gu[:, :I]
    u = gu[:, I:]
    act = (g * jax.nn.sigmoid(g) * u).astype(jnp.bfloat16)
    y_ref[...] = jnp.dot(act, wdn_ref[e], preferred_element_type=jnp.float32)


def _combine_kernel(h1_ref, g0_ref, g1_ref, tw_ref, y_ref):
    t0 = jnp.transpose(tw_ref[0:1, :])
    t1 = jnp.transpose(tw_ref[1:2, :])
    y_ref[...] = h1_ref[...] + t0 * g0_ref[...] + t1 * g1_ref[...]


def _sc_scatter_rows(h2c, destc_flat):
    mesh = plsc.VectorSubcoreMesh(core_axis_name="c", subcore_axis_name="s")

    @pl.kernel(out_type=jax.ShapeDtypeStruct((NBLK * SEG * NCH, CW),
                                             jnp.float32),
               mesh=mesh)
    def k(x_hbm, i_hbm, o_hbm):
        def body(x_vmem, i_vmem):
            pltpu.sync_copy(x_vmem, o_hbm.at[i_vmem.at[0]])

        pltpu.emit_pipeline(
            body,
            grid=(2 * T * NCH // SCW,),
            in_specs=[
                pl.BlockSpec((SCW, CW),
                             index_map=lambda i: (i % (T * NCH // SCW), 0)),
                pl.BlockSpec((1, SCW), index_map=lambda i: (0, i)),
            ],
            out_specs=[],
            core_axis_name=("c", "s"),
            dimension_semantics=(pltpu.PARALLEL,),
        )(x_hbm, i_hbm)

    return k(h2c, destc_flat)


def _sc_gather_rows(ygc, destc_flat):
    mesh = plsc.VectorSubcoreMesh(core_axis_name="c", subcore_axis_name="s")

    @pl.kernel(out_type=jax.ShapeDtypeStruct((2 * T * NCH, CW),
                                             jnp.float32),
               mesh=mesh)
    def k(y_hbm, i_hbm, o_hbm):
        def body(i_vmem, o_vmem):
            pltpu.sync_copy(y_hbm.at[i_vmem.at[0]], o_vmem)

        pltpu.emit_pipeline(
            body,
            grid=(2 * T * NCH // SCW,),
            in_specs=[pl.BlockSpec((1, SCW), index_map=lambda i: (0, i))],
            out_specs=[pl.BlockSpec((SCW, CW), index_map=lambda i: (i, 0))],
            core_axis_name=("c", "s"),
            dimension_semantics=(pltpu.PARALLEL,),
        )(i_hbm, o_hbm)

    return k(ygc, destc_flat)


def kernel(positions, hidden_states, ln1_w, ln2_w, w_qkv, w_o, gate_w,
           gate_bias, w_gate_up, w_down):
    pos2d = positions.reshape(1, T)
    ln1 = ln1_w.reshape(1, D)
    ln2 = ln2_w.reshape(1, D)
    gb = gate_bias.reshape(1, E)
    wpart = jnp.flip(
        w_qkv[:, :ROPE_N].reshape(D, ROPE_N // (HD // 2) // 2, 2, HD // 2),
        axis=2).reshape(D, ROPE_N)
    w2_b = jnp.concatenate([w_qkv, wpart], axis=1).astype(jnp.bfloat16)
    wo_b = w_o.astype(jnp.bfloat16)
    wgu_b = w_gate_up.astype(jnp.bfloat16)
    wdn_b = w_down.astype(jnp.bfloat16)

    nqb = T // TB
    qkv = pl.pallas_call(
        _qkv_kernel,
        grid=(nqb,),
        in_specs=[
            pl.BlockSpec((1, TB), lambda i: (0, i)),
            pl.BlockSpec((TB, D), lambda i: (i, 0)),
            pl.BlockSpec((1, D), lambda i: (0, 0)),
            pl.BlockSpec((D, QKV_N + ROPE_N), lambda i: (0, 0)),
        ],
        out_specs=[
            pl.BlockSpec((H, TB, HD), lambda i: (0, i, 0)),
            pl.BlockSpec((KVH, TB, HD), lambda i: (0, i, 0)),
            pl.BlockSpec((KVH, TB, 128), lambda i: (0, i, 0)),
        ],
        out_shape=[
            jax.ShapeDtypeStruct((H, T, HD), jnp.bfloat16),
            jax.ShapeDtypeStruct((KVH, T, HD), jnp.bfloat16),
            jax.ShapeDtypeStruct((KVH, T, 128), jnp.bfloat16),
        ],
    )(pos2d, hidden_states, ln1, w2_b)
    q, k, vaug = qkv

    ctx2d = pl.pallas_call(
        _attn_kernel,
        grid=(H // 2, T // BQ),
        in_specs=[
            pl.BlockSpec((2, BQ, HD), lambda h, i: (h, i, 0)),
            pl.BlockSpec((1, T, HD), lambda h, i: (h // 2, 0, 0)),
            pl.BlockSpec((1, T, 128), lambda h, i: (h // 2, 0, 0)),
        ],
        out_specs=pl.BlockSpec((BQ, 128), lambda h, i: (i, h)),
        out_shape=jax.ShapeDtypeStruct((T, H * HD), jnp.bfloat16),
    )(q, k, vaug)

    h1, h2f, dest, tw, be = pl.pallas_call(
        _route_dispatch_kernel,
        grid=(1,),
        in_specs=[
            pl.BlockSpec((T, H * HD), lambda i: (0, 0)),
            pl.BlockSpec((T, D), lambda i: (0, 0)),
            pl.BlockSpec((H * HD, D), lambda i: (0, 0)),
            pl.BlockSpec((1, D), lambda i: (0, 0)),
            pl.BlockSpec((D, E), lambda i: (0, 0)),
            pl.BlockSpec((1, E), lambda i: (0, 0)),
        ],
        out_specs=[
            pl.BlockSpec((T, D), lambda i: (0, 0)),
            pl.BlockSpec((T, D), lambda i: (0, 0)),
            pl.BlockSpec((2, T), lambda i: (0, 0)),
            pl.BlockSpec((2, T), lambda i: (0, 0)),
            pl.BlockSpec((1, NBLK), lambda i: (0, 0)),
        ],
        out_shape=[
            jax.ShapeDtypeStruct((T, D), jnp.float32),
            jax.ShapeDtypeStruct((T, D), jnp.float32),
            jax.ShapeDtypeStruct((2, T), jnp.int32),
            jax.ShapeDtypeStruct((2, T), jnp.float32),
            jax.ShapeDtypeStruct((1, NBLK), jnp.int32),
        ],
    )(ctx2d, hidden_states, wo_b, ln2, gate_w, gb)

    destc = (dest[..., None] * NCH + jnp.arange(NCH, dtype=jnp.int32)
             ).reshape(1, 2 * T * NCH)
    be1d = be.reshape(NBLK)

    xg = _sc_scatter_rows(h2f.reshape(T * NCH, CW), destc)
    xg = xg.reshape(NBLK * SEG, D)

    yg = pl.pallas_call(
        _expert_kernel,
        grid_spec=pltpu.PrefetchScalarGridSpec(
            num_scalar_prefetch=1,
            grid=(NBLK,),
            in_specs=[
                pl.BlockSpec((SEG, D), lambda b, be_: (b, 0)),
                pl.BlockSpec((E, D, 2 * I), lambda b, be_: (0, 0, 0)),
                pl.BlockSpec((E, I, D), lambda b, be_: (0, 0, 0)),
            ],
            out_specs=pl.BlockSpec((SEG, D), lambda b, be_: (b, 0)),
        ),
        out_shape=jax.ShapeDtypeStruct((NBLK * SEG, D), jnp.float32),
    )(be1d, xg, wgu_b, wdn_b)

    g = _sc_gather_rows(yg.reshape(NBLK * SEG * NCH, CW), destc)
    g = g.reshape(2 * T, D)

    y = pl.pallas_call(
        _combine_kernel,
        grid=(nqb,),
        in_specs=[
            pl.BlockSpec((TB, D), lambda i: (i, 0)),
            pl.BlockSpec((TB, D), lambda i: (i, 0)),
            pl.BlockSpec((TB, D), lambda i: (i, 0)),
            pl.BlockSpec((2, TB), lambda i: (0, i)),
        ],
        out_specs=pl.BlockSpec((TB, D), lambda i: (i, 0)),
        out_shape=jax.ShapeDtypeStruct((T, D), jnp.float32),
    )(h1, g[:T], g[T:], tw)

    return y

# --- scband reference (transcript-rebuilt; emitter-appended) ---
"""Pipeline reference for scband-mi-mo-v2-flash-decoder-layer-2044404433737 (READ-ONLY COPY).

The authoritative reference and input builder live on the scoring server;
editing this copy changes nothing except your own understanding.
"""

import jax, jax.numpy as jnp
import numpy as np

D = 1024; H = 16; KVH = 4; HD = 64; VHD = 64; T = 2048
E = 8; TOPK = 2; NG = 4; TG = 2; I = 512
THETA = 1e6; EPS = 1e-6


def setup_inputs(seed: int = 0) -> dict:
    key = jax.random.key(seed)
    ks = jax.random.split(key, 8)
    s = 0.02
    return {
        'positions': jnp.arange(T, dtype=jnp.int32),
        'hidden_states': jax.random.normal(ks[0], (T, D), jnp.float32),
        'ln1_w': jnp.ones((D,), jnp.float32),
        'ln2_w': jnp.ones((D,), jnp.float32),
        'w_qkv': jax.random.normal(ks[1], (D, H * HD + KVH * HD + KVH * VHD), jnp.float32) * s,
        'w_o': jax.random.normal(ks[2], (H * VHD, D), jnp.float32) * s,
        'gate_w': jax.random.normal(ks[3], (D, E), jnp.float32) * s,
        'gate_bias': jax.random.normal(ks[4], (E,), jnp.float32) * s,
        'w_gate_up': jax.random.normal(ks[5], (E, D, 2 * I), jnp.float32) * s,
        'w_down': jax.random.normal(ks[6], (E, I, D), jnp.float32) * s,
    }


def _rmsnorm(x, w):
    return x * jax.lax.rsqrt(jnp.mean(x * x, axis=-1, keepdims=True) + EPS) * w


def _rope(x, pos, n_heads):
    t = x.shape[0]
    xh = x.reshape(t, n_heads, HD)
    half = HD // 2
    inv = 1.0 / (THETA ** (jnp.arange(half, dtype=jnp.float32) / half))
    f = pos.astype(jnp.float32)[:, None] * inv[None, :]
    cos = jnp.cos(f)[:, None, :]
    sin = jnp.sin(f)[:, None, :]
    x1 = xh[..., :half]
    x2 = xh[..., half:]
    o1 = x1 * cos - x2 * sin
    o2 = x2 * cos + x1 * sin
    return jnp.concatenate([o1, o2], axis=-1).reshape(t, n_heads * HD)


def _attention(positions, h, w_qkv, w_o):
    qkv = h @ w_qkv
    q = qkv[:, : H * HD]
    k = qkv[:, H * HD : H * HD + KVH * HD]
    v = qkv[:, H * HD + KVH * HD :]
    q = _rope(q, positions, H)
    k = _rope(k, positions, KVH)
    vh = v.reshape(T, KVH, VHD)
    vh = jnp.pad(vh, ((0, 0), (0, 0), (0, HD - VHD)))
    qh = q.reshape(T, H, HD)
    kh = k.reshape(T, KVH, HD)
    kh = jnp.repeat(kh, H // KVH, axis=1)
    vh = jnp.repeat(vh, H // KVH, axis=1)
    scores = jnp.einsum('qhd,khd->hqk', qh, kh) * (HD ** -0.5)
    causal = jnp.tril(jnp.ones((T, T), bool))
    scores = jnp.where(causal[None], scores, -1e30)
    p = jax.nn.softmax(scores, axis=-1)
    ctx = jnp.einsum('hqk,khd->qhd', p, vh)
    ctx = ctx[..., :VHD].reshape(T, H * VHD)
    return ctx @ w_o


def _moe(x, gate_w, gate_bias, w_gate_up, w_down):
    logits = x.astype(jnp.float32) @ gate_w
    scores = jax.nn.sigmoid(logits)
    sc = scores + gate_bias[None, :]
    gs = sc.reshape(T, NG, E // NG)
    g2 = jax.lax.top_k(gs, 2)[0].sum(-1)
    gidx = jax.lax.top_k(g2, TG)[1]
    gmask = jnp.zeros((T, NG), jnp.float32).at[jnp.arange(T)[:, None], gidx].set(1.0)
    emask = jnp.repeat(gmask, E // NG, axis=1)
    masked = jnp.where(emask > 0, sc, -jnp.inf)
    _, tid = jax.lax.top_k(masked, TOPK)
    tw = jnp.take_along_axis(scores, tid, axis=1)
    tw = tw / (tw.sum(-1, keepdims=True) + 1e-20)
    wmat = jnp.zeros((T, E), jnp.float32).at[jnp.arange(T)[:, None], tid].add(tw)
    y = jnp.zeros_like(x)
    for e in range(E):
        gu = x @ w_gate_up[e]
        g = gu[:, :I]
        u = gu[:, I:]
        y = y + wmat[:, e : e + 1] * ((jax.nn.silu(g) * u) @ w_down[e])
    return y


def reference(positions, hidden_states, ln1_w, ln2_w, w_qkv, w_o, gate_w, gate_bias, w_gate_up, w_down):
    h = _rmsnorm(hidden_states, ln1_w)
    attn_out = _attention(positions, h, w_qkv, w_o)
    h1 = hidden_states + attn_out
    h2 = _rmsnorm(h1, ln2_w)
    moe_out = _moe(h2, gate_w, gate_bias, w_gate_up, w_down)
    return h1 + moe_out

if __name__ == "__main__":
    import jax
    _d = setup_inputs()
    print(jax.jit(kernel)(*tuple(_d.values())))

</pallas_src>

<mosaic_0001>
#map = affine_map<(d0, d1) -> (0, 0)>
module attributes {stable_mosaic.version = 14 : i64} {
  func.func @k(%arg0: i32, %arg1: i32, %arg2: memref<24576x256xf32, #tpu.memory_space<hbm>>, %arg3: memref<1x16384xi32, #tpu.memory_space<hbm>>, %arg4: memref<16384x256xf32, #tpu.memory_space<hbm>>) attributes {dimension_semantics = [#tpu.dimension_semantics<core_parallel>, #tpu.dimension_semantics<subcore_parallel>], iteration_bounds = array<i64: 2, 16>, scalar_prefetch = 0 : i64, scratch_operands = 0 : i64, tpu.core_type = #tpu.core_type<sc_vector_subcore>, window_params = [{transform_indices = #map}, {transform_indices = #map}, {transform_indices = #map}]} {
    %mul3A = arith.constant 1 : i32
    %mul3A_0 = arith.muli %arg1, %mul3A : i32
    %add3A = arith.constant 0 : i32
    %add3A_1 = arith.addi %add3A, %mul3A_0 : i32
    %mul3A_2 = arith.constant 16 : i32
    %mul3A_3 = arith.muli %arg0, %mul3A_2 : i32
    %add3A_4 = arith.addi %add3A_1, %mul3A_3 : i32
    %mul3A_5 = arith.constant 4 : i32
    %mul3A_6 = arith.muli %add3A_4, %mul3A_5 : i32
    "tpu.region"() ({
      %run_scoped3A = memref.alloca() : memref<2x1x128xi32, #tpu.memory_space<vmem>>
      %run_scoped3A_7 = tpu.sem_alloc : memref<2x!tpu.dma_semaphore, #tpu.memory_space<semaphore_mem>>
      %run_scoped3A_8 = memref.alloca() : memref<2x128x256xf32, #tpu.memory_space<vmem>>
      %run_scoped3A_9 = tpu.sem_alloc : memref<2x!tpu.dma_semaphore, #tpu.memory_space<semaphore_mem>>
      %add3A_10 = arith.constant 0 : i32
      %add3A_11 = arith.addi %add3A_10, %mul3A_6 : i32
      %select_n3A = arith.constant true
      %select_n3A_12 = arith.constant 0 : i32
      %select_n3A_13 = arith.constant -1 : i32
      %select_n3A_14 = arith.select %select_n3A, %select_n3A_13, %select_n3A_12 : i32
      %eq3A = arith.constant -1 : i32
      %eq3A_15 = arith.cmpi eq, %select_n3A_14, %eq3A : i32
      %select_n3A_16 = arith.constant 3 : i32
      %select_n3A_17 = arith.select %eq3A_15, %select_n3A_16, %select_n3A_14 : i32
      %add3A_18 = arith.addi %select_n3A_17, %mul3A_6 : i32
      %select_n3A_19 = arith.constant true
      %select_n3A_20 = arith.constant 0 : i32
      %select_n3A_21 = arith.constant 1 : i32
      %select_n3A_22 = arith.select %select_n3A_19, %select_n3A_21, %select_n3A_20 : i32
      %eq3A_23 = arith.constant 4 : i32
      %eq3A_24 = arith.cmpi eq, %select_n3A_22, %eq3A_23 : i32
      %select_n3A_25 = arith.constant 0 : i32
      %select_n3A_26 = arith.select %eq3A_24, %select_n3A_25, %select_n3A_22 : i32
      %add3A_27 = arith.addi %select_n3A_26, %mul3A_6 : i32
      %add3A_28 = arith.constant 1 : i32
      %add3A_29 = arith.addi %select_n3A_26, %add3A_28 : i32
      %select_n3A_30 = arith.constant true
      %select_n3A_31 = arith.select %select_n3A_30, %add3A_29, %select_n3A_26 : i32
      %eq3A_32 = arith.constant 4 : i32
      %eq3A_33 = arith.cmpi eq, %select_n3A_31, %eq3A_32 : i32
      %select_n3A_34 = arith.constant 0 : i32
      %select_n3A_35 = arith.select %eq3A_33, %select_n3A_34, %select_n3A_31 : i32
      %add3A_36 = arith.addi %select_n3A_35, %mul3A_6 : i32
      "tpu.trace_start"() <{level = 10 : i32, message = "ep_initialize_0"}> : () -> ()
      %rem3A = arith.constant 0 : i32
      %rem3A_37 = arith.constant 2 : i32
      %rem3A_38 = arith.remui %rem3A, %rem3A_37 : i32
      %mul3A_39 = arith.constant 128 : i32
      %mul3A_40 = arith.muli %mul3A_39, %add3A_11 : i32
      %dma_start3A = arith.constant 0 : i32
      %dma_start3A_41 = arith.constant 0 : i32
      %dma_start3A_42 = tpu.memref_slice %run_scoped3A[%rem3A_38, %dma_start3A, %dma_start3A_41] : memref<2x1x128xi32, #tpu.memory_space<vmem>> -> memref<1x1x128xi32, #tpu.memory_space<vmem>>
      %dma_start3A_43 = tpu.memref_squeeze %dma_start3A_42 : memref<1x1x128xi32, #tpu.memory_space<vmem>> -> memref<1x128xi32, #tpu.memory_space<vmem>>
      %dma_start3A_44 = arith.constant 0 : i32
      %dma_start3A_45 = tpu.memref_slice %arg3[%dma_start3A_44, %mul3A_40] : memref<1x16384xi32, #tpu.memory_space<hbm>> -> memref<1x128xi32, #tpu.memory_space<hbm>>
      %dma_start3A_46 = tpu.memref_slice %run_scoped3A_7[%rem3A_38] : memref<2x!tpu.dma_semaphore, #tpu.memory_space<semaphore_mem>> -> memref<1x!tpu.dma_semaphore, #tpu.memory_space<semaphore_mem>>
      %dma_start3A_47 = tpu.memref_squeeze %dma_start3A_46 : memref<1x!tpu.dma_semaphore, #tpu.memory_space<semaphore_mem>> -> memref<!tpu.dma_semaphore, #tpu.memory_space<semaphore_mem>>
      %dma_start3A_48 = arith.constant 0 : i32
      %dma_start3A_49 = arith.constant 0 : i32
      %dma_start3A_50 = tpu.memref_slice %run_scoped3A[%rem3A_38, %dma_start3A_48, %dma_start3A_49] : memref<2x1x128xi32, #tpu.memory_space<vmem>> -> memref<1x1x128xi32, #tpu.memory_space<vmem>>
      %dma_start3A_51 = tpu.memref_squeeze %dma_start3A_50 : memref<1x1x128xi32, #tpu.memory_space<vmem>> -> memref<1x128xi32, #tpu.memory_space<vmem>>
      %dma_start3A_52 = arith.constant 0 : i32
      %dma_start3A_53 = tpu.memref_slice %arg3[%dma_start3A_52, %mul3A_40] : memref<1x16384xi32, #tpu.memory_space<hbm>> -> memref<1x128xi32, #tpu.memory_space<hbm>>
      tpu.enqueue_dma source(%dma_start3A_53 : memref<1x128xi32, #tpu.memory_space<hbm>>) target(%dma_start3A_51 : memref<1x128xi32, #tpu.memory_space<vmem>>) target_semaphore(%dma_start3A_47 : memref<!tpu.dma_semaphore, #tpu.memory_space<semaphore_mem>>)
      %add3A_54 = arith.constant 0 : i32
      %add3A_55 = arith.constant 1 : i32
      %add3A_56 = arith.addi %add3A_54, %add3A_55 : i32
      %select_n3A_57 = arith.constant true
      %select_n3A_58 = arith.constant 0 : i32
      %select_n3A_59 = arith.select %select_n3A_57, %add3A_56, %select_n3A_58 : i32
      "tpu.trace_stop"() : () -> ()
      %scan3A = arith.constant 0 : i32
      %scan3A_60 = arith.constant 0 : i32
      %scan3A_61 = arith.constant 0 : i32
      %scan3A_62 = arith.constant 0 : i32
      %scan3A_63 = arith.constant 0 : i32
      %scan3A_64 = arith.constant 4 : i32
      %scan3A_65 = arith.addi %scan3A_63, %scan3A_64 : i32
      %scan3A_66 = arith.constant 1 : i32
      %scan3A_67:5 = scf.for %scan3A_121 = %scan3A_63 to %scan3A_65 step %scan3A_66 iter_args(%scan3A_122 = %select_n3A_59, %scan3A_123 = %scan3A, %scan3A_124 = %scan3A_60, %scan3A_125 = %scan3A_61, %scan3A_126 = %scan3A_62) -> (i32, i32, i32, i32, i32)  : i32 {
        %eq3A_127 = arith.constant 0 : i32
        %eq3A_128 = arith.cmpi eq, %scan3A_121, %eq3A_127 : i32
        %eq3A_129 = arith.constant 3 : i32
        %eq3A_130 = arith.cmpi eq, %scan3A_121, %eq3A_129 : i32
        %add3A_131 = arith.addi %scan3A_126, %mul3A_6 : i32
        %sub3A_132 = arith.constant 1 : i32
        %sub3A_133 = arith.subi %scan3A_126, %sub3A_132 : i32
        %select_n3A_134 = arith.constant true
        %select_n3A_135 = arith.select %select_n3A_134, %sub3A_133, %scan3A_126 : i32
        %eq3A_136 = arith.constant -1 : i32
        %eq3A_137 = arith.cmpi eq, %select_n3A_135, %eq3A_136 : i32
        %select_n3A_138 = arith.constant 3 : i32
        %select_n3A_139 = arith.select %eq3A_137, %select_n3A_138, %select_n3A_135 : i32
        %add3A_140 = arith.addi %select_n3A_139, %mul3A_6 : i32
        %add3A_141 = arith.constant 1 : i32
        %add3A_142 = arith.addi %scan3A_126, %add3A_141 : i32
        %select_n3A_143 = arith.constant true
        %select_n3A_144 = arith.select %select_n3A_143, %add3A_142, %scan3A_126 : i32
        %eq3A_145 = arith.constant 4 : i32
        %eq3A_146 = arith.cmpi eq, %select_n3A_144, %eq3A_145 : i32
        %select_n3A_147 = arith.constant 0 : i32
        %select_n3A_148 = arith.select %eq3A_146, %select_n3A_147, %select_n3A_144 : i32
        %add3A_149 = arith.addi %select_n3A_148, %mul3A_6 : i32
        %add3A_150 = arith.constant 1 : i32
        %add3A_151 = arith.addi %select_n3A_148, %add3A_150 : i32
        %select_n3A_152 = arith.constant true
        %select_n3A_153 = arith.select %select_n3A_152, %add3A_151, %select_n3A_148 : i32
        %eq3A_154 = arith.constant 4 : i32
        %eq3A_155 = arith.cmpi eq, %select_n3A_153, %eq3A_154 : i32
        %select_n3A_156 = arith.constant 0 : i32
        %select_n3A_157 = arith.select %eq3A_155, %select_n3A_156, %select_n3A_153 : i32
        %add3A_158 = arith.addi %select_n3A_157, %mul3A_6 : i32
        %ne3A = arith.cmpi ne, %add3A_131, %add3A_149 : i32
        %or3A = arith.constant false
        %or3A_159 = arith.ori %or3A, %ne3A : i1
        %ge3A = arith.constant 3 : i32
        %ge3A_160 = arith.cmpi sge, %scan3A_121, %ge3A : i32
        %not3A = arith.constant true
        %not3A_161 = arith.xori %ge3A_160, %not3A : i1
        %and3A = arith.andi %or3A_159, %not3A_161 : i1
        %convert_element_type3A = arith.extui %and3A : i1 to i32
        %cond3A = arith.constant 0 : i32
        %cond3A_162 = arith.cmpi ne, %convert_element_type3A, %cond3A : i32
        scf.if %cond3A_162 {
          "tpu.trace_start"() <{level = 10 : i32, message = "ep_copy_in"}> : () -> ()
          %rem3A_264 = arith.constant 2 : i32
          %rem3A_265 = arith.remui %scan3A_122, %rem3A_264 : i32
          %mul3A_266 = arith.constant 128 : i32
          %mul3A_267 = arith.muli %mul3A_266, %add3A_149 : i32
          %dma_start3A_268 = arith.constant 0 : i32
          %dma_start3A_269 = arith.constant 0 : i32
          %dma_start3A_270 = tpu.memref_slice %run_scoped3A[%rem3A_265, %dma_start3A_268, %dma_start3A_269] : memref<2x1x128xi32, #tpu.memory_space<vmem>> -> memref<1x1x128xi32, #tpu.memory_space<vmem>>
          %dma_start3A_271 = tpu.memref_squeeze %dma_start3A_270 : memref<1x1x128xi32, #tpu.memory_space<vmem>> -> memref<1x128xi32, #tpu.memory_space<vmem>>
          %dma_start3A_272 = arith.constant 0 : i32
          %dma_start3A_273 = tpu.memref_slice %arg3[%dma_start3A_272, %mul3A_267] : memref<1x16384xi32, #tpu.memory_space<hbm>> -> memref<1x128xi32, #tpu.memory_space<hbm>>
          %dma_start3A_274 = tpu.memref_slice %run_scoped3A_7[%rem3A_265] : memref<2x!tpu.dma_semaphore, #tpu.memory_space<semaphore_mem>> -> memref<1x!tpu.dma_semaphore, #tpu.memory_space<semaphore_mem>>
          %dma_start3A_275 = tpu.memref_squeeze %dma_start3A_274 : memref<1x!tpu.dma_semaphore, #tpu.memory_space<semaphore_mem>> -> memref<!tpu.dma_semaphore, #tpu.memory_space<semaphore_mem>>
          %dma_start3A_276 = arith.constant 0 : i32
          %dma_start3A_277 = arith.constant 0 : i32
          %dma_start3A_278 = tpu.memref_slice %run_scoped3A[%rem3A_265, %dma_start3A_276, %dma_start3A_277] : memref<2x1x128xi32, #tpu.memory_space<vmem>> -> memref<1x1x128xi32, #tpu.memory_space<vmem>>
          %dma_start3A_279 = tpu.memref_squeeze %dma_start3A_278 : memref<1x1x128xi32, #tpu.memory_space<vmem>> -> memref<1x128xi32, #tpu.memory_space<vmem>>
          %dma_start3A_280 = arith.constant 0 : i32
          %dma_start3A_281 = tpu.memref_slice %arg3[%dma_start3A_280, %mul3A_267] : memref<1x16384xi32, #tpu.memory_space<hbm>> -> memref<1x128xi32, #tpu.memory_space<hbm>>
          tpu.enqueue_dma source(%dma_start3A_281 : memref<1x128xi32, #tpu.memory_space<hbm>>) target(%dma_start3A_279 : memref<1x128xi32, #tpu.memory_space<vmem>>) target_semaphore(%dma_start3A_275 : memref<!tpu.dma_semaphore, #tpu.memory_space<semaphore_mem>>)
          "tpu.trace_stop"() : () -> ()
        } else {
        }
        %and3A_163 = arith.constant true
        %and3A_164 = arith.andi %and3A, %and3A_163 : i1
        %add3A_165 = arith.constant 1 : i32
        %add3A_166 = arith.addi %scan3A_122, %add3A_165 : i32
        %select_n3A_167 = arith.select %and3A_164, %add3A_166, %scan3A_122 : i32
        %ne3A_168 = arith.cmpi ne, %add3A_131, %add3A_149 : i32
        %or3A_169 = arith.constant false
        %or3A_170 = arith.ori %or3A_169, %ne3A_168 : i1
        %or3A_171 = arith.constant false
        %or3A_172 = arith.ori %or3A_170, %or3A_171 : i1
        %ge3A_173 = arith.constant 3 : i32
        %ge3A_174 = arith.cmpi sge, %scan3A_121, %ge3A_173 : i32
        %not3A_175 = arith.constant true
        %not3A_176 = arith.xori %ge3A_174, %not3A_175 : i1
        %and3A_177 = arith.andi %or3A_172, %not3A_176 : i1
        %ne3A_178 = arith.cmpi ne, %add3A_131, %add3A_140 : i32
        %or3A_179 = arith.constant false
        %or3A_180 = arith.ori %or3A_179, %ne3A_178 : i1
        %or3A_181 = arith.ori %or3A_180, %eq3A_128 : i1
        %convert_element_type3A_182 = arith.extui %or3A_181 : i1 to i32
        %cond3A_183 = arith.constant 0 : i32
        %cond3A_184 = arith.cmpi ne, %convert_element_type3A_182, %cond3A_183 : i32
        scf.if %cond3A_184 {
          "tpu.trace_start"() <{level = 10 : i32, message = "ep_wait_in"}> : () -> ()
          %mul3A_264 = arith.constant 128 : i32
          %mul3A_265 = arith.muli %mul3A_264, %add3A_131 : i32
          %rem3A_266 = arith.constant 2 : i32
          %rem3A_267 = arith.remui %scan3A_123, %rem3A_266 : i32
          %dma_wait3A_268 = arith.constant 0 : i32
          %dma_wait3A_269 = arith.constant 0 : i32
          %dma_wait3A_270 = tpu.memref_slice %run_scoped3A[%rem3A_267, %dma_wait3A_268, %dma_wait3A_269] : memref<2x1x128xi32, #tpu.memory_space<vmem>> -> memref<1x1x128xi32, #tpu.memory_space<vmem>>
          %dma_wait3A_271 = tpu.memref_squeeze %dma_wait3A_270 : memref<1x1x128xi32, #tpu.memory_space<vmem>> -> memref<1x128xi32, #tpu.memory_space<vmem>>
          %dma_wait3A_272 = arith.constant 0 : i32
          %dma_wait3A_273 = tpu.memref_slice %arg3[%dma_wait3A_272, %mul3A_265] : memref<1x16384xi32, #tpu.memory_space<hbm>> -> memref<1x128xi32, #tpu.memory_space<hbm>>
          %dma_wait3A_274 = tpu.memref_slice %run_scoped3A_7[%rem3A_267] : memref<2x!tpu.dma_semaphore, #tpu.memory_space<semaphore_mem>> -> memref<1x!tpu.dma_semaphore, #tpu.memory_space<semaphore_mem>>
          %dma_wait3A_275 = tpu.memref_squeeze %dma_wait3A_274 : memref<1x!tpu.dma_semaphore, #tpu.memory_space<semaphore_mem>> -> memref<!tpu.dma_semaphore, #tpu.memory_space<semaphore_mem>>
          %dma_wait3A_276 = arith.constant 0 : i32
          %dma_wait3A_277 = arith.constant 0 : i32
          %dma_wait3A_278 = tpu.memref_slice %run_scoped3A[%rem3A_267, %dma_wait3A_276, %dma_wait3A_277] : memref<2x1x128xi32, #tpu.memory_space<vmem>> -> memref<1x1x128xi32, #tpu.memory_space<vmem>>
          %dma_wait3A_279 = tpu.memref_squeeze %dma_wait3A_278 : memref<1x1x128xi32, #tpu.memory_space<vmem>> -> memref<1x128xi32, #tpu.memory_space<vmem>>
          %dma_wait3A_280 = arith.constant 0 : i32
          %dma_wait3A_281 = tpu.memref_slice %arg3[%dma_wait3A_280, %mul3A_265] : memref<1x16384xi32, #tpu.memory_space<hbm>> -> memref<1x128xi32, #tpu.memory_space<hbm>>
          tpu.wait_dma2 semaphore(%dma_wait3A_275 : memref<!tpu.dma_semaphore, #tpu.memory_space<semaphore_mem>>) src(%dma_wait3A_281 : memref<1x128xi32, #tpu.memory_space<hbm>>) dst(%dma_wait3A_279 : memref<1x128xi32, #tpu.memory_space<vmem>>)
          "tpu.trace_stop"() : () -> ()
        } else {
        }
        %ne3A_185 = arith.cmpi ne, %add3A_131, %add3A_140 : i32
        %or3A_186 = arith.constant false
        %or3A_187 = arith.ori %or3A_186, %ne3A_185 : i1
        %or3A_188 = arith.constant false
        %or3A_189 = arith.ori %or3A_187, %or3A_188 : i1
        %or3A_190 = arith.ori %or3A_189, %eq3A_128 : i1
        %convert_element_type3A_191 = arith.extui %or3A_190 : i1 to i32
        %cond3A_192 = arith.constant 0 : i32
        %cond3A_193 = arith.cmpi ne, %convert_element_type3A_191, %cond3A_192 : i32
        scf.if %cond3A_193 {
        } else {
        }
        %rem3A_194 = arith.constant 2 : i32
        %rem3A_195 = arith.remui %scan3A_123, %rem3A_194 : i32
        %rem3A_196 = arith.constant 2 : i32
        %rem3A_197 = arith.remui %scan3A_124, %rem3A_196 : i32
        %run_scoped3A_198 = arith.constant 0 : i32
        "tpu.trace_start"() <{level = 10 : i32, message = "ep_run_kernel"}> : () -> ()
        "tpu.region"() ({
          %run_scoped3A_264 = tpu.sem_alloc : memref<!tpu.dma_semaphore, #tpu.memory_space<semaphore_mem>>
          %dma_start3A_265 = arith.constant 0 : i32
          %dma_start3A_266 = arith.constant 0 : i32
          %dma_start3A_267 = tpu.memref_slice %run_scoped3A_8[%rem3A_197, %dma_start3A_265, %dma_start3A_266] : memref<2x128x256xf32, #tpu.memory_space<vmem>> -> memref<1x128x256xf32, #tpu.memory_space<vmem>>
          %dma_start3A_268 = tpu.memref_squeeze %dma_start3A_267 : memref<1x128x256xf32, #tpu.memory_space<vmem>> -> memref<128x256xf32, #tpu.memory_space<vmem>>
          %dma_start3A_269 = arith.constant 0 : i32
          %dma_start3A_270 = arith.constant 0 : i32
          %dma_start3A_271 = tpu.memref_slice %run_scoped3A[%rem3A_195, %dma_start3A_269, %dma_start3A_270] : memref<2x1x128xi32, #tpu.memory_space<vmem>> -> memref<1x1x128xi32, #tpu.memory_space<vmem>>
          %dma_start3A_272 = tpu.memref_squeeze %dma_start3A_271 : memref<1x1x128xi32, #tpu.memory_space<vmem>> -> memref<1x128xi32, #tpu.memory_space<vmem>>
          %dma_start3A_273 = arith.constant 0 : i32
          %dma_start3A_274 = tpu.memref_slice %dma_start3A_272[%run_scoped3A_198, %dma_start3A_273] : memref<1x128xi32, #tpu.memory_space<vmem>> -> memref<1x128xi32, #tpu.memory_space<vmem>>
          %dma_start3A_275 = tpu.memref_squeeze %dma_start3A_274 : memref<1x128xi32, #tpu.memory_space<vmem>> -> memref<128xi32, #tpu.memory_space<vmem>>
          %dma_start3A_276 = arith.constant 0 : i32
          %dma_start3A_277 = arith.constant 0 : i32
          %dma_start3A_278 = tpu.memref_slice %arg2[%dma_start3A_276, %dma_start3A_277] : memref<24576x256xf32, #tpu.memory_space<hbm>> -> memref<24576x256xf32, #tpu.memory_space<hbm>>
          tpu.enqueue_indirect_dma source(%dma_start3A_278 : memref<24576x256xf32, #tpu.memory_space<hbm>>) target(%dma_start3A_268 : memref<128x256xf32, #tpu.memory_space<vmem>>) offsets(%dma_start3A_275 : memref<128xi32, #tpu.memory_space<vmem>>) semaphore(%run_scoped3A_264 : memref<!tpu.dma_semaphore, #tpu.memory_space<semaphore_mem>>)
          %dma_wait3A_279 = arith.constant 0 : i32
          %dma_wait3A_280 = arith.constant 0 : i32
          %dma_wait3A_281 = tpu.memref_slice %run_scoped3A_8[%rem3A_197, %dma_wait3A_279, %dma_wait3A_280] : memref<2x128x256xf32, #tpu.memory_space<vmem>> -> memref<1x128x256xf32, #tpu.memory_space<vmem>>
          %dma_wait3A_282 = tpu.memref_squeeze %dma_wait3A_281 : memref<1x128x256xf32, #tpu.memory_space<vmem>> -> memref<128x256xf32, #tpu.memory_space<vmem>>
          %dma_wait3A_283 = arith.constant 0 : i32
          %dma_wait3A_284 = arith.constant 0 : i32
          %dma_wait3A_285 = tpu.memref_slice %run_scoped3A[%rem3A_195, %dma_wait3A_283, %dma_wait3A_284] : memref<2x1x128xi32, #tpu.memory_space<vmem>> -> memref<1x1x128xi32, #tpu.memory_space<vmem>>
          %dma_wait3A_286 = tpu.memref_squeeze %dma_wait3A_285 : memref<1x1x128xi32, #tpu.memory_space<vmem>> -> memref<1x128xi32, #tpu.memory_space<vmem>>
          %dma_wait3A_287 = arith.constant 0 : i32
          %dma_wait3A_288 = tpu.memref_slice %dma_wait3A_286[%run_scoped3A_198, %dma_wait3A_287] : memref<1x128xi32, #tpu.memory_space<vmem>> -> memref<1x128xi32, #tpu.memory_space<vmem>>
          %dma_wait3A_289 = tpu.memref_squeeze %dma_wait3A_288 : memref<1x128xi32, #tpu.memory_space<vmem>> -> memref<128xi32, #tpu.memory_space<vmem>>
          %dma_wait3A_290 = arith.constant 0 : i32
          %dma_wait3A_291 = arith.constant 0 : i32
          %dma_wait3A_292 = tpu.memref_slice %arg2[%dma_wait3A_290, %dma_wait3A_291] : memref<24576x256xf32, #tpu.memory_space<hbm>> -> memref<24576x256xf32, #tpu.memory_space<hbm>>
          tpu.wait_indirect_dma semaphore(%run_scoped3A_264 : memref<!tpu.dma_semaphore, #tpu.memory_space<semaphore_mem>>) src(%dma_wait3A_292 : memref<24576x256xf32, #tpu.memory_space<hbm>>) dst(%dma_wait3A_282 : memref<128x256xf32, #tpu.memory_space<vmem>>)
          tpu.yield
        }) : () -> ()
        "tpu.trace_stop"() : () -> ()
        %ne3A_199 = arith.cmpi ne, %add3A_131, %add3A_149 : i32
        %or3A_200 = arith.constant false
        %or3A_201 = arith.ori %or3A_200, %ne3A_199 : i1
        %or3A_202 = arith.ori %or3A_201, %eq3A_130 : i1
        %convert_element_type3A_203 = arith.extui %or3A_202 : i1 to i32
        %cond3A_204 = arith.constant 0 : i32
        %cond3A_205 = arith.cmpi ne, %convert_element_type3A_203, %cond3A_204 : i32
        scf.if %cond3A_205 {
        } else {
        }
        %and3A_206 = arith.constant false
        %and3A_207 = arith.andi %or3A_202, %and3A_206 : i1
        %ne3A_208 = arith.cmpi ne, %add3A_131, %add3A_149 : i32
        %or3A_209 = arith.constant false
        %or3A_210 = arith.ori %or3A_209, %ne3A_208 : i1
        %or3A_211 = arith.constant false
        %or3A_212 = arith.ori %or3A_210, %or3A_211 : i1
        %or3A_213 = arith.ori %or3A_212, %eq3A_130 : i1
        %convert_element_type3A_214 = arith.extui %or3A_213 : i1 to i32
        %cond3A_215 = arith.constant 0 : i32
        %cond3A_216 = arith.cmpi ne, %convert_element_type3A_214, %cond3A_215 : i32
        scf.if %cond3A_216 {
          "tpu.trace_start"() <{level = 10 : i32, message = "ep_copy_out"}> : () -> ()
          %rem3A_264 = arith.constant 2 : i32
          %rem3A_265 = arith.remui %scan3A_124, %rem3A_264 : i32
          %mul3A_266 = arith.constant 128 : i32
          %mul3A_267 = arith.muli %mul3A_266, %add3A_131 : i32
          %dma_start3A_268 = arith.constant 0 : i32
          %dma_start3A_269 = arith.constant 0 : i32
          %dma_start3A_270 = tpu.memref_slice %run_scoped3A_8[%rem3A_265, %dma_start3A_268, %dma_start3A_269] : memref<2x128x256xf32, #tpu.memory_space<vmem>> -> memref<1x128x256xf32, #tpu.memory_space<vmem>>
          %dma_start3A_271 = tpu.memref_squeeze %dma_start3A_270 : memref<1x128x256xf32, #tpu.memory_space<vmem>> -> memref<128x256xf32, #tpu.memory_space<vmem>>
          %dma_start3A_272 = arith.constant 0 : i32
          %dma_start3A_273 = tpu.memref_slice %arg4[%mul3A_267, %dma_start3A_272] : memref<16384x256xf32, #tpu.memory_space<hbm>> -> memref<128x256xf32, #tpu.memory_space<hbm>>
          %dma_start3A_274 = tpu.memref_slice %run_scoped3A_9[%rem3A_265] : memref<2x!tpu.dma_semaphore, #tpu.memory_space<semaphore_mem>> -> memref<1x!tpu.dma_semaphore, #tpu.memory_space<semaphore_mem>>
          %dma_start3A_275 = tpu.memref_squeeze %dma_start3A_274 : memref<1x!tpu.dma_semaphore, #tpu.memory_space<semaphore_mem>> -> memref<!tpu.dma_semaphore, #tpu.memory_space<semaphore_mem>>
          %dma_start3A_276 = arith.constant 0 : i32
          %dma_start3A_277 = tpu.memref_slice %arg4[%mul3A_267, %dma_start3A_276] : memref<16384x256xf32, #tpu.memory_space<hbm>> -> memref<128x256xf32, #tpu.memory_space<hbm>>
          %dma_start3A_278 = arith.constant 0 : i32
          %dma_start3A_279 = arith.constant 0 : i32
          %dma_start3A_280 = tpu.memref_slice %run_scoped3A_8[%rem3A_265, %dma_start3A_278, %dma_start3A_279] : memref<2x128x256xf32, #tpu.memory_space<vmem>> -> memref<1x128x256xf32, #tpu.memory_space<vmem>>
          %dma_start3A_281 = tpu.memref_squeeze %dma_start3A_280 : memref<1x128x256xf32, #tpu.memory_space<vmem>> -> memref<128x256xf32, #tpu.memory_space<vmem>>
          tpu.enqueue_dma source(%dma_start3A_281 : memref<128x256xf32, #tpu.memory_space<vmem>>) target(%dma_start3A_277 : memref<128x256xf32, #tpu.memory_space<hbm>>) target_semaphore(%dma_start3A_275 : memref<!tpu.dma_semaphore, #tpu.memory_space<semaphore_mem>>)
          "tpu.trace_stop"() : () -> ()
        } else {
        }
        %and3A_217 = arith.constant true
        %and3A_218 = arith.andi %or3A_213, %and3A_217 : i1
        %add3A_219 = arith.constant 1 : i32
        %add3A_220 = arith.addi %scan3A_124, %add3A_219 : i32
        %select_n3A_221 = arith.select %and3A_218, %add3A_220, %scan3A_124 : i32
        %ne3A_222 = arith.cmpi ne, %add3A_131, %add3A_140 : i32
        %or3A_223 = arith.constant false
        %or3A_224 = arith.ori %or3A_223, %ne3A_222 : i1
        %not3A_225 = arith.constant true
        %not3A_226 = arith.xori %eq3A_128, %not3A_225 : i1
        %and3A_227 = arith.andi %or3A_224, %not3A_226 : i1
        %convert_element_type3A_228 = arith.extui %and3A_227 : i1 to i32
        %cond3A_229 = arith.constant 0 : i32
        %cond3A_230 = arith.cmpi ne, %convert_element_type3A_228, %cond3A_229 : i32
        scf.if %cond3A_230 {
        } else {
        }
        %and3A_231 = arith.constant false
        %and3A_232 = arith.andi %and3A_227, %and3A_231 : i1
        %ne3A_233 = arith.cmpi ne, %add3A_131, %add3A_140 : i32
        %or3A_234 = arith.constant false
        %or3A_235 = arith.ori %or3A_234, %ne3A_233 : i1
        %or3A_236 = arith.constant false
        %or3A_237 = arith.ori %or3A_235, %or3A_236 : i1
        %not3A_238 = arith.constant true
        %not3A_239 = arith.xori %eq3A_128, %not3A_238 : i1
        %and3A_240 = arith.andi %or3A_237, %not3A_239 : i1
        %convert_element_type3A_241 = arith.extui %and3A_240 : i1 to i32
        %cond3A_242 = arith.constant 0 : i32
        %cond3A_243 = arith.cmpi ne, %convert_element_type3A_241, %cond3A_242 : i32
        scf.if %cond3A_243 {
          "tpu.trace_start"() <{level = 10 : i32, message = "ep_wait_out"}> : () -> ()
          %rem3A_264 = arith.constant 2 : i32
          %rem3A_265 = arith.remui %scan3A_125, %rem3A_264 : i32
          %mul3A_266 = arith.constant 128 : i32
          %mul3A_267 = arith.muli %mul3A_266, %add3A_140 : i32
          %dma_wait3A_268 = arith.constant 0 : i32
          %dma_wait3A_269 = arith.constant 0 : i32
          %dma_wait3A_270 = tpu.memref_slice %run_scoped3A_8[%rem3A_265, %dma_wait3A_268, %dma_wait3A_269] : memref<2x128x256xf32, #tpu.memory_space<vmem>> -> memref<1x128x256xf32, #tpu.memory_space<vmem>>
          %dma_wait3A_271 = tpu.memref_squeeze %dma_wait3A_270 : memref<1x128x256xf32, #tpu.memory_space<vmem>> -> memref<128x256xf32, #tpu.memory_space<vmem>>
          %dma_wait3A_272 = arith.constant 0 : i32
          %dma_wait3A_273 = tpu.memref_slice %arg4[%mul3A_267, %dma_wait3A_272] : memref<16384x256xf32, #tpu.memory_space<hbm>> -> memref<128x256xf32, #tpu.memory_space<hbm>>
          %dma_wait3A_274 = tpu.memref_slice %run_scoped3A_9[%rem3A_265] : memref<2x!tpu.dma_semaphore, #tpu.memory_space<semaphore_mem>> -> memref<1x!tpu.dma_semaphore, #tpu.memory_space<semaphore_mem>>
          %dma_wait3A_275 = tpu.memref_squeeze %dma_wait3A_274 : memref<1x!tpu.dma_semaphore, #tpu.memory_space<semaphore_mem>> -> memref<!tpu.dma_semaphore, #tpu.memory_space<semaphore_mem>>
          %dma_wait3A_276 = arith.constant 0 : i32
          %dma_wait3A_277 = tpu.memref_slice %arg4[%mul3A_267, %dma_wait3A_276] : memref<16384x256xf32, #tpu.memory_space<hbm>> -> memref<128x256xf32, #tpu.memory_space<hbm>>
          %dma_wait3A_278 = arith.constant 0 : i32
          %dma_wait3A_279 = arith.constant 0 : i32
          %dma_wait3A_280 = tpu.memref_slice %run_scoped3A_8[%rem3A_265, %dma_wait3A_278, %dma_wait3A_279] : memref<2x128x256xf32, #tpu.memory_space<vmem>> -> memref<1x128x256xf32, #tpu.memory_space<vmem>>
          %dma_wait3A_281 = tpu.memref_squeeze %dma_wait3A_280 : memref<1x128x256xf32, #tpu.memory_space<vmem>> -> memref<128x256xf32, #tpu.memory_space<vmem>>
          tpu.wait_dma2 semaphore(%dma_wait3A_275 : memref<!tpu.dma_semaphore, #tpu.memory_space<semaphore_mem>>) src(%dma_wait3A_281 : memref<128x256xf32, #tpu.memory_space<vmem>>) dst(%dma_wait3A_277 : memref<128x256xf32, #tpu.memory_space<hbm>>)
          "tpu.trace_stop"() : () -> ()
        } else {
        }
        %and3A_244 = arith.constant true
        %and3A_245 = arith.andi %and3A_240, %and3A_244 : i1
        %add3A_246 = arith.constant 1 : i32
        %add3A_247 = arith.addi %scan3A_125, %add3A_246 : i32
        %select_n3A_248 = arith.select %and3A_245, %add3A_247, %scan3A_125 : i32
        %ne3A_249 = arith.cmpi ne, %add3A_131, %add3A_149 : i32
        %or3A_250 = arith.constant false
        %or3A_251 = arith.ori %or3A_250, %ne3A_249 : i1
        %or3A_252 = arith.ori %or3A_251, %eq3A_130 : i1
        %add3A_253 = arith.constant 1 : i32
        %add3A_254 = arith.addi %scan3A_123, %add3A_253 : i32
        %select_n3A_255 = arith.select %or3A_252, %add3A_254, %scan3A_123 : i32
        %add3A_256 = arith.constant 1 : i32
        %add3A_257 = arith.addi %scan3A_126, %add3A_256 : i32
        %select_n3A_258 = arith.constant true
        %select_n3A_259 = arith.select %select_n3A_258, %add3A_257, %scan3A_126 : i32
        %eq3A_260 = arith.constant 4 : i32
        %eq3A_261 = arith.cmpi eq, %select_n3A_259, %eq3A_260 : i32
        %select_n3A_262 = arith.constant 0 : i32
        %select_n3A_263 = arith.select %eq3A_261, %select_n3A_262, %select_n3A_259 : i32
        scf.yield %select_n3A_167, %select_n3A_255, %select_n3A_221, %select_n3A_248, %select_n3A_263 : i32, i32, i32, i32, i32
      }
      %scan3A_68 = arith.constant 4 : i32
      %sub3A = arith.constant 1 : i32
      %sub3A_69 = arith.subi %scan3A_67#4, %sub3A : i32
      %select_n3A_70 = arith.constant true
      %select_n3A_71 = arith.select %select_n3A_70, %sub3A_69, %scan3A_67#4 : i32
      %eq3A_72 = arith.constant -1 : i32
      %eq3A_73 = arith.cmpi eq, %select_n3A_71, %eq3A_72 : i32
      %select_n3A_74 = arith.constant 3 : i32
      %select_n3A_75 = arith.select %eq3A_73, %select_n3A_74, %select_n3A_71 : i32
      %add3A_76 = arith.addi %select_n3A_75, %mul3A_6 : i32
      %sub3A_77 = arith.constant 1 : i32
      %sub3A_78 = arith.subi %select_n3A_75, %sub3A_77 : i32
      %select_n3A_79 = arith.constant true
      %select_n3A_80 = arith.select %select_n3A_79, %sub3A_78, %select_n3A_75 : i32
      %eq3A_81 = arith.constant -1 : i32
      %eq3A_82 = arith.cmpi eq, %select_n3A_80, %eq3A_81 : i32
      %select_n3A_83 = arith.constant 3 : i32
      %select_n3A_84 = arith.select %eq3A_82, %select_n3A_83, %select_n3A_80 : i32
      %add3A_85 = arith.addi %select_n3A_84, %mul3A_6 : i32
      %add3A_86 = arith.constant 1 : i32
      %add3A_87 = arith.addi %select_n3A_75, %add3A_86 : i32
      %select_n3A_88 = arith.constant true
      %select_n3A_89 = arith.select %select_n3A_88, %add3A_87, %select_n3A_75 : i32
      %eq3A_90 = arith.constant 4 : i32
      %eq3A_91 = arith.cmpi eq, %select_n3A_89, %eq3A_90 : i32
      %select_n3A_92 = arith.constant 0 : i32
      %select_n3A_93 = arith.select %eq3A_91, %select_n3A_92, %select_n3A_89 : i32
      %add3A_94 = arith.addi %select_n3A_93, %mul3A_6 : i32
      %add3A_95 = arith.constant 1 : i32
      %add3A_96 = arith.addi %select_n3A_93, %add3A_95 : i32
      %select_n3A_97 = arith.constant true
      %select_n3A_98 = arith.select %select_n3A_97, %add3A_96, %select_n3A_93 : i32
      %eq3A_99 = arith.constant 4 : i32
      %eq3A_100 = arith.cmpi eq, %select_n3A_98, %eq3A_99 : i32
      %select_n3A_101 = arith.constant 0 : i32
      %select_n3A_102 = arith.select %eq3A_100, %select_n3A_101, %select_n3A_98 : i32
      %add3A_103 = arith.addi %select_n3A_102, %mul3A_6 : i32
      "tpu.trace_start"() <{level = 10 : i32, message = "ep_finalize"}> : () -> ()
      %rem3A_104 = arith.constant 2 : i32
      %rem3A_105 = arith.remui %scan3A_67#3, %rem3A_104 : i32
      %mul3A_106 = arith.constant 128 : i32
      %mul3A_107 = arith.muli %mul3A_106, %add3A_76 : i32
      %dma_wait3A = arith.constant 0 : i32
      %dma_wait3A_108 = arith.constant 0 : i32
      %dma_wait3A_109 = tpu.memref_slice %run_scoped3A_8[%rem3A_105, %dma_wait3A, %dma_wait3A_108] : memref<2x128x256xf32, #tpu.memory_space<vmem>> -> memref<1x128x256xf32, #tpu.memory_space<vmem>>
      %dma_wait3A_110 = tpu.memref_squeeze %dma_wait3A_109 : memref<1x128x256xf32, #tpu.memory_space<vmem>> -> memref<128x256xf32, #tpu.memory_space<vmem>>
      %dma_wait3A_111 = arith.constant 0 : i32
      %dma_wait3A_112 = tpu.memref_slice %arg4[%mul3A_107, %dma_wait3A_111] : memref<16384x256xf32, #tpu.memory_space<hbm>> -> memref<128x256xf32, #tpu.memory_space<hbm>>
      %dma_wait3A_113 = tpu.memref_slice %run_scoped3A_9[%rem3A_105] : memref<2x!tpu.dma_semaphore, #tpu.memory_space<semaphore_mem>> -> memref<1x!tpu.dma_semaphore, #tpu.memory_space<semaphore_mem>>
      %dma_wait3A_114 = tpu.memref_squeeze %dma_wait3A_113 : memref<1x!tpu.dma_semaphore, #tpu.memory_space<semaphore_mem>> -> memref<!tpu.dma_semaphore, #tpu.memory_space<semaphore_mem>>
      %dma_wait3A_115 = arith.constant 0 : i32
      %dma_wait3A_116 = tpu.memref_slice %arg4[%mul3A_107, %dma_wait3A_115] : memref<16384x256xf32, #tpu.memory_space<hbm>> -> memref<128x256xf32, #tpu.memory_space<hbm>>
      %dma_wait3A_117 = arith.constant 0 : i32
      %dma_wait3A_118 = arith.constant 0 : i32
      %dma_wait3A_119 = tpu.memref_slice %run_scoped3A_8[%rem3A_105, %dma_wait3A_117, %dma_wait3A_118] : memref<2x128x256xf32, #tpu.memory_space<vmem>> -> memref<1x128x256xf32, #tpu.memory_space<vmem>>
      %dma_wait3A_120 = tpu.memref_squeeze %dma_wait3A_119 : memref<1x128x256xf32, #tpu.memory_space<vmem>> -> memref<128x256xf32, #tpu.memory_space<vmem>>
      tpu.wait_dma2 semaphore(%dma_wait3A_114 : memref<!tpu.dma_semaphore, #tpu.memory_space<semaphore_mem>>) src(%dma_wait3A_120 : memref<128x256xf32, #tpu.memory_space<vmem>>) dst(%dma_wait3A_116 : memref<128x256xf32, #tpu.memory_space<hbm>>)
      "tpu.trace_stop"() : () -> ()
      tpu.yield
    }) : () -> ()
    return
  }
}

#map = affine_map<(d0, d1) -> (0, 0)>
module attributes {stable_mosaic.version = 14 : i64} {
  func.func @k(%arg0: i32, %arg1: i32, %arg2: memref<8192x256xf32, #tpu.memory_space<hbm>>, %arg3: memref<1x16384xi32, #tpu.memory_space<hbm>>, %arg4: memref<24576x256xf32, #tpu.memory_space<hbm>>) attributes {dimension_semantics = [#tpu.dimension_semantics<core_parallel>, #tpu.dimension_semantics<subcore_parallel>], iteration_bounds = array<i64: 2, 16>, scalar_prefetch = 0 : i64, scratch_operands = 0 : i64, tpu.core_type = #tpu.core_type<sc_vector_subcore>, window_params = [{transform_indices = #map}, {transform_indices = #map}, {transform_indices = #map}]} {
    %mul3A = arith.constant 1 : i32
    %mul3A_0 = arith.muli %arg1, %mul3A : i32
    %add3A = arith.constant 0 : i32
    %add3A_1 = arith.addi %add3A, %mul3A_0 : i32
    %mul3A_2 = arith.constant 16 : i32
    %mul3A_3 = arith.muli %arg0, %mul3A_2 : i32
    %add3A_4 = arith.addi %add3A_1, %mul3A_3 : i32
    %mul3A_5 = arith.constant 4 : i32
    %mul3A_6 = arith.muli %add3A_4, %mul3A_5 : i32
    "tpu.region"() ({
      %run_scoped3A = memref.alloca() : memref<2x128x256xf32, #tpu.memory_space<vmem>>
      %run_scoped3A_7 = tpu.sem_alloc : memref<2x!tpu.dma_semaphore, #tpu.memory_space<semaphore_mem>>
      %run_scoped3A_8 = memref.alloca() : memref<2x1x128xi32, #tpu.memory_space<vmem>>
      %run_scoped3A_9 = tpu.sem_alloc : memref<2x!tpu.dma_semaphore, #tpu.memory_space<semaphore_mem>>
      %add3A_10 = arith.constant 0 : i32
      %add3A_11 = arith.addi %add3A_10, %mul3A_6 : i32
      %select_n3A = arith.constant true
      %select_n3A_12 = arith.constant 0 : i32
      %select_n3A_13 = arith.constant -1 : i32
      %select_n3A_14 = arith.select %select_n3A, %select_n3A_13, %select_n3A_12 : i32
      %eq3A = arith.constant -1 : i32
      %eq3A_15 = arith.cmpi eq, %select_n3A_14, %eq3A : i32
      %select_n3A_16 = arith.constant 3 : i32
      %select_n3A_17 = arith.select %eq3A_15, %select_n3A_16, %select_n3A_14 : i32
      %add3A_18 = arith.addi %select_n3A_17, %mul3A_6 : i32
      %select_n3A_19 = arith.constant true
      %select_n3A_20 = arith.constant 0 : i32
      %select_n3A_21 = arith.constant 1 : i32
      %select_n3A_22 = arith.select %select_n3A_19, %select_n3A_21, %select_n3A_20 : i32
      %eq3A_23 = arith.constant 4 : i32
      %eq3A_24 = arith.cmpi eq, %select_n3A_22, %eq3A_23 : i32
      %select_n3A_25 = arith.constant 0 : i32
      %select_n3A_26 = arith.select %eq3A_24, %select_n3A_25, %select_n3A_22 : i32
      %add3A_27 = arith.addi %select_n3A_26, %mul3A_6 : i32
      %add3A_28 = arith.constant 1 : i32
      %add3A_29 = arith.addi %select_n3A_26, %add3A_28 : i32
      %select_n3A_30 = arith.constant true
      %select_n3A_31 = arith.select %select_n3A_30, %add3A_29, %select_n3A_26 : i32
      %eq3A_32 = arith.constant 4 : i32
      %eq3A_33 = arith.cmpi eq, %select_n3A_31, %eq3A_32 : i32
      %select_n3A_34 = arith.constant 0 : i32
      %select_n3A_35 = arith.select %eq3A_33, %select_n3A_34, %select_n3A_31 : i32
      %add3A_36 = arith.addi %select_n3A_35, %mul3A_6 : i32
      "tpu.trace_start"() <{level = 10 : i32, message = "ep_initialize_0"}> : () -> ()
      %rem3A = arith.constant 0 : i32
      %rem3A_37 = arith.constant 2 : i32
      %rem3A_38 = arith.remui %rem3A, %rem3A_37 : i32
      %jit3A = arith.constant 64 : i32
      %eq3A_39 = arith.constant 0 : i32
      %eq3A_40 = arith.cmpi eq, %jit3A, %eq3A_39 : i32
      %jit3A_41 = arith.constant 1 : i32
      %select_n3A_42 = arith.select %eq3A_40, %jit3A_41, %jit3A : i32
      %rem3A_43 = arith.remsi %add3A_11, %select_n3A_42 : i32
      %ne3A = arith.constant 0 : i32
      %ne3A_44 = arith.cmpi ne, %rem3A_43, %ne3A : i32
      %lt3A = arith.constant 0 : i32
      %lt3A_45 = arith.cmpi slt, %rem3A_43, %lt3A : i32
      %lt3A_46 = arith.constant 0 : i32
      %lt3A_47 = arith.cmpi slt, %select_n3A_42, %lt3A_46 : i32
      %ne3A_48 = arith.xori %lt3A_45, %lt3A_47 : i1
      %and3A = arith.andi %ne3A_48, %ne3A_44 : i1
      %add3A_49 = arith.addi %rem3A_43, %select_n3A_42 : i32
      %select_n3A_50 = arith.select %and3A, %add3A_49, %rem3A_43 : i32
      %mul3A_51 = arith.constant 128 : i32
      %mul3A_52 = arith.muli %mul3A_51, %select_n3A_50 : i32
      %dma_start3A = arith.constant 0 : i32
      %dma_start3A_53 = arith.constant 0 : i32
      %dma_start3A_54 = tpu.memref_slice %run_scoped3A[%rem3A_38, %dma_start3A, %dma_start3A_53] : memref<2x128x256xf32, #tpu.memory_space<vmem>> -> memref<1x128x256xf32, #tpu.memory_space<vmem>>
      %dma_start3A_55 = tpu.memref_squeeze %dma_start3A_54 : memref<1x128x256xf32, #tpu.memory_space<vmem>> -> memref<128x256xf32, #tpu.memory_space<vmem>>
      %dma_start3A_56 = arith.constant 0 : i32
      %dma_start3A_57 = tpu.memref_slice %arg2[%mul3A_52, %dma_start3A_56] : memref<8192x256xf32, #tpu.memory_space<hbm>> -> memref<128x256xf32, #tpu.memory_space<hbm>>
      %dma_start3A_58 = tpu.memref_slice %run_scoped3A_7[%rem3A_38] : memref<2x!tpu.dma_semaphore, #tpu.memory_space<semaphore_mem>> -> memref<1x!tpu.dma_semaphore, #tpu.memory_space<semaphore_mem>>
      %dma_start3A_59 = tpu.memref_squeeze %dma_start3A_58 : memref<1x!tpu.dma_semaphore, #tpu.memory_space<semaphore_mem>> -> memref<!tpu.dma_semaphore, #tpu.memory_space<semaphore_mem>>
      %dma_start3A_60 = arith.constant 0 : i32
      %dma_start3A_61 = arith.constant 0 : i32
      %dma_start3A_62 = tpu.memref_slice %run_scoped3A[%rem3A_38, %dma_start3A_60, %dma_start3A_61] : memref<2x128x256xf32, #tpu.memory_space<vmem>> -> memref<1x128x256xf32, #tpu.memory_space<vmem>>
      %dma_start3A_63 = tpu.memref_squeeze %dma_start3A_62 : memref<1x128x256xf32, #tpu.memory_space<vmem>> -> memref<128x256xf32, #tpu.memory_space<vmem>>
      %dma_start3A_64 = arith.constant 0 : i32
      %dma_start3A_65 = tpu.memref_slice %arg2[%mul3A_52, %dma_start3A_64] : memref<8192x256xf32, #tpu.memory_space<hbm>> -> memref<128x256xf32, #tpu.memory_space<hbm>>
      tpu.enqueue_dma source(%dma_start3A_65 : memref<128x256xf32, #tpu.memory_space<hbm>>) target(%dma_start3A_63 : memref<128x256xf32, #tpu.memory_space<vmem>>) target_semaphore(%dma_start3A_59 : memref<!tpu.dma_semaphore, #tpu.memory_space<semaphore_mem>>)
      %add3A_66 = arith.constant 0 : i32
      %add3A_67 = arith.constant 1 : i32
      %add3A_68 = arith.addi %add3A_66, %add3A_67 : i32
      %select_n3A_69 = arith.constant true
      %select_n3A_70 = arith.constant 0 : i32
      %select_n3A_71 = arith.select %select_n3A_69, %add3A_68, %select_n3A_70 : i32
      %rem3A_72 = arith.constant 0 : i32
      %rem3A_73 = arith.constant 2 : i32
      %rem3A_74 = arith.remui %rem3A_72, %rem3A_73 : i32
      %mul3A_75 = arith.constant 128 : i32
      %mul3A_76 = arith.muli %mul3A_75, %add3A_11 : i32
      %dma_start3A_77 = arith.constant 0 : i32
      %dma_start3A_78 = arith.constant 0 : i32
      %dma_start3A_79 = tpu.memref_slice %run_scoped3A_8[%rem3A_74, %dma_start3A_77, %dma_start3A_78] : memref<2x1x128xi32, #tpu.memory_space<vmem>> -> memref<1x1x128xi32, #tpu.memory_space<vmem>>
      %dma_start3A_80 = tpu.memref_squeeze %dma_start3A_79 : memref<1x1x128xi32, #tpu.memory_space<vmem>> -> memref<1x128xi32, #tpu.memory_space<vmem>>
      %dma_start3A_81 = arith.constant 0 : i32
      %dma_start3A_82 = tpu.memref_slice %arg3[%dma_start3A_81, %mul3A_76] : memref<1x16384xi32, #tpu.memory_space<hbm>> -> memref<1x128xi32, #tpu.memory_space<hbm>>
      %dma_start3A_83 = tpu.memref_slice %run_scoped3A_9[%rem3A_74] : memref<2x!tpu.dma_semaphore, #tpu.memory_space<semaphore_mem>> -> memref<1x!tpu.dma_semaphore, #tpu.memory_space<semaphore_mem>>
      %dma_start3A_84 = tpu.memref_squeeze %dma_start3A_83 : memref<1x!tpu.dma_semaphore, #tpu.memory_space<semaphore_mem>> -> memref<!tpu.dma_semaphore, #tpu.memory_space<semaphore_mem>>
      %dma_start3A_85 = arith.constant 0 : i32
      %dma_start3A_86 = arith.constant 0 : i32
      %dma_start3A_87 = tpu.memref_slice %run_scoped3A_8[%rem3A_74, %dma_start3A_85, %dma_start3A_86] : memref<2x1x128xi32, #tpu.memory_space<vmem>> -> memref<1x1x128xi32, #tpu.memory_space<vmem>>
      %dma_start3A_88 = tpu.memref_squeeze %dma_start3A_87 : memref<1x1x128xi32, #tpu.memory_space<vmem>> -> memref<1x128xi32, #tpu.memory_space<vmem>>
      %dma_start3A_89 = arith.constant 0 : i32
      %dma_start3A_90 = tpu.memref_slice %arg3[%dma_start3A_89, %mul3A_76] : memref<1x16384xi32, #tpu.memory_space<hbm>> -> memref<1x128xi32, #tpu.memory_space<hbm>>
      tpu.enqueue_dma source(%dma_start3A_90 : memref<1x128xi32, #tpu.memory_space<hbm>>) target(%dma_start3A_88 : memref<1x128xi32, #tpu.memory_space<vmem>>) target_semaphore(%dma_start3A_84 : memref<!tpu.dma_semaphore, #tpu.memory_space<semaphore_mem>>)
      %add3A_91 = arith.constant 0 : i32
      %add3A_92 = arith.constant 1 : i32
      %add3A_93 = arith.addi %add3A_91, %add3A_92 : i32
      %select_n3A_94 = arith.constant true
      %select_n3A_95 = arith.constant 0 : i32
      %select_n3A_96 = arith.select %select_n3A_94, %add3A_93, %select_n3A_95 : i32
      "tpu.trace_stop"() : () -> ()
      %scan3A = arith.constant 0 : i32
      %scan3A_97 = arith.constant 0 : i32
      %scan3A_98 = arith.constant 0 : i32
      %scan3A_99 = arith.constant 0 : i32
      %scan3A_100 = arith.constant 4 : i32
      %scan3A_101 = arith.addi %scan3A_99, %scan3A_100 : i32
      %scan3A_102 = arith.constant 1 : i32
      %scan3A_103:5 = scf.for %scan3A_140 = %scan3A_99 to %scan3A_101 step %scan3A_102 iter_args(%scan3A_141 = %select_n3A_71, %scan3A_142 = %scan3A, %scan3A_143 = %select_n3A_96, %scan3A_144 = %scan3A_97, %scan3A_145 = %scan3A_98) -> (i32, i32, i32, i32, i32)  : i32 {
        %eq3A_146 = arith.constant 0 : i32
        %eq3A_147 = arith.cmpi eq, %scan3A_140, %eq3A_146 : i32
        %eq3A_148 = arith.constant 3 : i32
        %eq3A_149 = arith.cmpi eq, %scan3A_140, %eq3A_148 : i32
        %add3A_150 = arith.addi %scan3A_145, %mul3A_6 : i32
        %sub3A_151 = arith.constant 1 : i32
        %sub3A_152 = arith.subi %scan3A_145, %sub3A_151 : i32
        %select_n3A_153 = arith.constant true
        %select_n3A_154 = arith.select %select_n3A_153, %sub3A_152, %scan3A_145 : i32
        %eq3A_155 = arith.constant -1 : i32
        %eq3A_156 = arith.cmpi eq, %select_n3A_154, %eq3A_155 : i32
        %select_n3A_157 = arith.constant 3 : i32
        %select_n3A_158 = arith.select %eq3A_156, %select_n3A_157, %select_n3A_154 : i32
        %add3A_159 = arith.addi %select_n3A_158, %mul3A_6 : i32
        %add3A_160 = arith.constant 1 : i32
        %add3A_161 = arith.addi %scan3A_145, %add3A_160 : i32
        %select_n3A_162 = arith.constant true
        %select_n3A_163 = arith.select %select_n3A_162, %add3A_161, %scan3A_145 : i32
        %eq3A_164 = arith.constant 4 : i32
        %eq3A_165 = arith.cmpi eq, %select_n3A_163, %eq3A_164 : i32
        %select_n3A_166 = arith.constant 0 : i32
        %select_n3A_167 = arith.select %eq3A_165, %select_n3A_166, %select_n3A_163 : i32
        %add3A_168 = arith.addi %select_n3A_167, %mul3A_6 : i32
        %add3A_169 = arith.constant 1 : i32
        %add3A_170 = arith.addi %select_n3A_167, %add3A_169 : i32
        %select_n3A_171 = arith.constant true
        %select_n3A_172 = arith.select %select_n3A_171, %add3A_170, %select_n3A_167 : i32
        %eq3A_173 = arith.constant 4 : i32
        %eq3A_174 = arith.cmpi eq, %select_n3A_172, %eq3A_173 : i32
        %select_n3A_175 = arith.constant 0 : i32
        %select_n3A_176 = arith.select %eq3A_174, %select_n3A_175, %select_n3A_172 : i32
        %add3A_177 = arith.addi %select_n3A_176, %mul3A_6 : i32
        %jit3A_178 = arith.constant 64 : i32
        %eq3A_179 = arith.constant 0 : i32
        %eq3A_180 = arith.cmpi eq, %jit3A_178, %eq3A_179 : i32
        %jit3A_181 = arith.constant 1 : i32
        %select_n3A_182 = arith.select %eq3A_180, %jit3A_181, %jit3A_178 : i32
        %rem3A_183 = arith.remsi %add3A_150, %select_n3A_182 : i32
        %ne3A_184 = arith.constant 0 : i32
        %ne3A_185 = arith.cmpi ne, %rem3A_183, %ne3A_184 : i32
        %lt3A_186 = arith.constant 0 : i32
        %lt3A_187 = arith.cmpi slt, %rem3A_183, %lt3A_186 : i32
        %lt3A_188 = arith.constant 0 : i32
        %lt3A_189 = arith.cmpi slt, %select_n3A_182, %lt3A_188 : i32
        %ne3A_190 = arith.xori %lt3A_187, %lt3A_189 : i1
        %and3A_191 = arith.andi %ne3A_190, %ne3A_185 : i1
        %add3A_192 = arith.addi %rem3A_183, %select_n3A_182 : i32
        %select_n3A_193 = arith.select %and3A_191, %add3A_192, %rem3A_183 : i32
        %jit3A_194 = arith.constant 64 : i32
        %eq3A_195 = arith.constant 0 : i32
        %eq3A_196 = arith.cmpi eq, %jit3A_194, %eq3A_195 : i32
        %jit3A_197 = arith.constant 1 : i32
        %select_n3A_198 = arith.select %eq3A_196, %jit3A_197, %jit3A_194 : i32
        %rem3A_199 = arith.remsi %add3A_168, %select_n3A_198 : i32
        %ne3A_200 = arith.constant 0 : i32
        %ne3A_201 = arith.cmpi ne, %rem3A_199, %ne3A_200 : i32
        %lt3A_202 = arith.constant 0 : i32
        %lt3A_203 = arith.cmpi slt, %rem3A_199, %lt3A_202 : i32
        %lt3A_204 = arith.constant 0 : i32
        %lt3A_205 = arith.cmpi slt, %select_n3A_198, %lt3A_204 : i32
        %ne3A_206 = arith.xori %lt3A_203, %lt3A_205 : i1
        %and3A_207 = arith.andi %ne3A_206, %ne3A_201 : i1
        %add3A_208 = arith.addi %rem3A_199, %select_n3A_198 : i32
        %select_n3A_209 = arith.select %and3A_207, %add3A_208, %rem3A_199 : i32
        %ne3A_210 = arith.cmpi ne, %select_n3A_193, %select_n3A_209 : i32
        %or3A = arith.constant false
        %or3A_211 = arith.ori %or3A, %ne3A_210 : i1
        %or3A_212 = arith.constant false
        %or3A_213 = arith.ori %or3A_211, %or3A_212 : i1
        %ge3A = arith.constant 3 : i32
        %ge3A_214 = arith.cmpi sge, %scan3A_140, %ge3A : i32
        %not3A = arith.constant true
        %not3A_215 = arith.xori %ge3A_214, %not3A : i1
        %and3A_216 = arith.andi %or3A_213, %not3A_215 : i1
        %convert_element_type3A = arith.extui %and3A_216 : i1 to i32
        %cond3A = arith.constant 0 : i32
        %cond3A_217 = arith.cmpi ne, %convert_element_type3A, %cond3A : i32
        scf.if %cond3A_217 {
          "tpu.trace_start"() <{level = 10 : i32, message = "ep_copy_in"}> : () -> ()
          %rem3A_456 = arith.constant 2 : i32
          %rem3A_457 = arith.remui %scan3A_141, %rem3A_456 : i32
          %jit3A_458 = arith.constant 64 : i32
          %eq3A_459 = arith.constant 0 : i32
          %eq3A_460 = arith.cmpi eq, %jit3A_458, %eq3A_459 : i32
          %jit3A_461 = arith.constant 1 : i32
          %select_n3A_462 = arith.select %eq3A_460, %jit3A_461, %jit3A_458 : i32
          %rem3A_463 = arith.remsi %add3A_168, %select_n3A_462 : i32
          %ne3A_464 = arith.constant 0 : i32
          %ne3A_465 = arith.cmpi ne, %rem3A_463, %ne3A_464 : i32
          %lt3A_466 = arith.constant 0 : i32
          %lt3A_467 = arith.cmpi slt, %rem3A_463, %lt3A_466 : i32
          %lt3A_468 = arith.constant 0 : i32
          %lt3A_469 = arith.cmpi slt, %select_n3A_462, %lt3A_468 : i32
          %ne3A_470 = arith.xori %lt3A_467, %lt3A_469 : i1
          %and3A_471 = arith.andi %ne3A_470, %ne3A_465 : i1
          %add3A_472 = arith.addi %rem3A_463, %select_n3A_462 : i32
          %select_n3A_473 = arith.select %and3A_471, %add3A_472, %rem3A_463 : i32
          %mul3A_474 = arith.constant 128 : i32
          %mul3A_475 = arith.muli %mul3A_474, %select_n3A_473 : i32
          %dma_start3A_476 = arith.constant 0 : i32
          %dma_start3A_477 = arith.constant 0 : i32
          %dma_start3A_478 = tpu.memref_slice %run_scoped3A[%rem3A_457, %dma_start3A_476, %dma_start3A_477] : memref<2x128x256xf32, #tpu.memory_space<vmem>> -> memref<1x128x256xf32, #tpu.memory_space<vmem>>
          %dma_start3A_479 = tpu.memref_squeeze %dma_start3A_478 : memref<1x128x256xf32, #tpu.memory_space<vmem>> -> memref<128x256xf32, #tpu.memory_space<vmem>>
          %dma_start3A_480 = arith.constant 0 : i32
          %dma_start3A_481 = tpu.memref_slice %arg2[%mul3A_475, %dma_start3A_480] : memref<8192x256xf32, #tpu.memory_space<hbm>> -> memref<128x256xf32, #tpu.memory_space<hbm>>
          %dma_start3A_482 = tpu.memref_slice %run_scoped3A_7[%rem3A_457] : memref<2x!tpu.dma_semaphore, #tpu.memory_space<semaphore_mem>> -> memref<1x!tpu.dma_semaphore, #tpu.memory_space<semaphore_mem>>
          %dma_start3A_483 = tpu.memref_squeeze %dma_start3A_482 : memref<1x!tpu.dma_semaphore, #tpu.memory_space<semaphore_mem>> -> memref<!tpu.dma_semaphore, #tpu.memory_space<semaphore_mem>>
          %dma_start3A_484 = arith.constant 0 : i32
          %dma_start3A_485 = arith.constant 0 : i32
          %dma_start3A_486 = tpu.memref_slice %run_scoped3A[%rem3A_457, %dma_start3A_484, %dma_start3A_485] : memref<2x128x256xf32, #tpu.memory_space<vmem>> -> memref<1x128x256xf32, #tpu.memory_space<vmem>>
          %dma_start3A_487 = tpu.memref_squeeze %dma_start3A_486 : memref<1x128x256xf32, #tpu.memory_space<vmem>> -> memref<128x256xf32, #tpu.memory_space<vmem>>
          %dma_start3A_488 = arith.constant 0 : i32
          %dma_start3A_489 = tpu.memref_slice %arg2[%mul3A_475, %dma_start3A_488] : memref<8192x256xf32, #tpu.memory_space<hbm>> -> memref<128x256xf32, #tpu.memory_space<hbm>>
          tpu.enqueue_dma source(%dma_start3A_489 : memref<128x256xf32, #tpu.memory_space<hbm>>) target(%dma_start3A_487 : memref<128x256xf32, #tpu.memory_space<vmem>>) target_semaphore(%dma_start3A_483 : memref<!tpu.dma_semaphore, #tpu.memory_space<semaphore_mem>>)
          "tpu.trace_stop"() : () -> ()
        } else {
        }
        %and3A_218 = arith.constant true
        %and3A_219 = arith.andi %and3A_216, %and3A_218 : i1
        %add3A_220 = arith.constant 1 : i32
        %add3A_221 = arith.addi %scan3A_141, %add3A_220 : i32
        %select_n3A_222 = arith.select %and3A_219, %add3A_221, %scan3A_141 : i32
        %ne3A_223 = arith.cmpi ne, %add3A_150, %add3A_168 : i32
        %or3A_224 = arith.constant false
        %or3A_225 = arith.ori %or3A_224, %ne3A_223 : i1
        %ge3A_226 = arith.constant 3 : i32
        %ge3A_227 = arith.cmpi sge, %scan3A_140, %ge3A_226 : i32
        %not3A_228 = arith.constant true
        %not3A_229 = arith.xori %ge3A_227, %not3A_228 : i1
        %and3A_230 = arith.andi %or3A_225, %not3A_229 : i1
        %convert_element_type3A_231 = arith.extui %and3A_230 : i1 to i32
        %cond3A_232 = arith.constant 0 : i32
        %cond3A_233 = arith.cmpi ne, %convert_element_type3A_231, %cond3A_232 : i32
        scf.if %cond3A_233 {
          "tpu.trace_start"() <{level = 10 : i32, message = "ep_copy_in"}> : () -> ()
          %rem3A_456 = arith.constant 2 : i32
          %rem3A_457 = arith.remui %scan3A_143, %rem3A_456 : i32
          %mul3A_458 = arith.constant 128 : i32
          %mul3A_459 = arith.muli %mul3A_458, %add3A_168 : i32
          %dma_start3A_460 = arith.constant 0 : i32
          %dma_start3A_461 = arith.constant 0 : i32
          %dma_start3A_462 = tpu.memref_slice %run_scoped3A_8[%rem3A_457, %dma_start3A_460, %dma_start3A_461] : memref<2x1x128xi32, #tpu.memory_space<vmem>> -> memref<1x1x128xi32, #tpu.memory_space<vmem>>
          %dma_start3A_463 = tpu.memref_squeeze %dma_start3A_462 : memref<1x1x128xi32, #tpu.memory_space<vmem>> -> memref<1x128xi32, #tpu.memory_space<vmem>>
          %dma_start3A_464 = arith.constant 0 : i32
          %dma_start3A_465 = tpu.memref_slice %arg3[%dma_start3A_464, %mul3A_459] : memref<1x16384xi32, #tpu.memory_space<hbm>> -> memref<1x128xi32, #tpu.memory_space<hbm>>
          %dma_start3A_466 = tpu.memref_slice %run_scoped3A_9[%rem3A_457] : memref<2x!tpu.dma_semaphore, #tpu.memory_space<semaphore_mem>> -> memref<1x!tpu.dma_semaphore, #tpu.memory_space<semaphore_mem>>
          %dma_start3A_467 = tpu.memref_squeeze %dma_start3A_466 : memref<1x!tpu.dma_semaphore, #tpu.memory_space<semaphore_mem>> -> memref<!tpu.dma_semaphore, #tpu.memory_space<semaphore_mem>>
          %dma_start3A_468 = arith.constant 0 : i32
          %dma_start3A_469 = arith.constant 0 : i32
          %dma_start3A_470 = tpu.memref_slice %run_scoped3A_8[%rem3A_457, %dma_start3A_468, %dma_start3A_469] : memref<2x1x128xi32, #tpu.memory_space<vmem>> -> memref<1x1x128xi32, #tpu.memory_space<vmem>>
          %dma_start3A_471 = tpu.memref_squeeze %dma_start3A_470 : memref<1x1x128xi32, #tpu.memory_space<vmem>> -> memref<1x128xi32, #tpu.memory_space<vmem>>
          %dma_start3A_472 = arith.constant 0 : i32
          %dma_start3A_473 = tpu.memref_slice %arg3[%dma_start3A_472, %mul3A_459] : memref<1x16384xi32, #tpu.memory_space<hbm>> -> memref<1x128xi32, #tpu.memory_space<hbm>>
          tpu.enqueue_dma source(%dma_start3A_473 : memref<1x128xi32, #tpu.memory_space<hbm>>) target(%dma_start3A_471 : memref<1x128xi32, #tpu.memory_space<vmem>>) target_semaphore(%dma_start3A_467 : memref<!tpu.dma_semaphore, #tpu.memory_space<semaphore_mem>>)
          "tpu.trace_stop"() : () -> ()
        } else {
        }
        %and3A_234 = arith.constant true
        %and3A_235 = arith.andi %and3A_230, %and3A_234 : i1
        %add3A_236 = arith.constant 1 : i32
        %add3A_237 = arith.addi %scan3A_143, %add3A_236 : i32
        %select_n3A_238 = arith.select %and3A_235, %add3A_237, %scan3A_143 : i32
        %jit3A_239 = arith.constant 64 : i32
        %eq3A_240 = arith.constant 0 : i32
        %eq3A_241 = arith.cmpi eq, %jit3A_239, %eq3A_240 : i32
        %jit3A_242 = arith.constant 1 : i32
        %select_n3A_243 = arith.select %eq3A_241, %jit3A_242, %jit3A_239 : i32
        %rem3A_244 = arith.remsi %add3A_150, %select_n3A_243 : i32
        %ne3A_245 = arith.constant 0 : i32
        %ne3A_246 = arith.cmpi ne, %rem3A_244, %ne3A_245 : i32
        %lt3A_247 = arith.constant 0 : i32
        %lt3A_248 = arith.cmpi slt, %rem3A_244, %lt3A_247 : i32
        %lt3A_249 = arith.constant 0 : i32
        %lt3A_250 = arith.cmpi slt, %select_n3A_243, %lt3A_249 : i32
        %ne3A_251 = arith.xori %lt3A_248, %lt3A_250 : i1
        %and3A_252 = arith.andi %ne3A_251, %ne3A_246 : i1
        %add3A_253 = arith.addi %rem3A_244, %select_n3A_243 : i32
        %select_n3A_254 = arith.select %and3A_252, %add3A_253, %rem3A_244 : i32
        %jit3A_255 = arith.constant 64 : i32
        %eq3A_256 = arith.constant 0 : i32
        %eq3A_257 = arith.cmpi eq, %jit3A_255, %eq3A_256 : i32
        %jit3A_258 = arith.constant 1 : i32
        %select_n3A_259 = arith.select %eq3A_257, %jit3A_258, %jit3A_255 : i32
        %rem3A_260 = arith.remsi %add3A_159, %select_n3A_259 : i32
        %ne3A_261 = arith.constant 0 : i32
        %ne3A_262 = arith.cmpi ne, %rem3A_260, %ne3A_261 : i32
        %lt3A_263 = arith.constant 0 : i32
        %lt3A_264 = arith.cmpi slt, %rem3A_260, %lt3A_263 : i32
        %lt3A_265 = arith.constant 0 : i32
        %lt3A_266 = arith.cmpi slt, %select_n3A_259, %lt3A_265 : i32
        %ne3A_267 = arith.xori %lt3A_264, %lt3A_266 : i1
        %and3A_268 = arith.andi %ne3A_267, %ne3A_262 : i1
        %add3A_269 = arith.addi %rem3A_260, %select_n3A_259 : i32
        %select_n3A_270 = arith.select %and3A_268, %add3A_269, %rem3A_260 : i32
        %ne3A_271 = arith.cmpi ne, %select_n3A_254, %select_n3A_270 : i32
        %or3A_272 = arith.constant false
        %or3A_273 = arith.ori %or3A_272, %ne3A_271 : i1
        %or3A_274 = arith.constant false
        %or3A_275 = arith.ori %or3A_273, %or3A_274 : i1
        %or3A_276 = arith.ori %or3A_275, %eq3A_147 : i1
        %convert_element_type3A_277 = arith.extui %or3A_276 : i1 to i32
        %cond3A_278 = arith.constant 0 : i32
        %cond3A_279 = arith.cmpi ne, %convert_element_type3A_277, %cond3A_278 : i32
        scf.if %cond3A_279 {
          %jit3A_456 = arith.constant 64 : i32
          "tpu.trace_start"() <{level = 10 : i32, message = "ep_wait_in"}> : () -> ()
          %eq3A_457 = arith.constant 0 : i32
          %eq3A_458 = arith.cmpi eq, %jit3A_456, %eq3A_457 : i32
          %jit3A_459 = arith.constant 1 : i32
          %select_n3A_460 = arith.select %eq3A_458, %jit3A_459, %jit3A_456 : i32
          %rem3A_461 = arith.remsi %add3A_150, %select_n3A_460 : i32
          %ne3A_462 = arith.constant 0 : i32
          %ne3A_463 = arith.cmpi ne, %rem3A_461, %ne3A_462 : i32
          %lt3A_464 = arith.constant 0 : i32
          %lt3A_465 = arith.cmpi slt, %rem3A_461, %lt3A_464 : i32
          %lt3A_466 = arith.constant 0 : i32
          %lt3A_467 = arith.cmpi slt, %select_n3A_460, %lt3A_466 : i32
          %ne3A_468 = arith.xori %lt3A_465, %lt3A_467 : i1
          %and3A_469 = arith.andi %ne3A_468, %ne3A_463 : i1
          %add3A_470 = arith.addi %rem3A_461, %select_n3A_460 : i32
          %select_n3A_471 = arith.select %and3A_469, %add3A_470, %rem3A_461 : i32
          %mul3A_472 = arith.constant 128 : i32
          %mul3A_473 = arith.muli %mul3A_472, %select_n3A_471 : i32
          %rem3A_474 = arith.constant 2 : i32
          %rem3A_475 = arith.remui %scan3A_142, %rem3A_474 : i32
          %dma_wait3A = arith.constant 0 : i32
          %dma_wait3A_476 = arith.constant 0 : i32
          %dma_wait3A_477 = tpu.memref_slice %run_scoped3A[%rem3A_475, %dma_wait3A, %dma_wait3A_476] : memref<2x128x256xf32, #tpu.memory_space<vmem>> -> memref<1x128x256xf32, #tpu.memory_space<vmem>>
          %dma_wait3A_478 = tpu.memref_squeeze %dma_wait3A_477 : memref<1x128x256xf32, #tpu.memory_space<vmem>> -> memref<128x256xf32, #tpu.memory_space<vmem>>
          %dma_wait3A_479 = arith.constant 0 : i32
          %dma_wait3A_480 = tpu.memref_slice %arg2[%mul3A_473, %dma_wait3A_479] : memref<8192x256xf32, #tpu.memory_space<hbm>> -> memref<128x256xf32, #tpu.memory_space<hbm>>
          %dma_wait3A_481 = tpu.memref_slice %run_scoped3A_7[%rem3A_475] : memref<2x!tpu.dma_semaphore, #tpu.memory_space<semaphore_mem>> -> memref<1x!tpu.dma_semaphore, #tpu.memory_space<semaphore_mem>>
          %dma_wait3A_482 = tpu.memref_squeeze %dma_wait3A_481 : memref<1x!tpu.dma_semaphore, #tpu.memory_space<semaphore_mem>> -> memref<!tpu.dma_semaphore, #tpu.memory_space<semaphore_mem>>
          %dma_wait3A_483 = arith.constant 0 : i32
          %dma_wait3A_484 = arith.constant 0 : i32
          %dma_wait3A_485 = tpu.memref_slice %run_scoped3A[%rem3A_475, %dma_wait3A_483, %dma_wait3A_484] : memref<2x128x256xf32, #tpu.memory_space<vmem>> -> memref<1x128x256xf32, #tpu.memory_space<vmem>>
          %dma_wait3A_486 = tpu.memref_squeeze %dma_wait3A_485 : memref<1x128x256xf32, #tpu.memory_space<vmem>> -> memref<128x256xf32, #tpu.memory_space<vmem>>
          %dma_wait3A_487 = arith.constant 0 : i32
          %dma_wait3A_488 = tpu.memref_slice %arg2[%mul3A_473, %dma_wait3A_487] : memref<8192x256xf32, #tpu.memory_space<hbm>> -> memref<128x256xf32, #tpu.memory_space<hbm>>
          tpu.wait_dma2 semaphore(%dma_wait3A_482 : memref<!tpu.dma_semaphore, #tpu.memory_space<semaphore_mem>>) src(%dma_wait3A_488 : memref<128x256xf32, #tpu.memory_space<hbm>>) dst(%dma_wait3A_486 : memref<128x256xf32, #tpu.memory_space<vmem>>)
          "tpu.trace_stop"() : () -> ()
        } else {
        }
        %ne3A_280 = arith.cmpi ne, %add3A_150, %add3A_159 : i32
        %or3A_281 = arith.constant false
        %or3A_282 = arith.ori %or3A_281, %ne3A_280 : i1
        %or3A_283 = arith.ori %or3A_282, %eq3A_147 : i1
        %convert_element_type3A_284 = arith.extui %or3A_283 : i1 to i32
        %cond3A_285 = arith.constant 0 : i32
        %cond3A_286 = arith.cmpi ne, %convert_element_type3A_284, %cond3A_285 : i32
        scf.if %cond3A_286 {
          "tpu.trace_start"() <{level = 10 : i32, message = "ep_wait_in"}> : () -> ()
          %mul3A_456 = arith.constant 128 : i32
          %mul3A_457 = arith.muli %mul3A_456, %add3A_150 : i32
          %rem3A_458 = arith.constant 2 : i32
          %rem3A_459 = arith.remui %scan3A_144, %rem3A_458 : i32
          %dma_wait3A = arith.constant 0 : i32
          %dma_wait3A_460 = arith.constant 0 : i32
          %dma_wait3A_461 = tpu.memref_slice %run_scoped3A_8[%rem3A_459, %dma_wait3A, %dma_wait3A_460] : memref<2x1x128xi32, #tpu.memory_space<vmem>> -> memref<1x1x128xi32, #tpu.memory_space<vmem>>
          %dma_wait3A_462 = tpu.memref_squeeze %dma_wait3A_461 : memref<1x1x128xi32, #tpu.memory_space<vmem>> -> memref<1x128xi32, #tpu.memory_space<vmem>>
          %dma_wait3A_463 = arith.constant 0 : i32
          %dma_wait3A_464 = tpu.memref_slice %arg3[%dma_wait3A_463, %mul3A_457] : memref<1x16384xi32, #tpu.memory_space<hbm>> -> memref<1x128xi32, #tpu.memory_space<hbm>>
          %dma_wait3A_465 = tpu.memref_slice %run_scoped3A_9[%rem3A_459] : memref<2x!tpu.dma_semaphore, #tpu.memory_space<semaphore_mem>> -> memref<1x!tpu.dma_semaphore, #tpu.memory_space<semaphore_mem>>
          %dma_wait3A_466 = tpu.memref_squeeze %dma_wait3A_465 : memref<1x!tpu.dma_semaphore, #tpu.memory_space<semaphore_mem>> -> memref<!tpu.dma_semaphore, #tpu.memory_space<semaphore_mem>>
          %dma_wait3A_467 = arith.constant 0 : i32
          %dma_wait3A_468 = arith.constant 0 : i32
          %dma_wait3A_469 = tpu.memref_slice %run_scoped3A_8[%rem3A_459, %dma_wait3A_467, %dma_wait3A_468] : memref<2x1x128xi32, #tpu.memory_space<vmem>> -> memref<1x1x128xi32, #tpu.memory_space<vmem>>
          %dma_wait3A_470 = tpu.memref_squeeze %dma_wait3A_469 : memref<1x1x128xi32, #tpu.memory_space<vmem>> -> memref<1x128xi32, #tpu.memory_space<vmem>>
          %dma_wait3A_471 = arith.constant 0 : i32
          %dma_wait3A_472 = tpu.memref_slice %arg3[%dma_wait3A_471, %mul3A_457] : memref<1x16384xi32, #tpu.memory_space<hbm>> -> memref<1x128xi32, #tpu.memory_space<hbm>>
          tpu.wait_dma2 semaphore(%dma_wait3A_466 : memref<!tpu.dma_semaphore, #tpu.memory_space<semaphore_mem>>) src(%dma_wait3A_472 : memref<1x128xi32, #tpu.memory_space<hbm>>) dst(%dma_wait3A_470 : memref<1x128xi32, #tpu.memory_space<vmem>>)
          "tpu.trace_stop"() : () -> ()
        } else {
        }
        %rem3A_287 = arith.constant 2 : i32
        %rem3A_288 = arith.remui %scan3A_142, %rem3A_287 : i32
        %rem3A_289 = arith.constant 2 : i32
        %rem3A_290 = arith.remui %scan3A_144, %rem3A_289 : i32
        %run_scoped3A_291 = arith.constant 0 : i32
        "tpu.trace_start"() <{level = 10 : i32, message = "ep_run_kernel"}> : () -> ()
        "tpu.region"() ({
          %run_scoped3A_456 = tpu.sem_alloc : memref<!tpu.dma_semaphore, #tpu.memory_space<semaphore_mem>>
          %dma_start3A_457 = arith.constant 0 : i32
          %dma_start3A_458 = arith.constant 0 : i32
          %dma_start3A_459 = tpu.memref_slice %run_scoped3A[%rem3A_288, %dma_start3A_457, %dma_start3A_458] : memref<2x128x256xf32, #tpu.memory_space<vmem>> -> memref<1x128x256xf32, #tpu.memory_space<vmem>>
          %dma_start3A_460 = tpu.memref_squeeze %dma_start3A_459 : memref<1x128x256xf32, #tpu.memory_space<vmem>> -> memref<128x256xf32, #tpu.memory_space<vmem>>
          %dma_start3A_461 = arith.constant 0 : i32
          %dma_start3A_462 = arith.constant 0 : i32
          %dma_start3A_463 = tpu.memref_slice %run_scoped3A_8[%rem3A_290, %dma_start3A_461, %dma_start3A_462] : memref<2x1x128xi32, #tpu.memory_space<vmem>> -> memref<1x1x128xi32, #tpu.memory_space<vmem>>
          %dma_start3A_464 = tpu.memref_squeeze %dma_start3A_463 : memref<1x1x128xi32, #tpu.memory_space<vmem>> -> memref<1x128xi32, #tpu.memory_space<vmem>>
          %dma_start3A_465 = arith.constant 0 : i32
          %dma_start3A_466 = tpu.memref_slice %dma_start3A_464[%run_scoped3A_291, %dma_start3A_465] : memref<1x128xi32, #tpu.memory_space<vmem>> -> memref<1x128xi32, #tpu.memory_space<vmem>>
          %dma_start3A_467 = tpu.memref_squeeze %dma_start3A_466 : memref<1x128xi32, #tpu.memory_space<vmem>> -> memref<128xi32, #tpu.memory_space<vmem>>
          %dma_start3A_468 = arith.constant 0 : i32
          %dma_start3A_469 = arith.constant 0 : i32
          %dma_start3A_470 = tpu.memref_slice %arg4[%dma_start3A_468, %dma_start3A_469] : memref<24576x256xf32, #tpu.memory_space<hbm>> -> memref<24576x256xf32, #tpu.memory_space<hbm>>
          tpu.enqueue_indirect_dma source(%dma_start3A_460 : memref<128x256xf32, #tpu.memory_space<vmem>>) target(%dma_start3A_470 : memref<24576x256xf32, #tpu.memory_space<hbm>>) offsets(%dma_start3A_467 : memref<128xi32, #tpu.memory_space<vmem>>) semaphore(%run_scoped3A_456 : memref<!tpu.dma_semaphore, #tpu.memory_space<semaphore_mem>>)
          %dma_wait3A = arith.constant 0 : i32
          %dma_wait3A_471 = arith.constant 0 : i32
          %dma_wait3A_472 = tpu.memref_slice %run_scoped3A[%rem3A_288, %dma_wait3A, %dma_wait3A_471] : memref<2x128x256xf32, #tpu.memory_space<vmem>> -> memref<1x128x256xf32, #tpu.memory_space<vmem>>
          %dma_wait3A_473 = tpu.memref_squeeze %dma_wait3A_472 : memref<1x128x256xf32, #tpu.memory_space<vmem>> -> memref<128x256xf32, #tpu.memory_space<vmem>>
          %dma_wait3A_474 = arith.constant 0 : i32
          %dma_wait3A_475 = arith.constant 0 : i32
          %dma_wait3A_476 = tpu.memref_slice %run_scoped3A_8[%rem3A_290, %dma_wait3A_474, %dma_wait3A_475] : memref<2x1x128xi32, #tpu.memory_space<vmem>> -> memref<1x1x128xi32, #tpu.memory_space<vmem>>
          %dma_wait3A_477 = tpu.memref_squeeze %dma_wait3A_476 : memref<1x1x128xi32, #tpu.memory_space<vmem>> -> memref<1x128xi32, #tpu.memory_space<vmem>>
          %dma_wait3A_478 = arith.constant 0 : i32
          %dma_wait3A_479 = tpu.memref_slice %dma_wait3A_477[%run_scoped3A_291, %dma_wait3A_478] : memref<1x128xi32, #tpu.memory_space<vmem>> -> memref<1x128xi32, #tpu.memory_space<vmem>>
          %dma_wait3A_480 = tpu.memref_squeeze %dma_wait3A_479 : memref<1x128xi32, #tpu.memory_space<vmem>> -> memref<128xi32, #tpu.memory_space<vmem>>
          %dma_wait3A_481 = arith.constant 0 : i32
          %dma_wait3A_482 = arith.constant 0 : i32
          %dma_wait3A_483 = tpu.memref_slice %arg4[%dma_wait3A_481, %dma_wait3A_482] : memref<24576x256xf32, #tpu.memory_space<hbm>> -> memref<24576x256xf32, #tpu.memory_space<hbm>>
          tpu.wait_indirect_dma semaphore(%run_scoped3A_456 : memref<!tpu.dma_semaphore, #tpu.memory_space<semaphore_mem>>) src(%dma_wait3A_473 : memref<128x256xf32, #tpu.memory_space<vmem>>) dst(%dma_wait3A_483 : memref<24576x256xf32, #tpu.memory_space<hbm>>)
          tpu.yield
        }) : () -> ()
        %jit3A_292 = arith.constant 64 : i32
        "tpu.trace_stop"() : () -> ()
        %eq3A_293 = arith.constant 0 : i32
        %eq3A_294 = arith.cmpi eq, %jit3A_292, %eq3A_293 : i32
        %jit3A_295 = arith.constant 1 : i32
        %select_n3A_296 = arith.select %eq3A_294, %jit3A_295, %jit3A_292 : i32
        %rem3A_297 = arith.remsi %add3A_150, %select_n3A_296 : i32
        %ne3A_298 = arith.constant 0 : i32
        %ne3A_299 = arith.cmpi ne, %rem3A_297, %ne3A_298 : i32
        %lt3A_300 = arith.constant 0 : i32
        %lt3A_301 = arith.cmpi slt, %rem3A_297, %lt3A_300 : i32
        %lt3A_302 = arith.constant 0 : i32
        %lt3A_303 = arith.cmpi slt, %select_n3A_296, %lt3A_302 : i32
        %ne3A_304 = arith.xori %lt3A_301, %lt3A_303 : i1
        %and3A_305 = arith.andi %ne3A_304, %ne3A_299 : i1
        %add3A_306 = arith.addi %rem3A_297, %select_n3A_296 : i32
        %select_n3A_307 = arith.select %and3A_305, %add3A_306, %rem3A_297 : i32
        %jit3A_308 = arith.constant 64 : i32
        %eq3A_309 = arith.constant 0 : i32
        %eq3A_310 = arith.cmpi eq, %jit3A_308, %eq3A_309 : i32
        %jit3A_311 = arith.constant 1 : i32
        %select_n3A_312 = arith.select %eq3A_310, %jit3A_311, %jit3A_308 : i32
        %rem3A_313 = arith.remsi %add3A_168, %select_n3A_312 : i32
        %ne3A_314 = arith.constant 0 : i32
        %ne3A_315 = arith.cmpi ne, %rem3A_313, %ne3A_314 : i32
        %lt3A_316 = arith.constant 0 : i32
        %lt3A_317 = arith.cmpi slt, %rem3A_313, %lt3A_316 : i32
        %lt3A_318 = arith.constant 0 : i32
        %lt3A_319 = arith.cmpi slt, %select_n3A_312, %lt3A_318 : i32
        %ne3A_320 = arith.xori %lt3A_317, %lt3A_319 : i1
        %and3A_321 = arith.andi %ne3A_320, %ne3A_315 : i1
        %add3A_322 = arith.addi %rem3A_313, %select_n3A_312 : i32
        %select_n3A_323 = arith.select %and3A_321, %add3A_322, %rem3A_313 : i32
        %ne3A_324 = arith.cmpi ne, %select_n3A_307, %select_n3A_323 : i32
        %or3A_325 = arith.constant false
        %or3A_326 = arith.ori %or3A_325, %ne3A_324 : i1
        %or3A_327 = arith.constant false
        %or3A_328 = arith.ori %or3A_326, %or3A_327 : i1
        %or3A_329 = arith.ori %or3A_328, %eq3A_149 : i1
        %convert_element_type3A_330 = arith.extui %or3A_329 : i1 to i32
        %cond3A_331 = arith.constant 0 : i32
        %cond3A_332 = arith.cmpi ne, %convert_element_type3A_330, %cond3A_331 : i32
        scf.if %cond3A_332 {
        } else {
        }
        %and3A_333 = arith.constant false
        %and3A_334 = arith.andi %or3A_329, %and3A_333 : i1
        %ne3A_335 = arith.cmpi ne, %add3A_150, %add3A_168 : i32
        %or3A_336 = arith.constant false
        %or3A_337 = arith.ori %or3A_336, %ne3A_335 : i1
        %or3A_338 = arith.ori %or3A_337, %eq3A_149 : i1
        %convert_element_type3A_339 = arith.extui %or3A_338 : i1 to i32
        %cond3A_340 = arith.constant 0 : i32
        %cond3A_341 = arith.cmpi ne, %convert_element_type3A_339, %cond3A_340 : i32
        scf.if %cond3A_341 {
        } else {
        }
        %and3A_342 = arith.constant false
        %and3A_343 = arith.andi %or3A_338, %and3A_342 : i1
        %jit3A_344 = arith.constant 64 : i32
        %eq3A_345 = arith.constant 0 : i32
        %eq3A_346 = arith.cmpi eq, %jit3A_344, %eq3A_345 : i32
        %jit3A_347 = arith.constant 1 : i32
        %select_n3A_348 = arith.select %eq3A_346, %jit3A_347, %jit3A_344 : i32
        %rem3A_349 = arith.remsi %add3A_150, %select_n3A_348 : i32
        %ne3A_350 = arith.constant 0 : i32
        %ne3A_351 = arith.cmpi ne, %rem3A_349, %ne3A_350 : i32
        %lt3A_352 = arith.constant 0 : i32
        %lt3A_353 = arith.cmpi slt, %rem3A_349, %lt3A_352 : i32
        %lt3A_354 = arith.constant 0 : i32
        %lt3A_355 = arith.cmpi slt, %select_n3A_348, %lt3A_354 : i32
        %ne3A_356 = arith.xori %lt3A_353, %lt3A_355 : i1
        %and3A_357 = arith.andi %ne3A_356, %ne3A_351 : i1
        %add3A_358 = arith.addi %rem3A_349, %select_n3A_348 : i32
        %select_n3A_359 = arith.select %and3A_357, %add3A_358, %rem3A_349 : i32
        %jit3A_360 = arith.constant 64 : i32
        %eq3A_361 = arith.constant 0 : i32
        %eq3A_362 = arith.cmpi eq, %jit3A_360, %eq3A_361 : i32
        %jit3A_363 = arith.constant 1 : i32
        %select_n3A_364 = arith.select %eq3A_362, %jit3A_363, %jit3A_360 : i32
        %rem3A_365 = arith.remsi %add3A_159, %select_n3A_364 : i32
        %ne3A_366 = arith.constant 0 : i32
        %ne3A_367 = arith.cmpi ne, %rem3A_365, %ne3A_366 : i32
        %lt3A_368 = arith.constant 0 : i32
        %lt3A_369 = arith.cmpi slt, %rem3A_365, %lt3A_368 : i32
        %lt3A_370 = arith.constant 0 : i32
        %lt3A_371 = arith.cmpi slt, %select_n3A_364, %lt3A_370 : i32
        %ne3A_372 = arith.xori %lt3A_369, %lt3A_371 : i1
        %and3A_373 = arith.andi %ne3A_372, %ne3A_367 : i1
        %add3A_374 = arith.addi %rem3A_365, %select_n3A_364 : i32
        %select_n3A_375 = arith.select %and3A_373, %add3A_374, %rem3A_365 : i32
        %ne3A_376 = arith.cmpi ne, %select_n3A_359, %select_n3A_375 : i32
        %or3A_377 = arith.constant false
        %or3A_378 = arith.ori %or3A_377, %ne3A_376 : i1
        %or3A_379 = arith.constant false
        %or3A_380 = arith.ori %or3A_378, %or3A_379 : i1
        %not3A_381 = arith.constant true
        %not3A_382 = arith.xori %eq3A_147, %not3A_381 : i1
        %and3A_383 = arith.andi %or3A_380, %not3A_382 : i1
        %convert_element_type3A_384 = arith.extui %and3A_383 : i1 to i32
        %cond3A_385 = arith.constant 0 : i32
        %cond3A_386 = arith.cmpi ne, %convert_element_type3A_384, %cond3A_385 : i32
        scf.if %cond3A_386 {
        } else {
        }
        %and3A_387 = arith.constant false
        %and3A_388 = arith.andi %and3A_383, %and3A_387 : i1
        %ne3A_389 = arith.cmpi ne, %add3A_150, %add3A_159 : i32
        %or3A_390 = arith.constant false
        %or3A_391 = arith.ori %or3A_390, %ne3A_389 : i1
        %not3A_392 = arith.constant true
        %not3A_393 = arith.xori %eq3A_147, %not3A_392 : i1
        %and3A_394 = arith.andi %or3A_391, %not3A_393 : i1
        %convert_element_type3A_395 = arith.extui %and3A_394 : i1 to i32
        %cond3A_396 = arith.constant 0 : i32
        %cond3A_397 = arith.cmpi ne, %convert_element_type3A_395, %cond3A_396 : i32
        scf.if %cond3A_397 {
        } else {
        }
        %and3A_398 = arith.constant false
        %and3A_399 = arith.andi %and3A_394, %and3A_398 : i1
        %jit3A_400 = arith.constant 64 : i32
        %eq3A_401 = arith.constant 0 : i32
        %eq3A_402 = arith.cmpi eq, %jit3A_400, %eq3A_401 : i32
        %jit3A_403 = arith.constant 1 : i32
        %select_n3A_404 = arith.select %eq3A_402, %jit3A_403, %jit3A_400 : i32
        %rem3A_405 = arith.remsi %add3A_150, %select_n3A_404 : i32
        %ne3A_406 = arith.constant 0 : i32
        %ne3A_407 = arith.cmpi ne, %rem3A_405, %ne3A_406 : i32
        %lt3A_408 = arith.constant 0 : i32
        %lt3A_409 = arith.cmpi slt, %rem3A_405, %lt3A_408 : i32
        %lt3A_410 = arith.constant 0 : i32
        %lt3A_411 = arith.cmpi slt, %select_n3A_404, %lt3A_410 : i32
        %ne3A_412 = arith.xori %lt3A_409, %lt3A_411 : i1
        %and3A_413 = arith.andi %ne3A_412, %ne3A_407 : i1
        %add3A_414 = arith.addi %rem3A_405, %select_n3A_404 : i32
        %select_n3A_415 = arith.select %and3A_413, %add3A_414, %rem3A_405 : i32
        %jit3A_416 = arith.constant 64 : i32
        %eq3A_417 = arith.constant 0 : i32
        %eq3A_418 = arith.cmpi eq, %jit3A_416, %eq3A_417 : i32
        %jit3A_419 = arith.constant 1 : i32
        %select_n3A_420 = arith.select %eq3A_418, %jit3A_419, %jit3A_416 : i32
        %rem3A_421 = arith.remsi %add3A_168, %select_n3A_420 : i32
        %ne3A_422 = arith.constant 0 : i32
        %ne3A_423 = arith.cmpi ne, %rem3A_421, %ne3A_422 : i32
        %lt3A_424 = arith.constant 0 : i32
        %lt3A_425 = arith.cmpi slt, %rem3A_421, %lt3A_424 : i32
        %lt3A_426 = arith.constant 0 : i32
        %lt3A_427 = arith.cmpi slt, %select_n3A_420, %lt3A_426 : i32
        %ne3A_428 = arith.xori %lt3A_425, %lt3A_427 : i1
        %and3A_429 = arith.andi %ne3A_428, %ne3A_423 : i1
        %add3A_430 = arith.addi %rem3A_421, %select_n3A_420 : i32
        %select_n3A_431 = arith.select %and3A_429, %add3A_430, %rem3A_421 : i32
        %ne3A_432 = arith.cmpi ne, %select_n3A_415, %select_n3A_431 : i32
        %or3A_433 = arith.constant false
        %or3A_434 = arith.ori %or3A_433, %ne3A_432 : i1
        %or3A_435 = arith.constant false
        %or3A_436 = arith.ori %or3A_434, %or3A_435 : i1
        %or3A_437 = arith.ori %or3A_436, %eq3A_149 : i1
        %add3A_438 = arith.constant 1 : i32
        %add3A_439 = arith.addi %scan3A_142, %add3A_438 : i32
        %select_n3A_440 = arith.select %or3A_437, %add3A_439, %scan3A_142 : i32
        %ne3A_441 = arith.cmpi ne, %add3A_150, %add3A_168 : i32
        %or3A_442 = arith.constant false
        %or3A_443 = arith.ori %or3A_442, %ne3A_441 : i1
        %or3A_444 = arith.ori %or3A_443, %eq3A_149 : i1
        %add3A_445 = arith.constant 1 : i32
        %add3A_446 = arith.addi %scan3A_144, %add3A_445 : i32
        %select_n3A_447 = arith.select %or3A_444, %add3A_446, %scan3A_144 : i32
        %add3A_448 = arith.constant 1 : i32
        %add3A_449 = arith.addi %scan3A_145, %add3A_448 : i32
        %select_n3A_450 = arith.constant true
        %select_n3A_451 = arith.select %select_n3A_450, %add3A_449, %scan3A_145 : i32
        %eq3A_452 = arith.constant 4 : i32
        %eq3A_453 = arith.cmpi eq, %select_n3A_451, %eq3A_452 : i32
        %select_n3A_454 = arith.constant 0 : i32
        %select_n3A_455 = arith.select %eq3A_453, %select_n3A_454, %select_n3A_451 : i32
        scf.yield %select_n3A_222, %select_n3A_440, %select_n3A_238, %select_n3A_447, %select_n3A_455 : i32, i32, i32, i32, i32
      }
      %scan3A_104 = arith.constant 4 : i32
      %sub3A = arith.constant 1 : i32
      %sub3A_105 = arith.subi %scan3A_103#4, %sub3A : i32
      %select_n3A_106 = arith.constant true
      %select_n3A_107 = arith.select %select_n3A_106, %sub3A_105, %scan3A_103#4 : i32
      %eq3A_108 = arith.constant -1 : i32
      %eq3A_109 = arith.cmpi eq, %select_n3A_107, %eq3A_108 : i32
      %select_n3A_110 = arith.constant 3 : i32
      %select_n3A_111 = arith.select %eq3A_109, %select_n3A_110, %select_n3A_107 : i32
      %add3A_112 = arith.addi %select_n3A_111, %mul3A_6 : i32
      %sub3A_113 = arith.constant 1 : i32
      %sub3A_114 = arith.subi %select_n3A_111, %sub3A_113 : i32
      %select_n3A_115 = arith.constant true
      %select_n3A_116 = arith.select %select_n3A_115, %sub3A_114, %select_n3A_111 : i32
      %eq3A_117 = arith.constant -1 : i32
      %eq3A_118 = arith.cmpi eq, %select_n3A_116, %eq3A_117 : i32
      %select_n3A_119 = arith.constant 3 : i32
      %select_n3A_120 = arith.select %eq3A_118, %select_n3A_119, %select_n3A_116 : i32
      %add3A_121 = arith.addi %select_n3A_120, %mul3A_6 : i32
      %add3A_122 = arith.constant 1 : i32
      %add3A_123 = arith.addi %select_n3A_111, %add3A_122 : i32
      %select_n3A_124 = arith.constant true
      %select_n3A_125 = arith.select %select_n3A_124, %add3A_123, %select_n3A_111 : i32
      %eq3A_126 = arith.constant 4 : i32
      %eq3A_127 = arith.cmpi eq, %select_n3A_125, %eq3A_126 : i32
      %select_n3A_128 = arith.constant 0 : i32
      %select_n3A_129 = arith.select %eq3A_127, %select_n3A_128, %select_n3A_125 : i32
      %add3A_130 = arith.addi %select_n3A_129, %mul3A_6 : i32
      %add3A_131 = arith.constant 1 : i32
      %add3A_132 = arith.addi %select_n3A_129, %add3A_131 : i32
      %select_n3A_133 = arith.constant true
      %select_n3A_134 = arith.select %select_n3A_133, %add3A_132, %select_n3A_129 : i32
      %eq3A_135 = arith.constant 4 : i32
      %eq3A_136 = arith.cmpi eq, %select_n3A_134, %eq3A_135 : i32
      %select_n3A_137 = arith.constant 0 : i32
      %select_n3A_138 = arith.select %eq3A_136, %select_n3A_137, %select_n3A_134 : i32
      %add3A_139 = arith.addi %select_n3A_138, %mul3A_6 : i32
      tpu.yield
    }) : () -> ()
    return
  }
}

module attributes {stable_mosaic.version = 14 : i64} {
  func.func @_qkv_kernel(%arg0: i32, %arg1: memref<1x256xi32, #tpu.memory_space<vmem>>, %arg2: memref<256x1024xf32, #tpu.memory_space<vmem>>, %arg3: memref<1x1024xf32, #tpu.memory_space<vmem>>, %arg4: memref<1024x2816xbf16, #tpu.memory_space<vmem>>, %arg5: memref<16x256x64xbf16, #tpu.memory_space<vmem>>, %arg6: memref<4x256x64xbf16, #tpu.memory_space<vmem>>, %arg7: memref<4x256x128xbf16, #tpu.memory_space<vmem>>) attributes {dimension_semantics = [#tpu.dimension_semantics<arbitrary>], iteration_bounds = array<i64: 8>, scalar_prefetch = 0 : i64, scratch_operands = 0 : i64, tpu.core_type = #tpu.core_type<tc>, window_params = [{transform_indices = @transform_0, window_bounds = array<i64: 1, 256>}, {transform_indices = @transform_1, window_bounds = array<i64: 256, 1024>}, {pipeline_mode = #tpu.pipeline_mode<synchronous>, transform_indices = @transform_2, window_bounds = array<i64: 1, 1024>}, {pipeline_mode = #tpu.pipeline_mode<synchronous>, transform_indices = @transform_3, window_bounds = array<i64: 1024, 2816>}, {transform_indices = @transform_4, window_bounds = array<i64: 16, 256, 64>}, {transform_indices = @transform_5, window_bounds = array<i64: 4, 256, 64>}, {transform_indices = @transform_6, window_bounds = array<i64: 4, 256, 128>}]} {
    %get3A = arith.constant 0 : index
    %get3A_0 = arith.constant 0 : index
    %get3A_1 = vector.load %arg2[%get3A, %get3A_0] : memref<256x1024xf32, #tpu.memory_space<vmem>>, vector<256x1024xf32>
    %mul3A = arith.mulf %get3A_1, %get3A_1 : vector<256x1024xf32>
    %reduce_sum3A = arith.constant dense<0.000000e+00> : vector<256xf32>
    %reduce_sum3A_2 = vector.multi_reduction <add>, %mul3A, %reduce_sum3A [1] : vector<256x1024xf32> to vector<256xf32>
    %broadcast_in_dim3A = vector.shape_cast %reduce_sum3A_2 : vector<256xf32> to vector<256x1xf32>
    %div3A = arith.constant 1.024000e+03 : f32
    %div3A_3 = vector.broadcast %div3A : f32 to vector<256x1xf32>
    %div3A_4 = arith.divf %broadcast_in_dim3A, %div3A_3 : vector<256x1xf32>
    %add3A = arith.constant 9.99999997E-7 : f32
    %add3A_5 = vector.broadcast %add3A : f32 to vector<256x1xf32>
    %add3A_6 = arith.addf %div3A_4, %add3A_5 : vector<256x1xf32>
    %rsqrt3A = math.rsqrt %add3A_6 : vector<256x1xf32>
    %mul3A_7 = vector.broadcast %rsqrt3A : vector<256x1xf32> to vector<256x1024xf32>
    %mul3A_8 = arith.mulf %get3A_1, %mul3A_7 : vector<256x1024xf32>
    %get3A_9 = arith.constant 0 : index
    %get3A_10 = arith.constant 0 : index
    %get3A_11 = vector.load %arg3[%get3A_9, %get3A_10] : memref<1x1024xf32, #tpu.memory_space<vmem>>, vector<1x1024xf32>
    %mul3A_12 = vector.broadcast %get3A_11 : vector<1x1024xf32> to vector<256x1024xf32>
    %mul3A_13 = arith.mulf %mul3A_8, %mul3A_12 : vector<256x1024xf32>
    %convert_element_type3A = arith.truncf %mul3A_13 : vector<256x1024xf32> to vector<256x1024xbf16>
    %get3A_14 = arith.constant 0 : index
    %get3A_15 = arith.constant 0 : index
    %get3A_16 = vector.load %arg4[%get3A_14, %get3A_15] : memref<1024x2816xbf16, #tpu.memory_space<vmem>>, vector<1024x2816xbf16>
    %dot_general3A = arith.constant dense<0.000000e+00> : vector<256x2816xf32>
    %dot_general3A_17 = tpu.matmul %convert_element_type3A, %get3A_16, %dot_general3A {dimension_numbers = #tpu.dot_dimension_numbers<[1], [0], [0], [1], [0, 0, 1, 1], [], []>, transpose_lhs_hint = false} : vector<256x1024xbf16>, vector<1024x2816xbf16>, vector<256x2816xf32> -> vector<256x2816xf32>
    %slice3A = vector.extract_strided_slice %dot_general3A_17 {offsets = [0, 0], sizes = [256, 1536], strides = [1, 1]} : vector<256x2816xf32> to vector<256x1536xf32>
    %slice3A_18 = vector.extract_strided_slice %dot_general3A_17 {offsets = [0, 1536], sizes = [256, 1280], strides = [1, 1]} : vector<256x2816xf32> to vector<256x1280xf32>
    %slice3A_19 = vector.extract_strided_slice %slice3A {offsets = [0, 0], sizes = [256, 1280], strides = [1, 1]} : vector<256x1536xf32> to vector<256x1280xf32>
    %get3A_20 = arith.constant 0 : index
    %get3A_21 = arith.constant 0 : index
    %get3A_22 = vector.load %arg1[%get3A_20, %get3A_21] : memref<1x256xi32, #tpu.memory_space<vmem>>, vector<1x256xi32>
    %get3A_23 = vector.shape_cast %get3A_22 : vector<1x256xi32> to vector<256xi32>
    %convert_element_type3A_24 = arith.sitofp %get3A_23 : vector<256xi32> to vector<256xf32>
    %iota3A = tpu.iota {dimensions = array<i32: 1>} : vector<256x32xi32>
    %convert_element_type3A_25 = arith.sitofp %iota3A : vector<256x32xi32> to vector<256x32xf32>
    %div3A_26 = arith.constant 3.200000e+01 : f32
    %div3A_27 = vector.broadcast %div3A_26 : f32 to vector<256x32xf32>
    %div3A_28 = arith.divf %convert_element_type3A_25, %div3A_27 : vector<256x32xf32>
    %mul3A_29 = arith.constant -13.8155107 : f32
    %mul3A_30 = vector.broadcast %mul3A_29 : f32 to vector<256x32xf32>
    %mul3A_31 = arith.mulf %div3A_28, %mul3A_30 : vector<256x32xf32>
    %exp3A = math.exp %mul3A_31 : vector<256x32xf32>
    %broadcast_in_dim3A_32 = vector.shape_cast %convert_element_type3A_24 : vector<256xf32> to vector<256x1xf32>
    %mul3A_33 = vector.broadcast %broadcast_in_dim3A_32 : vector<256x1xf32> to vector<256x32xf32>
    %mul3A_34 = arith.mulf %mul3A_33, %exp3A : vector<256x32xf32>
    %cos3A = math.cos %mul3A_34 : vector<256x32xf32>
    %sin3A = math.sin %mul3A_34 : vector<256x32xf32>
    %iota3A_35 = tpu.iota {dimensions = array<i32: 0>} : vector<32x1280xi32>
    %iota3A_36 = tpu.iota {dimensions = array<i32: 1>} : vector<32x1280xi32>
    %jit3A = arith.constant 32 : i32
    %eq3A = arith.constant 0 : i32
    %eq3A_37 = arith.cmpi eq, %jit3A, %eq3A : i32
    %jit3A_38 = arith.constant 1 : i32
    %select_n3A = arith.select %eq3A_37, %jit3A_38, %jit3A : i32
    %rem3A = vector.broadcast %select_n3A : i32 to vector<32x1280xi32>
    %rem3A_39 = arith.remsi %iota3A_36, %rem3A : vector<32x1280xi32>
    %ne3A = arith.constant 0 : i32
    %ne3A_40 = vector.broadcast %ne3A : i32 to vector<32x1280xi32>
    %ne3A_41 = arith.cmpi ne, %rem3A_39, %ne3A_40 : vector<32x1280xi32>
    %lt3A = arith.constant 0 : i32
    %lt3A_42 = vector.broadcast %lt3A : i32 to vector<32x1280xi32>
    %lt3A_43 = arith.cmpi slt, %rem3A_39, %lt3A_42 : vector<32x1280xi32>
    %lt3A_44 = arith.constant 0 : i32
    %lt3A_45 = arith.cmpi slt, %select_n3A, %lt3A_44 : i32
    %ne3A_46 = vector.broadcast %lt3A_45 : i1 to vector<32x1280xi1>
    %ne3A_47 = vector.broadcast %ne3A_46 : vector<32x1280xi1> to vector<32x1280xi1>
    %ne3A_48 = arith.xori %lt3A_43, %ne3A_47 : vector<32x1280xi1>
    %and3A = arith.andi %ne3A_48, %ne3A_41 : vector<32x1280xi1>
    %add3A_49 = vector.broadcast %select_n3A : i32 to vector<32x1280xi32>
    %add3A_50 = arith.addi %rem3A_39, %add3A_49 : vector<32x1280xi32>
    %select_n3A_51 = arith.select %and3A, %add3A_50, %rem3A_39 : vector<32x1280xi1>, vector<32x1280xi32>
    %eq3A_52 = arith.cmpi eq, %select_n3A_51, %iota3A_35 : vector<32x1280xi32>
    %convert_element_type3A_53 = arith.extui %eq3A_52 : vector<32x1280xi1> to vector<32x1280xi32>
    %convert_element_type3A_54 = arith.sitofp %convert_element_type3A_53 : vector<32x1280xi32> to vector<32x1280xf32>
    %dot_general3A_55 = arith.constant dense<0.000000e+00> : vector<256x1280xf32>
    %dot_general3A_56 = tpu.matmul %cos3A, %convert_element_type3A_54, %dot_general3A_55 {dimension_numbers = #tpu.dot_dimension_numbers<[1], [0], [0], [1], [0, 0, 1, 1], [], []>, transpose_lhs_hint = false} : vector<256x32xf32>, vector<32x1280xf32>, vector<256x1280xf32> -> vector<256x1280xf32>
    %dot_general3A_57 = arith.constant dense<0.000000e+00> : vector<256x1280xf32>
    %dot_general3A_58 = tpu.matmul %sin3A, %convert_element_type3A_54, %dot_general3A_57 {dimension_numbers = #tpu.dot_dimension_numbers<[1], [0], [0], [1], [0, 0, 1, 1], [], []>, transpose_lhs_hint = false} : vector<256x32xf32>, vector<32x1280xf32>, vector<256x1280xf32> -> vector<256x1280xf32>
    %iota3A_59 = tpu.iota {dimensions = array<i32: 1>} : vector<256x1280xi32>
    %jit3A_60 = arith.constant 64 : i32
    %eq3A_61 = arith.constant 0 : i32
    %eq3A_62 = arith.cmpi eq, %jit3A_60, %eq3A_61 : i32
    %jit3A_63 = arith.constant 1 : i32
    %select_n3A_64 = arith.select %eq3A_62, %jit3A_63, %jit3A_60 : i32
    %rem3A_65 = vector.broadcast %select_n3A_64 : i32 to vector<256x1280xi32>
    %rem3A_66 = arith.remsi %iota3A_59, %rem3A_65 : vector<256x1280xi32>
    %ne3A_67 = arith.constant 0 : i32
    %ne3A_68 = vector.broadcast %ne3A_67 : i32 to vector<256x1280xi32>
    %ne3A_69 = arith.cmpi ne, %rem3A_66, %ne3A_68 : vector<256x1280xi32>
    %lt3A_70 = arith.constant 0 : i32
    %lt3A_71 = vector.broadcast %lt3A_70 : i32 to vector<256x1280xi32>
    %lt3A_72 = arith.cmpi slt, %rem3A_66, %lt3A_71 : vector<256x1280xi32>
    %lt3A_73 = arith.constant 0 : i32
    %lt3A_74 = arith.cmpi slt, %select_n3A_64, %lt3A_73 : i32
    %ne3A_75 = vector.broadcast %lt3A_74 : i1 to vector<256x1280xi1>
    %ne3A_76 = vector.broadcast %ne3A_75 : vector<256x1280xi1> to vector<256x1280xi1>
    %ne3A_77 = arith.xori %lt3A_72, %ne3A_76 : vector<256x1280xi1>
    %and3A_78 = arith.andi %ne3A_77, %ne3A_69 : vector<256x1280xi1>
    %add3A_79 = vector.broadcast %select_n3A_64 : i32 to vector<256x1280xi32>
    %add3A_80 = arith.addi %rem3A_66, %add3A_79 : vector<256x1280xi32>
    %select_n3A_81 = arith.select %and3A_78, %add3A_80, %rem3A_66 : vector<256x1280xi1>, vector<256x1280xi32>
    %lt3A_82 = arith.constant 32 : i32
    %lt3A_83 = vector.broadcast %lt3A_82 : i32 to vector<256x1280xi32>
    %lt3A_84 = arith.cmpi slt, %select_n3A_81, %lt3A_83 : vector<256x1280xi32>
    %jit3A_85 = arith.constant -1.000000e+00 : f32
    %jit3A_86 = arith.constant 1.000000e+00 : f32
    %broadcast_in_dim3A_87 = vector.broadcast %jit3A_85 : f32 to vector<256x1280xf32>
    %broadcast_in_dim3A_88 = vector.broadcast %jit3A_86 : f32 to vector<256x1280xf32>
    %select_n3A_89 = arith.select %lt3A_84, %broadcast_in_dim3A_87, %broadcast_in_dim3A_88 : vector<256x1280xi1>, vector<256x1280xf32>
    %mul3A_90 = arith.mulf %slice3A_19, %dot_general3A_56 : vector<256x1280xf32>
    %mul3A_91 = arith.mulf %select_n3A_89, %slice3A_18 : vector<256x1280xf32>
    %mul3A_92 = arith.mulf %mul3A_91, %dot_general3A_58 : vector<256x1280xf32>
    %add3A_93 = arith.addf %mul3A_90, %mul3A_92 : vector<256x1280xf32>
    %convert_element_type3A_94 = arith.truncf %add3A_93 : vector<256x1280xf32> to vector<256x1280xbf16>
    %slice3A_95 = vector.extract_strided_slice %convert_element_type3A_94 {offsets = [0, 0], sizes = [256, 1024], strides = [1, 1]} : vector<256x1280xbf16> to vector<256x1024xbf16>
    %reshape3A = vector.shape_cast %slice3A_95 : vector<256x1024xbf16> to vector<256x16x64xbf16>
    %transpose3A = tpu.transpose %reshape3A, [1, 0, 2] : vector<256x16x64xbf16> -> vector<16x256x64xbf16>
    %slice3A_96 = vector.extract_strided_slice %convert_element_type3A_94 {offsets = [0, 1024], sizes = [256, 256], strides = [1, 1]} : vector<256x1280xbf16> to vector<256x256xbf16>
    %reshape3A_97 = vector.shape_cast %slice3A_96 : vector<256x256xbf16> to vector<256x4x64xbf16>
    %transpose3A_98 = tpu.transpose %reshape3A_97, [1, 0, 2] : vector<256x4x64xbf16> -> vector<4x256x64xbf16>
    %slice3A_99 = vector.extract_strided_slice %slice3A {offsets = [0, 1280], sizes = [256, 256], strides = [1, 1]} : vector<256x1536xf32> to vector<256x256xf32>
    %convert_element_type3A_100 = arith.truncf %slice3A_99 : vector<256x256xf32> to vector<256x256xbf16>
    %reshape3A_101 = vector.shape_cast %convert_element_type3A_100 : vector<256x256xbf16> to vector<256x4x64xbf16>
    %transpose3A_102 = tpu.transpose %reshape3A_101, [1, 0, 2] : vector<256x4x64xbf16> -> vector<4x256x64xbf16>
    %swap3A = arith.constant 0 : index
    %swap3A_103 = arith.constant 0 : index
    %swap3A_104 = arith.constant 0 : index
    %swap3A_105 = vector.load %arg5[%swap3A, %swap3A_103, %swap3A_104] : memref<16x256x64xbf16, #tpu.memory_space<vmem>>, vector<16x256x64xbf16>
    tpu.vector_store %arg5[%swap3A, %swap3A_103, %swap3A_104], %transpose3A {strides = array<i32>} : memref<16x256x64xbf16, #tpu.memory_space<vmem>>, vector<16x256x64xbf16>,
    %swap3A_106 = arith.constant 0 : index
    %swap3A_107 = arith.constant 0 : index
    %swap3A_108 = arith.constant 0 : index
    %swap3A_109 = vector.load %arg6[%swap3A_106, %swap3A_107, %swap3A_108] : memref<4x256x64xbf16, #tpu.memory_space<vmem>>, vector<4x256x64xbf16>
    tpu.vector_store %arg6[%swap3A_106, %swap3A_107, %swap3A_108], %transpose3A_98 {strides = array<i32>} : memref<4x256x64xbf16, #tpu.memory_space<vmem>>, vector<4x256x64xbf16>,
    %broadcast_in_dim3A_110 = arith.constant 1.000000e+00 : bf16
    %broadcast_in_dim3A_111 = vector.broadcast %broadcast_in_dim3A_110 : bf16 to vector<4x256x1xbf16>
    %broadcast_in_dim3A_112 = arith.constant 0.000000e+00 : bf16
    %broadcast_in_dim3A_113 = vector.broadcast %broadcast_in_dim3A_112 : bf16 to vector<4x256x63xbf16>
    %concatenate3A = tpu.concatenate %transpose3A_102, %broadcast_in_dim3A_111, %broadcast_in_dim3A_113 in 2 : vector<4x256x64xbf16>, vector<4x256x1xbf16>, vector<4x256x63xbf16> -> vector<4x256x128xbf16>
    %swap3A_114 = arith.constant 0 : index
    %swap3A_115 = arith.constant 0 : index
    %swap3A_116 = arith.constant 0 : index
    %swap3A_117 = vector.load %arg7[%swap3A_114, %swap3A_115, %swap3A_116] : memref<4x256x128xbf16, #tpu.memory_space<vmem>>, vector<4x256x128xbf16>
    tpu.vector_store %arg7[%swap3A_114, %swap3A_115, %swap3A_116], %concatenate3A {strides = array<i32>} : memref<4x256x128xbf16, #tpu.memory_space<vmem>>, vector<4x256x128xbf16>,
    return
  }
  func.func @transform_0(%arg0: i32) -> (i32, i32) {
    %c0_i32 = arith.constant 0 : i32
    %c0_i32_0 = arith.constant 0 : i32
    return %c0_i32, %arg0 : i32, i32
  }
  func.func @transform_1(%arg0: i32) -> (i32, i32) {
    %c0_i32 = arith.constant 0 : i32
    %c0_i32_0 = arith.constant 0 : i32
    return %arg0, %c0_i32 : i32, i32
  }
  func.func @transform_2(%arg0: i32) -> (i32, i32) {
    %c0_i32 = arith.constant 0 : i32
    %c0_i32_0 = arith.constant 0 : i32
    %c0_i32_1 = arith.constant 0 : i32
    return %c0_i32, %c0_i32_0 : i32, i32
  }
  func.func @transform_3(%arg0: i32) -> (i32, i32) {
    %c0_i32 = arith.constant 0 : i32
    %c0_i32_0 = arith.constant 0 : i32
    %c0_i32_1 = arith.constant 0 : i32
    return %c0_i32, %c0_i32_0 : i32, i32
  }
  func.func @transform_4(%arg0: i32) -> (i32, i32, i32) {
    %c0_i32 = arith.constant 0 : i32
    %c0_i32_0 = arith.constant 0 : i32
    %c0_i32_1 = arith.constant 0 : i32
    return %c0_i32, %arg0, %c0_i32_0 : i32, i32, i32
  }
  func.func @transform_5(%arg0: i32) -> (i32, i32, i32) {
    %c0_i32 = arith.constant 0 : i32
    %c0_i32_0 = arith.constant 0 : i32
    %c0_i32_1 = arith.constant 0 : i32
    return %c0_i32, %arg0, %c0_i32_0 : i32, i32, i32
  }
  func.func @transform_6(%arg0: i32) -> (i32, i32, i32) {
    %c0_i32 = arith.constant 0 : i32
    %c0_i32_0 = arith.constant 0 : i32
    %c0_i32_1 = arith.constant 0 : i32
    return %c0_i32, %arg0, %c0_i32_0 : i32, i32, i32
  }
}

module attributes {stable_mosaic.version = 14 : i64} {
  func.func @_attn_kernel(%arg0: i32, %arg1: i32, %arg2: memref<2x1024x64xbf16, #tpu.memory_space<vmem>>, %arg3: memref<1x2048x64xbf16, #tpu.memory_space<vmem>>, %arg4: memref<1x2048x128xbf16, #tpu.memory_space<vmem>>, %arg5: memref<1024x128xbf16, #tpu.memory_space<vmem>>) attributes {dimension_semantics = [#tpu.dimension_semantics<arbitrary>, #tpu.dimension_semantics<arbitrary>], iteration_bounds = array<i64: 8, 2>, scalar_prefetch = 0 : i64, scratch_operands = 0 : i64, tpu.core_type = #tpu.core_type<tc>, window_params = [{transform_indices = @transform_0, window_bounds = array<i64: 2, 1024, 64>}, {transform_indices = @transform_1, window_bounds = array<i64: 1, 2048, 64>}, {transform_indices = @transform_2, window_bounds = array<i64: 1, 2048, 128>}, {transform_indices = @transform_3, window_bounds = array<i64: 1024, 128>}]} {
    %get3A = arith.constant 0 : index
    %get3A_0 = arith.constant 0 : index
    %get3A_1 = arith.constant 0 : index
    %get3A_2 = vector.load %arg2[%get3A, %get3A_0, %get3A_1] : memref<2x1024x64xbf16, #tpu.memory_space<vmem>>, vector<1x1024x64xbf16>
    %get3A_3 = vector.shape_cast %get3A_2 : vector<1x1024x64xbf16> to vector<1024x64xbf16>
    %convert_element_type3A = arith.extf %get3A_3 : vector<1024x64xbf16> to vector<1024x64xf32>
    %mul3A = arith.constant 0.180336878 : f32
    %mul3A_4 = vector.broadcast %mul3A : f32 to vector<1024x64xf32>
    %mul3A_5 = arith.mulf %convert_element_type3A, %mul3A_4 : vector<1024x64xf32>
    %convert_element_type3A_6 = arith.truncf %mul3A_5 : vector<1024x64xf32> to vector<1024x64xbf16>
    %get3A_7 = arith.constant 1 : index
    %get3A_8 = arith.constant 0 : index
    %get3A_9 = arith.constant 0 : index
    %get3A_10 = vector.load %arg2[%get3A_7, %get3A_8, %get3A_9] : memref<2x1024x64xbf16, #tpu.memory_space<vmem>>, vector<1x1024x64xbf16>
    %get3A_11 = vector.shape_cast %get3A_10 : vector<1x1024x64xbf16> to vector<1024x64xbf16>
    %convert_element_type3A_12 = arith.extf %get3A_11 : vector<1024x64xbf16> to vector<1024x64xf32>
    %mul3A_13 = arith.constant 0.180336878 : f32
    %mul3A_14 = vector.broadcast %mul3A_13 : f32 to vector<1024x64xf32>
    %mul3A_15 = arith.mulf %convert_element_type3A_12, %mul3A_14 : vector<1024x64xf32>
    %convert_element_type3A_16 = arith.truncf %mul3A_15 : vector<1024x64xf32> to vector<1024x64xbf16>
    %broadcast_in_dim3A = arith.constant -1.000000e+30 : f32
    %broadcast_in_dim3A_17 = vector.broadcast %broadcast_in_dim3A : f32 to vector<1024x1xf32>
    %broadcast_in_dim3A_18 = arith.constant 0.000000e+00 : f32
    %broadcast_in_dim3A_19 = vector.broadcast %broadcast_in_dim3A_18 : f32 to vector<1024x128xf32>
    %broadcast_in_dim3A_20 = arith.constant -1.000000e+30 : f32
    %broadcast_in_dim3A_21 = vector.broadcast %broadcast_in_dim3A_20 : f32 to vector<1024x1xf32>
    %broadcast_in_dim3A_22 = arith.constant 0.000000e+00 : f32
    %broadcast_in_dim3A_23 = vector.broadcast %broadcast_in_dim3A_22 : f32 to vector<1024x128xf32>
    %mul3A_24 = arith.constant 2 : i32
    %mul3A_25 = arith.muli %arg1, %mul3A_24 : i32
    %while3A = arith.constant 0 : i32
    %while3A_26 = arith.subi %mul3A_25, %while3A : i32
    %while3A_27 = arith.addi %while3A, %while3A_26 : i32
    %while3A_28 = arith.constant 1 : i32
    %while3A_29 = arith.divsi %while3A_26, %while3A_28 : i32
    %while3A_30 = arith.muli %while3A_29, %while3A_28 : i32
    %while3A_31 = arith.addi %while3A, %while3A_30 : i32
    %while3A_32 = arith.constant 1 : i32
    %while3A_33:4 = scf.for %while3A_173 = %while3A to %while3A_31 step %while3A_32 iter_args(%while3A_174 = %broadcast_in_dim3A_17, %while3A_175 = %broadcast_in_dim3A_19, %while3A_176 = %broadcast_in_dim3A_21, %while3A_177 = %broadcast_in_dim3A_23) -> (vector<1024x1xf32>, vector<1024x128xf32>, vector<1024x1xf32>, vector<1024x128xf32>)  : i32 {
      %mul3A_178 = arith.constant 512 : i32
      %mul3A_179 = arith.muli %while3A_173, %mul3A_178 : i32
      %get3A_180 = arith.constant 0 : index
      %get3A_181 = arith.index_cast %mul3A_179 : i32 to index
      %get3A_182 = arith.constant 0 : index
      %get3A_183 = vector.load %arg3[%get3A_180, %get3A_181, %get3A_182] : memref<1x2048x64xbf16, #tpu.memory_space<vmem>>, vector<1x512x64xbf16>
      %get3A_184 = vector.shape_cast %get3A_183 : vector<1x512x64xbf16> to vector<512x64xbf16>
      %mul3A_185 = arith.constant 512 : i32
      %mul3A_186 = arith.muli %while3A_173, %mul3A_185 : i32
      %get3A_187 = arith.constant 0 : index
      %get3A_188 = arith.index_cast %mul3A_186 : i32 to index
      %get3A_189 = arith.constant 0 : index
      %get3A_190 = vector.load %arg4[%get3A_187, %get3A_188, %get3A_189] : memref<1x2048x128xbf16, #tpu.memory_space<vmem>>, vector<1x512x128xbf16>
      %get3A_191 = vector.shape_cast %get3A_190 : vector<1x512x128xbf16> to vector<512x128xbf16>
      %dot_general3A_192 = arith.constant dense<0.000000e+00> : vector<1024x512xf32>
      %dot_general3A_193 = tpu.matmul %convert_element_type3A_6, %get3A_184, %dot_general3A_192 {dimension_numbers = #tpu.dot_dimension_numbers<[1], [1], [0], [0], [0, 0, 1, 0], [], []>, transpose_lhs_hint = false} : vector<1024x64xbf16>, vector<512x64xbf16>, vector<1024x512xf32> -> vector<1024x512xf32>
      %dot_general3A_194 = arith.constant dense<0.000000e+00> : vector<1024x512xf32>
      %dot_general3A_195 = tpu.matmul %convert_element_type3A_16, %get3A_184, %dot_general3A_194 {dimension_numbers = #tpu.dot_dimension_numbers<[1], [1], [0], [0], [0, 0, 1, 0], [], []>, transpose_lhs_hint = false} : vector<1024x64xbf16>, vector<512x64xbf16>, vector<1024x512xf32> -> vector<1024x512xf32>
      %reduce_max3A_196 = arith.constant dense<0xFF800000> : vector<1024xf32>
      %reduce_max3A_197 = vector.multi_reduction <maximumf>, %dot_general3A_193, %reduce_max3A_196 [1] : vector<1024x512xf32> to vector<1024xf32>
      %broadcast_in_dim3A_198 = vector.shape_cast %reduce_max3A_197 : vector<1024xf32> to vector<1024x1xf32>
      %max3A_199 = arith.maximumf %while3A_174, %broadcast_in_dim3A_198 : vector<1024x1xf32>
      %reduce_max3A_200 = arith.constant dense<0xFF800000> : vector<1024xf32>
      %reduce_max3A_201 = vector.multi_reduction <maximumf>, %dot_general3A_195, %reduce_max3A_200 [1] : vector<1024x512xf32> to vector<1024xf32>
      %broadcast_in_dim3A_202 = vector.shape_cast %reduce_max3A_201 : vector<1024xf32> to vector<1024x1xf32>
      %max3A_203 = arith.maximumf %while3A_176, %broadcast_in_dim3A_202 : vector<1024x1xf32>
      %sub3A_204 = vector.broadcast %max3A_199 : vector<1024x1xf32> to vector<1024x512xf32>
      %sub3A_205 = arith.subf %dot_general3A_193, %sub3A_204 : vector<1024x512xf32>
      %exp23A_206 = math.exp2 %sub3A_205 : vector<1024x512xf32>
      %sub3A_207 = vector.broadcast %max3A_203 : vector<1024x1xf32> to vector<1024x512xf32>
      %sub3A_208 = arith.subf %dot_general3A_195, %sub3A_207 : vector<1024x512xf32>
      %exp23A_209 = math.exp2 %sub3A_208 : vector<1024x512xf32>
      %sub3A_210 = arith.subf %while3A_174, %max3A_199 : vector<1024x1xf32>
      %exp23A_211 = math.exp2 %sub3A_210 : vector<1024x1xf32>
      %mul3A_212 = vector.broadcast %exp23A_211 : vector<1024x1xf32> to vector<1024x128xf32>
      %mul3A_213 = arith.mulf %while3A_175, %mul3A_212 : vector<1024x128xf32>
      %convert_element_type3A_214 = arith.truncf %exp23A_206 : vector<1024x512xf32> to vector<1024x512xbf16>
      %dot_general3A_215 = arith.constant dense<0.000000e+00> : vector<1024x128xf32>
      %dot_general3A_216 = tpu.matmul %convert_element_type3A_214, %get3A_191, %dot_general3A_215 {dimension_numbers = #tpu.dot_dimension_numbers<[1], [0], [0], [1], [0, 0, 1, 1], [], []>, transpose_lhs_hint = false} : vector<1024x512xbf16>, vector<512x128xbf16>, vector<1024x128xf32> -> vector<1024x128xf32>
      %add3A_217 = arith.addf %mul3A_213, %dot_general3A_216 : vector<1024x128xf32>
      %sub3A_218 = arith.subf %while3A_176, %max3A_203 : vector<1024x1xf32>
      %exp23A_219 = math.exp2 %sub3A_218 : vector<1024x1xf32>
      %mul3A_220 = vector.broadcast %exp23A_219 : vector<1024x1xf32> to vector<1024x128xf32>
      %mul3A_221 = arith.mulf %while3A_177, %mul3A_220 : vector<1024x128xf32>
      %convert_element_type3A_222 = arith.truncf %exp23A_209 : vector<1024x512xf32> to vector<1024x512xbf16>
      %dot_general3A_223 = arith.constant dense<0.000000e+00> : vector<1024x128xf32>
      %dot_general3A_224 = tpu.matmul %convert_element_type3A_222, %get3A_191, %dot_general3A_223 {dimension_numbers = #tpu.dot_dimension_numbers<[1], [0], [0], [1], [0, 0, 1, 1], [], []>, transpose_lhs_hint = false} : vector<1024x512xbf16>, vector<512x128xbf16>, vector<1024x128xf32> -> vector<1024x128xf32>
      %add3A_225 = arith.addf %mul3A_221, %dot_general3A_224 : vector<1024x128xf32>
      scf.yield %max3A_199, %add3A_217, %max3A_203, %add3A_225 : vector<1024x1xf32>, vector<1024x128xf32>, vector<1024x1xf32>, vector<1024x128xf32>
    }
    %while3A_34 = arith.constant 1 : i32
    %while3A_35:4 = scf.for %while3A_173 = %while3A_31 to %while3A_27 step %while3A_34 iter_args(%while3A_174 = %while3A_33#0, %while3A_175 = %while3A_33#1, %while3A_176 = %while3A_33#2, %while3A_177 = %while3A_33#3) -> (vector<1024x1xf32>, vector<1024x128xf32>, vector<1024x1xf32>, vector<1024x128xf32>)  : i32 {
      %mul3A_178 = arith.constant 512 : i32
      %mul3A_179 = arith.muli %while3A_173, %mul3A_178 : i32
      %get3A_180 = arith.constant 0 : index
      %get3A_181 = arith.index_cast %mul3A_179 : i32 to index
      %get3A_182 = arith.constant 0 : index
      %get3A_183 = vector.load %arg3[%get3A_180, %get3A_181, %get3A_182] : memref<1x2048x64xbf16, #tpu.memory_space<vmem>>, vector<1x512x64xbf16>
      %get3A_184 = vector.shape_cast %get3A_183 : vector<1x512x64xbf16> to vector<512x64xbf16>
      %mul3A_185 = arith.constant 512 : i32
      %mul3A_186 = arith.muli %while3A_173, %mul3A_185 : i32
      %get3A_187 = arith.constant 0 : index
      %get3A_188 = arith.index_cast %mul3A_186 : i32 to index
      %get3A_189 = arith.constant 0 : index
      %get3A_190 = vector.load %arg4[%get3A_187, %get3A_188, %get3A_189] : memref<1x2048x128xbf16, #tpu.memory_space<vmem>>, vector<1x512x128xbf16>
      %get3A_191 = vector.shape_cast %get3A_190 : vector<1x512x128xbf16> to vector<512x128xbf16>
      %dot_general3A_192 = arith.constant dense<0.000000e+00> : vector<1024x512xf32>
      %dot_general3A_193 = tpu.matmul %convert_element_type3A_6, %get3A_184, %dot_general3A_192 {dimension_numbers = #tpu.dot_dimension_numbers<[1], [1], [0], [0], [0, 0, 1, 0], [], []>, transpose_lhs_hint = false} : vector<1024x64xbf16>, vector<512x64xbf16>, vector<1024x512xf32> -> vector<1024x512xf32>
      %dot_general3A_194 = arith.constant dense<0.000000e+00> : vector<1024x512xf32>
      %dot_general3A_195 = tpu.matmul %convert_element_type3A_16, %get3A_184, %dot_general3A_194 {dimension_numbers = #tpu.dot_dimension_numbers<[1], [1], [0], [0], [0, 0, 1, 0], [], []>, transpose_lhs_hint = false} : vector<1024x64xbf16>, vector<512x64xbf16>, vector<1024x512xf32> -> vector<1024x512xf32>
      %reduce_max3A_196 = arith.constant dense<0xFF800000> : vector<1024xf32>
      %reduce_max3A_197 = vector.multi_reduction <maximumf>, %dot_general3A_193, %reduce_max3A_196 [1] : vector<1024x512xf32> to vector<1024xf32>
      %broadcast_in_dim3A_198 = vector.shape_cast %reduce_max3A_197 : vector<1024xf32> to vector<1024x1xf32>
      %max3A_199 = arith.maximumf %while3A_174, %broadcast_in_dim3A_198 : vector<1024x1xf32>
      %reduce_max3A_200 = arith.constant dense<0xFF800000> : vector<1024xf32>
      %reduce_max3A_201 = vector.multi_reduction <maximumf>, %dot_general3A_195, %reduce_max3A_200 [1] : vector<1024x512xf32> to vector<1024xf32>
      %broadcast_in_dim3A_202 = vector.shape_cast %reduce_max3A_201 : vector<1024xf32> to vector<1024x1xf32>
      %max3A_203 = arith.maximumf %while3A_176, %broadcast_in_dim3A_202 : vector<1024x1xf32>
      %sub3A_204 = vector.broadcast %max3A_199 : vector<1024x1xf32> to vector<1024x512xf32>
      %sub3A_205 = arith.subf %dot_general3A_193, %sub3A_204 : vector<1024x512xf32>
      %exp23A_206 = math.exp2 %sub3A_205 : vector<1024x512xf32>
      %sub3A_207 = vector.broadcast %max3A_203 : vector<1024x1xf32> to vector<1024x512xf32>
      %sub3A_208 = arith.subf %dot_general3A_195, %sub3A_207 : vector<1024x512xf32>
      %exp23A_209 = math.exp2 %sub3A_208 : vector<1024x512xf32>
      %sub3A_210 = arith.subf %while3A_174, %max3A_199 : vector<1024x1xf32>
      %exp23A_211 = math.exp2 %sub3A_210 : vector<1024x1xf32>
      %mul3A_212 = vector.broadcast %exp23A_211 : vector<1024x1xf32> to vector<1024x128xf32>
      %mul3A_213 = arith.mulf %while3A_175, %mul3A_212 : vector<1024x128xf32>
      %convert_element_type3A_214 = arith.truncf %exp23A_206 : vector<1024x512xf32> to vector<1024x512xbf16>
      %dot_general3A_215 = arith.constant dense<0.000000e+00> : vector<1024x128xf32>
      %dot_general3A_216 = tpu.matmul %convert_element_type3A_214, %get3A_191, %dot_general3A_215 {dimension_numbers = #tpu.dot_dimension_numbers<[1], [0], [0], [1], [0, 0, 1, 1], [], []>, transpose_lhs_hint = false} : vector<1024x512xbf16>, vector<512x128xbf16>, vector<1024x128xf32> -> vector<1024x128xf32>
      %add3A_217 = arith.addf %mul3A_213, %dot_general3A_216 : vector<1024x128xf32>
      %sub3A_218 = arith.subf %while3A_176, %max3A_203 : vector<1024x1xf32>
      %exp23A_219 = math.exp2 %sub3A_218 : vector<1024x1xf32>
      %mul3A_220 = vector.broadcast %exp23A_219 : vector<1024x1xf32> to vector<1024x128xf32>
      %mul3A_221 = arith.mulf %while3A_177, %mul3A_220 : vector<1024x128xf32>
      %convert_element_type3A_222 = arith.truncf %exp23A_209 : vector<1024x512xf32> to vector<1024x512xbf16>
      %dot_general3A_223 = arith.constant dense<0.000000e+00> : vector<1024x128xf32>
      %dot_general3A_224 = tpu.matmul %convert_element_type3A_222, %get3A_191, %dot_general3A_223 {dimension_numbers = #tpu.dot_dimension_numbers<[1], [0], [0], [1], [0, 0, 1, 1], [], []>, transpose_lhs_hint = false} : vector<1024x512xbf16>, vector<512x128xbf16>, vector<1024x128xf32> -> vector<1024x128xf32>
      %add3A_225 = arith.addf %mul3A_221, %dot_general3A_224 : vector<1024x128xf32>
      scf.yield %max3A_199, %add3A_217, %max3A_203, %add3A_225 : vector<1024x1xf32>, vector<1024x128xf32>, vector<1024x1xf32>, vector<1024x128xf32>
    }
    %mul3A_36 = arith.constant 2 : i32
    %mul3A_37 = arith.muli %arg1, %mul3A_36 : i32
    %add3A = arith.constant 0 : i32
    %add3A_38 = arith.addi %mul3A_37, %add3A : i32
    %mul3A_39 = arith.constant 512 : i32
    %mul3A_40 = arith.muli %add3A_38, %mul3A_39 : i32
    %get3A_41 = arith.constant 0 : index
    %get3A_42 = arith.index_cast %mul3A_40 : i32 to index
    %get3A_43 = arith.constant 0 : index
    %get3A_44 = vector.load %arg3[%get3A_41, %get3A_42, %get3A_43] : memref<1x2048x64xbf16, #tpu.memory_space<vmem>>, vector<1x512x64xbf16>
    %get3A_45 = vector.shape_cast %get3A_44 : vector<1x512x64xbf16> to vector<512x64xbf16>
    %mul3A_46 = arith.constant 512 : i32
    %mul3A_47 = arith.muli %add3A_38, %mul3A_46 : i32
    %get3A_48 = arith.constant 0 : index
    %get3A_49 = arith.index_cast %mul3A_47 : i32 to index
    %get3A_50 = arith.constant 0 : index
    %get3A_51 = vector.load %arg4[%get3A_48, %get3A_49, %get3A_50] : memref<1x2048x128xbf16, #tpu.memory_space<vmem>>, vector<1x512x128xbf16>
    %get3A_52 = vector.shape_cast %get3A_51 : vector<1x512x128xbf16> to vector<512x128xbf16>
    %dot_general3A = arith.constant dense<0.000000e+00> : vector<1024x512xf32>
    %dot_general3A_53 = tpu.matmul %convert_element_type3A_6, %get3A_45, %dot_general3A {dimension_numbers = #tpu.dot_dimension_numbers<[1], [1], [0], [0], [0, 0, 1, 0], [], []>, transpose_lhs_hint = false} : vector<1024x64xbf16>, vector<512x64xbf16>, vector<1024x512xf32> -> vector<1024x512xf32>
    %dot_general3A_54 = arith.constant dense<0.000000e+00> : vector<1024x512xf32>
    %dot_general3A_55 = tpu.matmul %convert_element_type3A_16, %get3A_45, %dot_general3A_54 {dimension_numbers = #tpu.dot_dimension_numbers<[1], [1], [0], [0], [0, 0, 1, 0], [], []>, transpose_lhs_hint = false} : vector<1024x64xbf16>, vector<512x64xbf16>, vector<1024x512xf32> -> vector<1024x512xf32>
    %mul3A_56 = arith.constant 1024 : i32
    %mul3A_57 = arith.muli %arg1, %mul3A_56 : i32
    %iota3A = tpu.iota {dimensions = array<i32: 0>} : vector<1024x512xi32>
    %add3A_58 = vector.broadcast %mul3A_57 : i32 to vector<1024x512xi32>
    %add3A_59 = arith.addi %add3A_58, %iota3A : vector<1024x512xi32>
    %iota3A_60 = tpu.iota {dimensions = array<i32: 1>} : vector<1024x512xi32>
    %mul3A_61 = arith.constant 512 : i32
    %mul3A_62 = arith.muli %add3A_38, %mul3A_61 : i32
    %add3A_63 = vector.broadcast %mul3A_62 : i32 to vector<1024x512xi32>
    %add3A_64 = arith.addi %add3A_63, %iota3A_60 : vector<1024x512xi32>
    %le3A = arith.cmpi sle, %add3A_64, %add3A_59 : vector<1024x512xi32>
    %jit3A = arith.constant -1.000000e+30 : f32
    %broadcast_in_dim3A_65 = vector.broadcast %jit3A : f32 to vector<1024x512xf32>
    %select_n3A = arith.select %le3A, %dot_general3A_53, %broadcast_in_dim3A_65 : vector<1024x512xi1>, vector<1024x512xf32>
    %jit3A_66 = arith.constant -1.000000e+30 : f32
    %broadcast_in_dim3A_67 = vector.broadcast %jit3A_66 : f32 to vector<1024x512xf32>
    %select_n3A_68 = arith.select %le3A, %dot_general3A_55, %broadcast_in_dim3A_67 : vector<1024x512xi1>, vector<1024x512xf32>
    %reduce_max3A = arith.constant dense<0xFF800000> : vector<1024xf32>
    %reduce_max3A_69 = vector.multi_reduction <maximumf>, %select_n3A, %reduce_max3A [1] : vector<1024x512xf32> to vector<1024xf32>
    %broadcast_in_dim3A_70 = vector.shape_cast %reduce_max3A_69 : vector<1024xf32> to vector<1024x1xf32>
    %max3A = arith.maximumf %while3A_35#0, %broadcast_in_dim3A_70 : vector<1024x1xf32>
    %reduce_max3A_71 = arith.constant dense<0xFF800000> : vector<1024xf32>
    %reduce_max3A_72 = vector.multi_reduction <maximumf>, %select_n3A_68, %reduce_max3A_71 [1] : vector<1024x512xf32> to vector<1024xf32>
    %broadcast_in_dim3A_73 = vector.shape_cast %reduce_max3A_72 : vector<1024xf32> to vector<1024x1xf32>
    %max3A_74 = arith.maximumf %while3A_35#2, %broadcast_in_dim3A_73 : vector<1024x1xf32>
    %sub3A = vector.broadcast %max3A : vector<1024x1xf32> to vector<1024x512xf32>
    %sub3A_75 = arith.subf %select_n3A, %sub3A : vector<1024x512xf32>
    %exp23A = math.exp2 %sub3A_75 : vector<1024x512xf32>
    %sub3A_76 = vector.broadcast %max3A_74 : vector<1024x1xf32> to vector<1024x512xf32>
    %sub3A_77 = arith.subf %select_n3A_68, %sub3A_76 : vector<1024x512xf32>
    %exp23A_78 = math.exp2 %sub3A_77 : vector<1024x512xf32>
    %sub3A_79 = arith.subf %while3A_35#0, %max3A : vector<1024x1xf32>
    %exp23A_80 = math.exp2 %sub3A_79 : vector<1024x1xf32>
    %mul3A_81 = vector.broadcast %exp23A_80 : vector<1024x1xf32> to vector<1024x128xf32>
    %mul3A_82 = arith.mulf %while3A_35#1, %mul3A_81 : vector<1024x128xf32>
    %convert_element_type3A_83 = arith.truncf %exp23A : vector<1024x512xf32> to vector<1024x512xbf16>
    %dot_general3A_84 = arith.constant dense<0.000000e+00> : vector<1024x128xf32>
    %dot_general3A_85 = tpu.matmul %convert_element_type3A_83, %get3A_52, %dot_general3A_84 {dimension_numbers = #tpu.dot_dimension_numbers<[1], [0], [0], [1], [0, 0, 1, 1], [], []>, transpose_lhs_hint = false} : vector<1024x512xbf16>, vector<512x128xbf16>, vector<1024x128xf32> -> vector<1024x128xf32>
    %add3A_86 = arith.addf %mul3A_82, %dot_general3A_85 : vector<1024x128xf32>
    %sub3A_87 = arith.subf %while3A_35#2, %max3A_74 : vector<1024x1xf32>
    %exp23A_88 = math.exp2 %sub3A_87 : vector<1024x1xf32>
    %mul3A_89 = vector.broadcast %exp23A_88 : vector<1024x1xf32> to vector<1024x128xf32>
    %mul3A_90 = arith.mulf %while3A_35#3, %mul3A_89 : vector<1024x128xf32>
    %convert_element_type3A_91 = arith.truncf %exp23A_78 : vector<1024x512xf32> to vector<1024x512xbf16>
    %dot_general3A_92 = arith.constant dense<0.000000e+00> : vector<1024x128xf32>
    %dot_general3A_93 = tpu.matmul %convert_element_type3A_91, %get3A_52, %dot_general3A_92 {dimension_numbers = #tpu.dot_dimension_numbers<[1], [0], [0], [1], [0, 0, 1, 1], [], []>, transpose_lhs_hint = false} : vector<1024x512xbf16>, vector<512x128xbf16>, vector<1024x128xf32> -> vector<1024x128xf32>
    %add3A_94 = arith.addf %mul3A_90, %dot_general3A_93 : vector<1024x128xf32>
    %mul3A_95 = arith.constant 2 : i32
    %mul3A_96 = arith.muli %arg1, %mul3A_95 : i32
    %add3A_97 = arith.constant 1 : i32
    %add3A_98 = arith.addi %mul3A_96, %add3A_97 : i32
    %mul3A_99 = arith.constant 512 : i32
    %mul3A_100 = arith.muli %add3A_98, %mul3A_99 : i32
    %get3A_101 = arith.constant 0 : index
    %get3A_102 = arith.index_cast %mul3A_100 : i32 to index
    %get3A_103 = arith.constant 0 : index
    %get3A_104 = vector.load %arg3[%get3A_101, %get3A_102, %get3A_103] : memref<1x2048x64xbf16, #tpu.memory_space<vmem>>, vector<1x512x64xbf16>
    %get3A_105 = vector.shape_cast %get3A_104 : vector<1x512x64xbf16> to vector<512x64xbf16>
    %mul3A_106 = arith.constant 512 : i32
    %mul3A_107 = arith.muli %add3A_98, %mul3A_106 : i32
    %get3A_108 = arith.constant 0 : index
    %get3A_109 = arith.index_cast %mul3A_107 : i32 to index
    %get3A_110 = arith.constant 0 : index
    %get3A_111 = vector.load %arg4[%get3A_108, %get3A_109, %get3A_110] : memref<1x2048x128xbf16, #tpu.memory_space<vmem>>, vector<1x512x128xbf16>
    %get3A_112 = vector.shape_cast %get3A_111 : vector<1x512x128xbf16> to vector<512x128xbf16>
    %dot_general3A_113 = arith.constant dense<0.000000e+00> : vector<1024x512xf32>
    %dot_general3A_114 = tpu.matmul %convert_element_type3A_6, %get3A_105, %dot_general3A_113 {dimension_numbers = #tpu.dot_dimension_numbers<[1], [1], [0], [0], [0, 0, 1, 0], [], []>, transpose_lhs_hint = false} : vector<1024x64xbf16>, vector<512x64xbf16>, vector<1024x512xf32> -> vector<1024x512xf32>
    %dot_general3A_115 = arith.constant dense<0.000000e+00> : vector<1024x512xf32>
    %dot_general3A_116 = tpu.matmul %convert_element_type3A_16, %get3A_105, %dot_general3A_115 {dimension_numbers = #tpu.dot_dimension_numbers<[1], [1], [0], [0], [0, 0, 1, 0], [], []>, transpose_lhs_hint = false} : vector<1024x64xbf16>, vector<512x64xbf16>, vector<1024x512xf32> -> vector<1024x512xf32>
    %mul3A_117 = arith.constant 1024 : i32
    %mul3A_118 = arith.muli %arg1, %mul3A_117 : i32
    %iota3A_119 = tpu.iota {dimensions = array<i32: 0>} : vector<1024x512xi32>
    %add3A_120 = vector.broadcast %mul3A_118 : i32 to vector<1024x512xi32>
    %add3A_121 = arith.addi %add3A_120, %iota3A_119 : vector<1024x512xi32>
    %iota3A_122 = tpu.iota {dimensions = array<i32: 1>} : vector<1024x512xi32>
    %mul3A_123 = arith.constant 512 : i32
    %mul3A_124 = arith.muli %add3A_98, %mul3A_123 : i32
    %add3A_125 = vector.broadcast %mul3A_124 : i32 to vector<1024x512xi32>
    %add3A_126 = arith.addi %add3A_125, %iota3A_122 : vector<1024x512xi32>
    %le3A_127 = arith.cmpi sle, %add3A_126, %add3A_121 : vector<1024x512xi32>
    %jit3A_128 = arith.constant -1.000000e+30 : f32
    %broadcast_in_dim3A_129 = vector.broadcast %jit3A_128 : f32 to vector<1024x512xf32>
    %select_n3A_130 = arith.select %le3A_127, %dot_general3A_114, %broadcast_in_dim3A_129 : vector<1024x512xi1>, vector<1024x512xf32>
    %jit3A_131 = arith.constant -1.000000e+30 : f32
    %broadcast_in_dim3A_132 = vector.broadcast %jit3A_131 : f32 to vector<1024x512xf32>
    %select_n3A_133 = arith.select %le3A_127, %dot_general3A_116, %broadcast_in_dim3A_132 : vector<1024x512xi1>, vector<1024x512xf32>
    %reduce_max3A_134 = arith.constant dense<0xFF800000> : vector<1024xf32>
    %reduce_max3A_135 = vector.multi_reduction <maximumf>, %select_n3A_130, %reduce_max3A_134 [1] : vector<1024x512xf32> to vector<1024xf32>
    %broadcast_in_dim3A_136 = vector.shape_cast %reduce_max3A_135 : vector<1024xf32> to vector<1024x1xf32>
    %max3A_137 = arith.maximumf %max3A, %broadcast_in_dim3A_136 : vector<1024x1xf32>
    %reduce_max3A_138 = arith.constant dense<0xFF800000> : vector<1024xf32>
    %reduce_max3A_139 = vector.multi_reduction <maximumf>, %select_n3A_133, %reduce_max3A_138 [1] : vector<1024x512xf32> to vector<1024xf32>
    %broadcast_in_dim3A_140 = vector.shape_cast %reduce_max3A_139 : vector<1024xf32> to vector<1024x1xf32>
    %max3A_141 = arith.maximumf %max3A_74, %broadcast_in_dim3A_140 : vector<1024x1xf32>
    %sub3A_142 = vector.broadcast %max3A_137 : vector<1024x1xf32> to vector<1024x512xf32>
    %sub3A_143 = arith.subf %select_n3A_130, %sub3A_142 : vector<1024x512xf32>
    %exp23A_144 = math.exp2 %sub3A_143 : vector<1024x512xf32>
    %sub3A_145 = vector.broadcast %max3A_141 : vector<1024x1xf32> to vector<1024x512xf32>
    %sub3A_146 = arith.subf %select_n3A_133, %sub3A_145 : vector<1024x512xf32>
    %exp23A_147 = math.exp2 %sub3A_146 : vector<1024x512xf32>
    %sub3A_148 = arith.subf %max3A, %max3A_137 : vector<1024x1xf32>
    %exp23A_149 = math.exp2 %sub3A_148 : vector<1024x1xf32>
    %mul3A_150 = vector.broadcast %exp23A_149 : vector<1024x1xf32> to vector<1024x128xf32>
    %mul3A_151 = arith.mulf %add3A_86, %mul3A_150 : vector<1024x128xf32>
    %convert_element_type3A_152 = arith.truncf %exp23A_144 : vector<1024x512xf32> to vector<1024x512xbf16>
    %dot_general3A_153 = arith.constant dense<0.000000e+00> : vector<1024x128xf32>
    %dot_general3A_154 = tpu.matmul %convert_element_type3A_152, %get3A_112, %dot_general3A_153 {dimension_numbers = #tpu.dot_dimension_numbers<[1], [0], [0], [1], [0, 0, 1, 1], [], []>, transpose_lhs_hint = false} : vector<1024x512xbf16>, vector<512x128xbf16>, vector<1024x128xf32> -> vector<1024x128xf32>
    %add3A_155 = arith.addf %mul3A_151, %dot_general3A_154 : vector<1024x128xf32>
    %sub3A_156 = arith.subf %max3A_74, %max3A_141 : vector<1024x1xf32>
    %exp23A_157 = math.exp2 %sub3A_156 : vector<1024x1xf32>
    %mul3A_158 = vector.broadcast %exp23A_157 : vector<1024x1xf32> to vector<1024x128xf32>
    %mul3A_159 = arith.mulf %add3A_94, %mul3A_158 : vector<1024x128xf32>
    %convert_element_type3A_160 = arith.truncf %exp23A_147 : vector<1024x512xf32> to vector<1024x512xbf16>
    %dot_general3A_161 = arith.constant dense<0.000000e+00> : vector<1024x128xf32>
    %dot_general3A_162 = tpu.matmul %convert_element_type3A_160, %get3A_112, %dot_general3A_161 {dimension_numbers = #tpu.dot_dimension_numbers<[1], [0], [0], [1], [0, 0, 1, 1], [], []>, transpose_lhs_hint = false} : vector<1024x512xbf16>, vector<512x128xbf16>, vector<1024x128xf32> -> vector<1024x128xf32>
    %add3A_163 = arith.addf %mul3A_159, %dot_general3A_162 : vector<1024x128xf32>
    %slice3A = vector.extract_strided_slice %add3A_155 {offsets = [0, 0], sizes = [1024, 64], strides = [1, 1]} : vector<1024x128xf32> to vector<1024x64xf32>
    %slice3A_164 = vector.extract_strided_slice %add3A_155 {offsets = [0, 64], sizes = [1024, 1], strides = [1, 1]} : vector<1024x128xf32> to vector<1024x1xf32>
    %div3A = vector.broadcast %slice3A_164 : vector<1024x1xf32> to vector<1024x64xf32>
    %div3A_165 = arith.divf %slice3A, %div3A : vector<1024x64xf32>
    %slice3A_166 = vector.extract_strided_slice %add3A_163 {offsets = [0, 0], sizes = [1024, 64], strides = [1, 1]} : vector<1024x128xf32> to vector<1024x64xf32>
    %slice3A_167 = vector.extract_strided_slice %add3A_163 {offsets = [0, 64], sizes = [1024, 1], strides = [1, 1]} : vector<1024x128xf32> to vector<1024x1xf32>
    %div3A_168 = vector.broadcast %slice3A_167 : vector<1024x1xf32> to vector<1024x64xf32>
    %div3A_169 = arith.divf %slice3A_166, %div3A_168 : vector<1024x64xf32>
    %concatenate3A = tpu.concatenate %div3A_165, %div3A_169 in 1 : vector<1024x64xf32>, vector<1024x64xf32> -> vector<1024x128xf32>
    %convert_element_type3A_170 = arith.truncf %concatenate3A : vector<1024x128xf32> to vector<1024x128xbf16>
    %swap3A = arith.constant 0 : index
    %swap3A_171 = arith.constant 0 : index
    %swap3A_172 = vector.load %arg5[%swap3A, %swap3A_171] : memref<1024x128xbf16, #tpu.memory_space<vmem>>, vector<1024x128xbf16>
    tpu.vector_store %arg5[%swap3A, %swap3A_171], %convert_element_type3A_170 {strides = array<i32>} : memref<1024x128xbf16, #tpu.memory_space<vmem>>, vector<1024x128xbf16>,
    return
  }
  func.func @transform_0(%arg0: i32, %arg1: i32) -> (i32, i32, i32) {
    %c0_i32 = arith.constant 0 : i32
    %c0_i32_0 = arith.constant 0 : i32
    return %arg0, %arg1, %c0_i32 : i32, i32, i32
  }
  func.func @transform_1(%arg0: i32, %arg1: i32) -> (i32, i32, i32) {
    %jit3A = arith.constant 2 : i32
    %div3A = arith.divsi %arg0, %jit3A : i32
    %sign3A = arith.constant 0 : i32
    %sign3A_0 = arith.cmpi sgt, %arg0, %sign3A : i32
    %sign3A_1 = arith.extui %sign3A_0 : i1 to i32
    %sign3A_2 = arith.constant 0 : i32
    %sign3A_3 = arith.cmpi slt, %arg0, %sign3A_2 : i32
    %sign3A_4 = arith.extui %sign3A_3 : i1 to i32
    %sign3A_5 = arith.subi %sign3A_1, %sign3A_4 : i32
    %sign3A_6 = arith.constant 0 : i32
    %sign3A_7 = arith.cmpi sgt, %jit3A, %sign3A_6 : i32
    %sign3A_8 = arith.extui %sign3A_7 : i1 to i32
    %sign3A_9 = arith.constant 0 : i32
    %sign3A_10 = arith.cmpi slt, %jit3A, %sign3A_9 : i32
    %sign3A_11 = arith.extui %sign3A_10 : i1 to i32
    %sign3A_12 = arith.subi %sign3A_8, %sign3A_11 : i32
    %ne3A = arith.cmpi ne, %sign3A_5, %sign3A_12 : i32
    %rem3A = arith.remsi %arg0, %jit3A : i32
    %ne3A_13 = arith.constant 0 : i32
    %ne3A_14 = arith.cmpi ne, %rem3A, %ne3A_13 : i32
    %and3A = arith.andi %ne3A, %ne3A_14 : i1
    %sub3A = arith.constant 1 : i32
    %sub3A_15 = arith.subi %div3A, %sub3A : i32
    %select_n3A = arith.select %and3A, %sub3A_15, %div3A : i32
    %c0_i32 = arith.constant 0 : i32
    %c0_i32_16 = arith.constant 0 : i32
    %c0_i32_17 = arith.constant 0 : i32
    return %select_n3A, %c0_i32, %c0_i32_16 : i32, i32, i32
  }
  func.func @transform_2(%arg0: i32, %arg1: i32) -> (i32, i32, i32) {
    %jit3A = arith.constant 2 : i32
    %div3A = arith.divsi %arg0, %jit3A : i32
    %sign3A = arith.constant 0 : i32
    %sign3A_0 = arith.cmpi sgt, %arg0, %sign3A : i32
    %sign3A_1 = arith.extui %sign3A_0 : i1 to i32
    %sign3A_2 = arith.constant 0 : i32
    %sign3A_3 = arith.cmpi slt, %arg0, %sign3A_2 : i32
    %sign3A_4 = arith.extui %sign3A_3 : i1 to i32
    %sign3A_5 = arith.subi %sign3A_1, %sign3A_4 : i32
    %sign3A_6 = arith.constant 0 : i32
    %sign3A_7 = arith.cmpi sgt, %jit3A, %sign3A_6 : i32
    %sign3A_8 = arith.extui %sign3A_7 : i1 to i32
    %sign3A_9 = arith.constant 0 : i32
    %sign3A_10 = arith.cmpi slt, %jit3A, %sign3A_9 : i32
    %sign3A_11 = arith.extui %sign3A_10 : i1 to i32
    %sign3A_12 = arith.subi %sign3A_8, %sign3A_11 : i32
    %ne3A = arith.cmpi ne, %sign3A_5, %sign3A_12 : i32
    %rem3A = arith.remsi %arg0, %jit3A : i32
    %ne3A_13 = arith.constant 0 : i32
    %ne3A_14 = arith.cmpi ne, %rem3A, %ne3A_13 : i32
    %and3A = arith.andi %ne3A, %ne3A_14 : i1
    %sub3A = arith.constant 1 : i32
    %sub3A_15 = arith.subi %div3A, %sub3A : i32
    %select_n3A = arith.select %and3A, %sub3A_15, %div3A : i32
    %c0_i32 = arith.constant 0 : i32
    %c0_i32_16 = arith.constant 0 : i32
    %c0_i32_17 = arith.constant 0 : i32
    return %select_n3A, %c0_i32, %c0_i32_16 : i32, i32, i32
  }
  func.func @transform_3(%arg0: i32, %arg1: i32) -> (i32, i32) {
    %c0_i32 = arith.constant 0 : i32
    return %arg1, %arg0 : i32, i32
  }
}

module attributes {stable_mosaic.version = 14 : i64} {
  func.func @_route_dispatch_kernel(%arg0: i32, %arg1: memref<2048x1024xbf16, #tpu.memory_space<vmem>>, %arg2: memref<2048x1024xf32, #tpu.memory_space<vmem>>, %arg3: memref<1024x1024xbf16, #tpu.memory_space<vmem>>, %arg4: memref<1x1024xf32, #tpu.memory_space<vmem>>, %arg5: memref<1024x8xf32, #tpu.memory_space<vmem>>, %arg6: memref<1x8xf32, #tpu.memory_space<vmem>>, %arg7: memref<2048x1024xf32, #tpu.memory_space<vmem>>, %arg8: memref<2048x1024xf32, #tpu.memory_space<vmem>>, %arg9: memref<2x2048xi32, #tpu.memory_space<vmem>>, %arg10: memref<2x2048xf32, #tpu.memory_space<vmem>>, %arg11: memref<1x24xi32, #tpu.memory_space<vmem>>) attributes {dimension_semantics = [#tpu.dimension_semantics<arbitrary>], iteration_bounds = array<i64: 1>, scalar_prefetch = 0 : i64, scratch_operands = 0 : i64, tpu.core_type = #tpu.core_type<tc>, window_params = [{pipeline_mode = #tpu.pipeline_mode<synchronous>, transform_indices = @transform_0, window_bounds = array<i64: 2048, 1024>}, {pipeline_mode = #tpu.pipeline_mode<synchronous>, transform_indices = @transform_1, window_bounds = array<i64: 2048, 1024>}, {pipeline_mode = #tpu.pipeline_mode<synchronous>, transform_indices = @transform_2, window_bounds = array<i64: 1024, 1024>}, {pipeline_mode = #tpu.pipeline_mode<synchronous>, transform_indices = @transform_3, window_bounds = array<i64: 1, 1024>}, {pipeline_mode = #tpu.pipeline_mode<synchronous>, transform_indices = @transform_4, window_bounds = array<i64: 1024, 8>}, {pipeline_mode = #tpu.pipeline_mode<synchronous>, transform_indices = @transform_5, window_bounds = array<i64: 1, 8>}, {pipeline_mode = #tpu.pipeline_mode<synchronous>, transform_indices = @transform_6, window_bounds = array<i64: 2048, 1024>}, {pipeline_mode = #tpu.pipeline_mode<synchronous>, transform_indices = @transform_7, window_bounds = array<i64: 2048, 1024>}, {pipeline_mode = #tpu.pipeline_mode<synchronous>, transform_indices = @transform_8, window_bounds = array<i64: 2, 2048>}, {pipeline_mode = #tpu.pipeline_mode<synchronous>, transform_indices = @transform_9, window_bounds = array<i64: 2, 2048>}, {pipeline_mode = #tpu.pipeline_mode<synchronous>, transform_indices = @transform_10, window_bounds = array<i64: 1, 24>}]} {
    %get3A = arith.constant 0 : index
    %get3A_0 = arith.constant 0 : index
    %get3A_1 = vector.load %arg1[%get3A, %get3A_0] : memref<2048x1024xbf16, #tpu.memory_space<vmem>>, vector<2048x1024xbf16>
    %get3A_2 = arith.constant 0 : index
    %get3A_3 = arith.constant 0 : index
    %get3A_4 = vector.load %arg3[%get3A_2, %get3A_3] : memref<1024x1024xbf16, #tpu.memory_space<vmem>>, vector<1024x1024xbf16>
    %dot_general3A = arith.constant dense<0.000000e+00> : vector<2048x1024xf32>
    %dot_general3A_5 = tpu.matmul %get3A_1, %get3A_4, %dot_general3A {dimension_numbers = #tpu.dot_dimension_numbers<[1], [0], [0], [1], [0, 0, 1, 1], [], []>, transpose_lhs_hint = false} : vector<2048x1024xbf16>, vector<1024x1024xbf16>, vector<2048x1024xf32> -> vector<2048x1024xf32>
    %get3A_6 = arith.constant 0 : index
    %get3A_7 = arith.constant 0 : index
    %get3A_8 = vector.load %arg2[%get3A_6, %get3A_7] : memref<2048x1024xf32, #tpu.memory_space<vmem>>, vector<2048x1024xf32>
    %add3A = arith.addf %get3A_8, %dot_general3A_5 : vector<2048x1024xf32>
    %mul3A = arith.mulf %add3A, %add3A : vector<2048x1024xf32>
    %reduce_sum3A = arith.constant dense<0.000000e+00> : vector<2048xf32>
    %reduce_sum3A_9 = vector.multi_reduction <add>, %mul3A, %reduce_sum3A [1] : vector<2048x1024xf32> to vector<2048xf32>
    %broadcast_in_dim3A = vector.shape_cast %reduce_sum3A_9 : vector<2048xf32> to vector<2048x1xf32>
    %div3A = arith.constant 1.024000e+03 : f32
    %div3A_10 = vector.broadcast %div3A : f32 to vector<2048x1xf32>
    %div3A_11 = arith.divf %broadcast_in_dim3A, %div3A_10 : vector<2048x1xf32>
    %add3A_12 = arith.constant 9.99999997E-7 : f32
    %add3A_13 = vector.broadcast %add3A_12 : f32 to vector<2048x1xf32>
    %add3A_14 = arith.addf %div3A_11, %add3A_13 : vector<2048x1xf32>
    %rsqrt3A = math.rsqrt %add3A_14 : vector<2048x1xf32>
    %mul3A_15 = vector.broadcast %rsqrt3A : vector<2048x1xf32> to vector<2048x1024xf32>
    %mul3A_16 = arith.mulf %add3A, %mul3A_15 : vector<2048x1024xf32>
    %get3A_17 = arith.constant 0 : index
    %get3A_18 = arith.constant 0 : index
    %get3A_19 = vector.load %arg4[%get3A_17, %get3A_18] : memref<1x1024xf32, #tpu.memory_space<vmem>>, vector<1x1024xf32>
    %mul3A_20 = vector.broadcast %get3A_19 : vector<1x1024xf32> to vector<2048x1024xf32>
    %mul3A_21 = arith.mulf %mul3A_16, %mul3A_20 : vector<2048x1024xf32>
    %swap3A = arith.constant 0 : index
    %swap3A_22 = arith.constant 0 : index
    %swap3A_23 = vector.load %arg7[%swap3A, %swap3A_22] : memref<2048x1024xf32, #tpu.memory_space<vmem>>, vector<2048x1024xf32>
    tpu.vector_store %arg7[%swap3A, %swap3A_22], %add3A {strides = array<i32>} : memref<2048x1024xf32, #tpu.memory_space<vmem>>, vector<2048x1024xf32>,
    %swap3A_24 = arith.constant 0 : index
    %swap3A_25 = arith.constant 0 : index
    %swap3A_26 = vector.load %arg8[%swap3A_24, %swap3A_25] : memref<2048x1024xf32, #tpu.memory_space<vmem>>, vector<2048x1024xf32>
    tpu.vector_store %arg8[%swap3A_24, %swap3A_25], %mul3A_21 {strides = array<i32>} : memref<2048x1024xf32, #tpu.memory_space<vmem>>, vector<2048x1024xf32>,
    %get3A_27 = arith.constant 0 : index
    %get3A_28 = arith.constant 0 : index
    %get3A_29 = vector.load %arg5[%get3A_27, %get3A_28] : memref<1024x8xf32, #tpu.memory_space<vmem>>, vector<1024x8xf32>
    %dot_general3A_30 = arith.constant dense<0.000000e+00> : vector<2048x8xf32>
    %dot_general3A_31 = tpu.matmul %mul3A_21, %get3A_29, %dot_general3A_30 {dimension_numbers = #tpu.dot_dimension_numbers<[1], [0], [0], [1], [0, 0, 1, 1], [], []>, transpose_lhs_hint = false} : vector<2048x1024xf32>, vector<1024x8xf32>, vector<2048x8xf32> -> vector<2048x8xf32>
    %logistic3A = arith.negf %dot_general3A_31 : vector<2048x8xf32>
    %logistic3A_32 = math.exp %logistic3A : vector<2048x8xf32>
    %logistic3A_33 = arith.constant 1.000000e+00 : f32
    %logistic3A_34 = vector.broadcast %logistic3A_33 : f32 to vector<2048x8xf32>
    %logistic3A_35 = arith.addf %logistic3A_34, %logistic3A_32 : vector<2048x8xf32>
    %logistic3A_36 = arith.divf %logistic3A_34, %logistic3A_35 : vector<2048x8xf32>
    %get3A_37 = arith.constant 0 : index
    %get3A_38 = arith.constant 0 : index
    %get3A_39 = vector.load %arg6[%get3A_37, %get3A_38] : memref<1x8xf32, #tpu.memory_space<vmem>>, vector<1x8xf32>
    %add3A_40 = vector.broadcast %get3A_39 : vector<1x8xf32> to vector<2048x8xf32>
    %add3A_41 = arith.addf %logistic3A_36, %add3A_40 : vector<2048x8xf32>
    %iota3A = tpu.iota {dimensions = array<i32: 1>} : vector<2048x8xi32>
    %roll3A = arith.constant 7 : i32
    %roll3A_42 = tpu.dynamic_rotate %add3A_41 by %roll3A dim 1 : vector<2048x8xf32>, i32 -> vector<2048x8xf32>
    %add3A_43 = arith.addf %add3A_41, %roll3A_42 : vector<2048x8xf32>
    %jit3A = arith.constant 2 : i32
    %eq3A = arith.constant 0 : i32
    %eq3A_44 = arith.cmpi eq, %jit3A, %eq3A : i32
    %jit3A_45 = arith.constant 1 : i32
    %select_n3A = arith.select %eq3A_44, %jit3A_45, %jit3A : i32
    %rem3A = vector.broadcast %select_n3A : i32 to vector<2048x8xi32>
    %rem3A_46 = arith.remsi %iota3A, %rem3A : vector<2048x8xi32>
    %ne3A = arith.constant 0 : i32
    %ne3A_47 = vector.broadcast %ne3A : i32 to vector<2048x8xi32>
    %ne3A_48 = arith.cmpi ne, %rem3A_46, %ne3A_47 : vector<2048x8xi32>
    %lt3A = arith.constant 0 : i32
    %lt3A_49 = vector.broadcast %lt3A : i32 to vector<2048x8xi32>
    %lt3A_50 = arith.cmpi slt, %rem3A_46, %lt3A_49 : vector<2048x8xi32>
    %lt3A_51 = arith.constant 0 : i32
    %lt3A_52 = arith.cmpi slt, %select_n3A, %lt3A_51 : i32
    %ne3A_53 = vector.broadcast %lt3A_52 : i1 to vector<2048x8xi1>
    %ne3A_54 = vector.broadcast %ne3A_53 : vector<2048x8xi1> to vector<2048x8xi1>
    %ne3A_55 = arith.xori %lt3A_50, %ne3A_54 : vector<2048x8xi1>
    %and3A = arith.andi %ne3A_55, %ne3A_48 : vector<2048x8xi1>
    %add3A_56 = vector.broadcast %select_n3A : i32 to vector<2048x8xi32>
    %add3A_57 = arith.addi %rem3A_46, %add3A_56 : vector<2048x8xi32>
    %select_n3A_58 = arith.select %and3A, %add3A_57, %rem3A_46 : vector<2048x8xi1>, vector<2048x8xi32>
    %eq3A_59 = arith.constant 0 : i32
    %eq3A_60 = vector.broadcast %eq3A_59 : i32 to vector<2048x8xi32>
    %eq3A_61 = arith.cmpi eq, %select_n3A_58, %eq3A_60 : vector<2048x8xi32>
    %jit3A_62 = arith.constant 0xFF800000 : f32
    %broadcast_in_dim3A_63 = vector.broadcast %jit3A_62 : f32 to vector<2048x8xf32>
    %select_n3A_64 = arith.select %eq3A_61, %add3A_43, %broadcast_in_dim3A_63 : vector<2048x8xi1>, vector<2048x8xf32>
    %reduce_max3A = arith.constant dense<0xFF800000> : vector<2048xf32>
    %reduce_max3A_65 = vector.multi_reduction <maximumf>, %select_n3A_64, %reduce_max3A [1] : vector<2048x8xf32> to vector<2048xf32>
    %broadcast_in_dim3A_66 = vector.shape_cast %reduce_max3A_65 : vector<2048xf32> to vector<2048x1xf32>
    %iota3A_67 = tpu.iota {dimensions = array<i32: 1>} : vector<2048x8xi32>
    %eq3A_68 = vector.broadcast %broadcast_in_dim3A_66 : vector<2048x1xf32> to vector<2048x8xf32>
    %eq3A_69 = arith.cmpf oeq, %select_n3A_64, %eq3A_68 : vector<2048x8xf32>
    %jit3A_70 = arith.constant 8 : i32
    %broadcast_in_dim3A_71 = vector.broadcast %jit3A_70 : i32 to vector<2048x8xi32>
    %select_n3A_72 = arith.select %eq3A_69, %iota3A_67, %broadcast_in_dim3A_71 : vector<2048x8xi1>, vector<2048x8xi32>
    %reduce_min3A = arith.constant dense<2147483647> : vector<2048xi32>
    %reduce_min3A_73 = vector.multi_reduction <minsi>, %select_n3A_72, %reduce_min3A [1] : vector<2048x8xi32> to vector<2048xi32>
    %broadcast_in_dim3A_74 = vector.shape_cast %reduce_min3A_73 : vector<2048xi32> to vector<2048x1xi32>
    %eq3A_75 = vector.broadcast %broadcast_in_dim3A_74 : vector<2048x1xi32> to vector<2048x8xi32>
    %eq3A_76 = arith.cmpi eq, %iota3A, %eq3A_75 : vector<2048x8xi32>
    %jit3A_77 = arith.constant 0xFF800000 : f32
    %broadcast_in_dim3A_78 = vector.broadcast %jit3A_77 : f32 to vector<2048x8xf32>
    %select_n3A_79 = arith.select %eq3A_76, %broadcast_in_dim3A_78, %select_n3A_64 : vector<2048x8xi1>, vector<2048x8xf32>
    %reduce_max3A_80 = arith.constant dense<0xFF800000> : vector<2048xf32>
    %reduce_max3A_81 = vector.multi_reduction <maximumf>, %select_n3A_79, %reduce_max3A_80 [1] : vector<2048x8xf32> to vector<2048xf32>
    %broadcast_in_dim3A_82 = vector.shape_cast %reduce_max3A_81 : vector<2048xf32> to vector<2048x1xf32>
    %iota3A_83 = tpu.iota {dimensions = array<i32: 1>} : vector<2048x8xi32>
    %eq3A_84 = vector.broadcast %broadcast_in_dim3A_82 : vector<2048x1xf32> to vector<2048x8xf32>
    %eq3A_85 = arith.cmpf oeq, %select_n3A_79, %eq3A_84 : vector<2048x8xf32>
    %jit3A_86 = arith.constant 8 : i32
    %broadcast_in_dim3A_87 = vector.broadcast %jit3A_86 : i32 to vector<2048x8xi32>
    %select_n3A_88 = arith.select %eq3A_85, %iota3A_83, %broadcast_in_dim3A_87 : vector<2048x8xi1>, vector<2048x8xi32>
    %reduce_min3A_89 = arith.constant dense<2147483647> : vector<2048xi32>
    %reduce_min3A_90 = vector.multi_reduction <minsi>, %select_n3A_88, %reduce_min3A_89 [1] : vector<2048x8xi32> to vector<2048xi32>
    %broadcast_in_dim3A_91 = vector.shape_cast %reduce_min3A_90 : vector<2048xi32> to vector<2048x1xi32>
    %jit3A_92 = arith.constant 2 : i32
    %eq3A_93 = arith.constant 0 : i32
    %eq3A_94 = arith.cmpi eq, %jit3A_92, %eq3A_93 : i32
    %jit3A_95 = arith.constant 1 : i32
    %select_n3A_96 = arith.select %eq3A_94, %jit3A_95, %jit3A_92 : i32
    %rem3A_97 = vector.broadcast %select_n3A_96 : i32 to vector<2048x8xi32>
    %rem3A_98 = arith.remsi %iota3A, %rem3A_97 : vector<2048x8xi32>
    %ne3A_99 = arith.constant 0 : i32
    %ne3A_100 = vector.broadcast %ne3A_99 : i32 to vector<2048x8xi32>
    %ne3A_101 = arith.cmpi ne, %rem3A_98, %ne3A_100 : vector<2048x8xi32>
    %lt3A_102 = arith.constant 0 : i32
    %lt3A_103 = vector.broadcast %lt3A_102 : i32 to vector<2048x8xi32>
    %lt3A_104 = arith.cmpi slt, %rem3A_98, %lt3A_103 : vector<2048x8xi32>
    %lt3A_105 = arith.constant 0 : i32
    %lt3A_106 = arith.cmpi slt, %select_n3A_96, %lt3A_105 : i32
    %ne3A_107 = vector.broadcast %lt3A_106 : i1 to vector<2048x8xi1>
    %ne3A_108 = vector.broadcast %ne3A_107 : vector<2048x8xi1> to vector<2048x8xi1>
    %ne3A_109 = arith.xori %lt3A_104, %ne3A_108 : vector<2048x8xi1>
    %and3A_110 = arith.andi %ne3A_109, %ne3A_101 : vector<2048x8xi1>
    %add3A_111 = vector.broadcast %select_n3A_96 : i32 to vector<2048x8xi32>
    %add3A_112 = arith.addi %rem3A_98, %add3A_111 : vector<2048x8xi32>
    %select_n3A_113 = arith.select %and3A_110, %add3A_112, %rem3A_98 : vector<2048x8xi1>, vector<2048x8xi32>
    %sub3A = arith.subi %iota3A, %select_n3A_113 : vector<2048x8xi32>
    %eq3A_114 = vector.broadcast %broadcast_in_dim3A_74 : vector<2048x1xi32> to vector<2048x8xi32>
    %eq3A_115 = arith.cmpi eq, %sub3A, %eq3A_114 : vector<2048x8xi32>
    %eq3A_116 = vector.broadcast %broadcast_in_dim3A_91 : vector<2048x1xi32> to vector<2048x8xi32>
    %eq3A_117 = arith.cmpi eq, %sub3A, %eq3A_116 : vector<2048x8xi32>
    %or3A = arith.ori %eq3A_115, %eq3A_117 : vector<2048x8xi1>
    %jit3A_118 = arith.constant 0xFF800000 : f32
    %broadcast_in_dim3A_119 = vector.broadcast %jit3A_118 : f32 to vector<2048x8xf32>
    %select_n3A_120 = arith.select %or3A, %add3A_41, %broadcast_in_dim3A_119 : vector<2048x8xi1>, vector<2048x8xf32>
    %reduce_max3A_121 = arith.constant dense<0xFF800000> : vector<2048xf32>
    %reduce_max3A_122 = vector.multi_reduction <maximumf>, %select_n3A_120, %reduce_max3A_121 [1] : vector<2048x8xf32> to vector<2048xf32>
    %broadcast_in_dim3A_123 = vector.shape_cast %reduce_max3A_122 : vector<2048xf32> to vector<2048x1xf32>
    %iota3A_124 = tpu.iota {dimensions = array<i32: 1>} : vector<2048x8xi32>
    %eq3A_125 = vector.broadcast %broadcast_in_dim3A_123 : vector<2048x1xf32> to vector<2048x8xf32>
    %eq3A_126 = arith.cmpf oeq, %select_n3A_120, %eq3A_125 : vector<2048x8xf32>
    %jit3A_127 = arith.constant 8 : i32
    %broadcast_in_dim3A_128 = vector.broadcast %jit3A_127 : i32 to vector<2048x8xi32>
    %select_n3A_129 = arith.select %eq3A_126, %iota3A_124, %broadcast_in_dim3A_128 : vector<2048x8xi1>, vector<2048x8xi32>
    %reduce_min3A_130 = arith.constant dense<2147483647> : vector<2048xi32>
    %reduce_min3A_131 = vector.multi_reduction <minsi>, %select_n3A_129, %reduce_min3A_130 [1] : vector<2048x8xi32> to vector<2048xi32>
    %broadcast_in_dim3A_132 = vector.shape_cast %reduce_min3A_131 : vector<2048xi32> to vector<2048x1xi32>
    %eq3A_133 = vector.broadcast %broadcast_in_dim3A_132 : vector<2048x1xi32> to vector<2048x8xi32>
    %eq3A_134 = arith.cmpi eq, %iota3A, %eq3A_133 : vector<2048x8xi32>
    %jit3A_135 = arith.constant 0xFF800000 : f32
    %broadcast_in_dim3A_136 = vector.broadcast %jit3A_135 : f32 to vector<2048x8xf32>
    %select_n3A_137 = arith.select %eq3A_134, %broadcast_in_dim3A_136, %select_n3A_120 : vector<2048x8xi1>, vector<2048x8xf32>
    %reduce_max3A_138 = arith.constant dense<0xFF800000> : vector<2048xf32>
    %reduce_max3A_139 = vector.multi_reduction <maximumf>, %select_n3A_137, %reduce_max3A_138 [1] : vector<2048x8xf32> to vector<2048xf32>
    %broadcast_in_dim3A_140 = vector.shape_cast %reduce_max3A_139 : vector<2048xf32> to vector<2048x1xf32>
    %iota3A_141 = tpu.iota {dimensions = array<i32: 1>} : vector<2048x8xi32>
    %eq3A_142 = vector.broadcast %broadcast_in_dim3A_140 : vector<2048x1xf32> to vector<2048x8xf32>
    %eq3A_143 = arith.cmpf oeq, %select_n3A_137, %eq3A_142 : vector<2048x8xf32>
    %jit3A_144 = arith.constant 8 : i32
    %broadcast_in_dim3A_145 = vector.broadcast %jit3A_144 : i32 to vector<2048x8xi32>
    %select_n3A_146 = arith.select %eq3A_143, %iota3A_141, %broadcast_in_dim3A_145 : vector<2048x8xi1>, vector<2048x8xi32>
    %reduce_min3A_147 = arith.constant dense<2147483647> : vector<2048xi32>
    %reduce_min3A_148 = vector.multi_reduction <minsi>, %select_n3A_146, %reduce_min3A_147 [1] : vector<2048x8xi32> to vector<2048xi32>
    %broadcast_in_dim3A_149 = vector.shape_cast %reduce_min3A_148 : vector<2048xi32> to vector<2048x1xi32>
    %eq3A_150 = vector.broadcast %broadcast_in_dim3A_132 : vector<2048x1xi32> to vector<2048x8xi32>
    %eq3A_151 = arith.cmpi eq, %iota3A, %eq3A_150 : vector<2048x8xi32>
    %eq3A_152 = vector.broadcast %broadcast_in_dim3A_149 : vector<2048x1xi32> to vector<2048x8xi32>
    %eq3A_153 = arith.cmpi eq, %iota3A, %eq3A_152 : vector<2048x8xi32>
    %or3A_154 = arith.ori %eq3A_151, %eq3A_153 : vector<2048x8xi1>
    %jit3A_155 = arith.constant 0.000000e+00 : f32
    %broadcast_in_dim3A_156 = vector.broadcast %jit3A_155 : f32 to vector<2048x8xf32>
    %select_n3A_157 = arith.select %or3A_154, %logistic3A_36, %broadcast_in_dim3A_156 : vector<2048x8xi1>, vector<2048x8xf32>
    %transpose3A = tpu.transpose %select_n3A_157, [1, 0] : vector<2048x8xf32> -> vector<8x2048xf32>
    %gt3A = arith.constant 0.000000e+00 : f32
    %gt3A_158 = vector.broadcast %gt3A : f32 to vector<8x2048xf32>
    %gt3A_159 = arith.cmpf ogt, %transpose3A, %gt3A_158 : vector<8x2048xf32>
    %convert_element_type3A = arith.extui %gt3A_159 : vector<8x2048xi1> to vector<8x2048xi32>
    %convert_element_type3A_160 = arith.sitofp %convert_element_type3A : vector<8x2048xi32> to vector<8x2048xf32>
    %iota3A_161 = tpu.iota {dimensions = array<i32: 1>} : vector<8x2048xi32>
    %ge3A = arith.constant 1 : i32
    %ge3A_162 = vector.broadcast %ge3A : i32 to vector<8x2048xi32>
    %ge3A_163 = arith.cmpi sge, %iota3A_161, %ge3A_162 : vector<8x2048xi32>
    %roll3A_164 = arith.constant 1 : i32
    %roll3A_165 = tpu.dynamic_rotate %convert_element_type3A_160 by %roll3A_164 dim 1 : vector<8x2048xf32>, i32 -> vector<8x2048xf32>
    %jit3A_166 = arith.constant 0.000000e+00 : f32
    %broadcast_in_dim3A_167 = vector.broadcast %jit3A_166 : f32 to vector<8x2048xf32>
    %select_n3A_168 = arith.select %ge3A_163, %roll3A_165, %broadcast_in_dim3A_167 : vector<8x2048xi1>, vector<8x2048xf32>
    %add3A_169 = arith.addf %convert_element_type3A_160, %select_n3A_168 : vector<8x2048xf32>
    %ge3A_170 = arith.constant 2 : i32
    %ge3A_171 = vector.broadcast %ge3A_170 : i32 to vector<8x2048xi32>
    %ge3A_172 = arith.cmpi sge, %iota3A_161, %ge3A_171 : vector<8x2048xi32>
    %roll3A_173 = arith.constant 2 : i32
    %roll3A_174 = tpu.dynamic_rotate %add3A_169 by %roll3A_173 dim 1 : vector<8x2048xf32>, i32 -> vector<8x2048xf32>
    %jit3A_175 = arith.constant 0.000000e+00 : f32
    %broadcast_in_dim3A_176 = vector.broadcast %jit3A_175 : f32 to vector<8x2048xf32>
    %select_n3A_177 = arith.select %ge3A_172, %roll3A_174, %broadcast_in_dim3A_176 : vector<8x2048xi1>, vector<8x2048xf32>
    %add3A_178 = arith.addf %add3A_169, %select_n3A_177 : vector<8x2048xf32>
    %ge3A_179 = arith.constant 4 : i32
    %ge3A_180 = vector.broadcast %ge3A_179 : i32 to vector<8x2048xi32>
    %ge3A_181 = arith.cmpi sge, %iota3A_161, %ge3A_180 : vector<8x2048xi32>
    %roll3A_182 = arith.constant 4 : i32
    %roll3A_183 = tpu.dynamic_rotate %add3A_178 by %roll3A_182 dim 1 : vector<8x2048xf32>, i32 -> vector<8x2048xf32>
    %jit3A_184 = arith.constant 0.000000e+00 : f32
    %broadcast_in_dim3A_185 = vector.broadcast %jit3A_184 : f32 to vector<8x2048xf32>
    %select_n3A_186 = arith.select %ge3A_181, %roll3A_183, %broadcast_in_dim3A_185 : vector<8x2048xi1>, vector<8x2048xf32>
    %add3A_187 = arith.addf %add3A_178, %select_n3A_186 : vector<8x2048xf32>
    %ge3A_188 = arith.constant 8 : i32
    %ge3A_189 = vector.broadcast %ge3A_188 : i32 to vector<8x2048xi32>
    %ge3A_190 = arith.cmpi sge, %iota3A_161, %ge3A_189 : vector<8x2048xi32>
    %roll3A_191 = arith.constant 8 : i32
    %roll3A_192 = tpu.dynamic_rotate %add3A_187 by %roll3A_191 dim 1 : vector<8x2048xf32>, i32 -> vector<8x2048xf32>
    %jit3A_193 = arith.constant 0.000000e+00 : f32
    %broadcast_in_dim3A_194 = vector.broadcast %jit3A_193 : f32 to vector<8x2048xf32>
    %select_n3A_195 = arith.select %ge3A_190, %roll3A_192, %broadcast_in_dim3A_194 : vector<8x2048xi1>, vector<8x2048xf32>
    %add3A_196 = arith.addf %add3A_187, %select_n3A_195 : vector<8x2048xf32>
    %ge3A_197 = arith.constant 16 : i32
    %ge3A_198 = vector.broadcast %ge3A_197 : i32 to vector<8x2048xi32>
    %ge3A_199 = arith.cmpi sge, %iota3A_161, %ge3A_198 : vector<8x2048xi32>
    %roll3A_200 = arith.constant 16 : i32
    %roll3A_201 = tpu.dynamic_rotate %add3A_196 by %roll3A_200 dim 1 : vector<8x2048xf32>, i32 -> vector<8x2048xf32>
    %jit3A_202 = arith.constant 0.000000e+00 : f32
    %broadcast_in_dim3A_203 = vector.broadcast %jit3A_202 : f32 to vector<8x2048xf32>
    %select_n3A_204 = arith.select %ge3A_199, %roll3A_201, %broadcast_in_dim3A_203 : vector<8x2048xi1>, vector<8x2048xf32>
    %add3A_205 = arith.addf %add3A_196, %select_n3A_204 : vector<8x2048xf32>
    %ge3A_206 = arith.constant 32 : i32
    %ge3A_207 = vector.broadcast %ge3A_206 : i32 to vector<8x2048xi32>
    %ge3A_208 = arith.cmpi sge, %iota3A_161, %ge3A_207 : vector<8x2048xi32>
    %roll3A_209 = arith.constant 32 : i32
    %roll3A_210 = tpu.dynamic_rotate %add3A_205 by %roll3A_209 dim 1 : vector<8x2048xf32>, i32 -> vector<8x2048xf32>
    %jit3A_211 = arith.constant 0.000000e+00 : f32
    %broadcast_in_dim3A_212 = vector.broadcast %jit3A_211 : f32 to vector<8x2048xf32>
    %select_n3A_213 = arith.select %ge3A_208, %roll3A_210, %broadcast_in_dim3A_212 : vector<8x2048xi1>, vector<8x2048xf32>
    %add3A_214 = arith.addf %add3A_205, %select_n3A_213 : vector<8x2048xf32>
    %ge3A_215 = arith.constant 64 : i32
    %ge3A_216 = vector.broadcast %ge3A_215 : i32 to vector<8x2048xi32>
    %ge3A_217 = arith.cmpi sge, %iota3A_161, %ge3A_216 : vector<8x2048xi32>
    %roll3A_218 = arith.constant 64 : i32
    %roll3A_219 = tpu.dynamic_rotate %add3A_214 by %roll3A_218 dim 1 : vector<8x2048xf32>, i32 -> vector<8x2048xf32>
    %jit3A_220 = arith.constant 0.000000e+00 : f32
    %broadcast_in_dim3A_221 = vector.broadcast %jit3A_220 : f32 to vector<8x2048xf32>
    %select_n3A_222 = arith.select %ge3A_217, %roll3A_219, %broadcast_in_dim3A_221 : vector<8x2048xi1>, vector<8x2048xf32>
    %add3A_223 = arith.addf %add3A_214, %select_n3A_222 : vector<8x2048xf32>
    %ge3A_224 = arith.constant 128 : i32
    %ge3A_225 = vector.broadcast %ge3A_224 : i32 to vector<8x2048xi32>
    %ge3A_226 = arith.cmpi sge, %iota3A_161, %ge3A_225 : vector<8x2048xi32>
    %roll3A_227 = arith.constant 128 : i32
    %roll3A_228 = tpu.dynamic_rotate %add3A_223 by %roll3A_227 dim 1 : vector<8x2048xf32>, i32 -> vector<8x2048xf32>
    %jit3A_229 = arith.constant 0.000000e+00 : f32
    %broadcast_in_dim3A_230 = vector.broadcast %jit3A_229 : f32 to vector<8x2048xf32>
    %select_n3A_231 = arith.select %ge3A_226, %roll3A_228, %broadcast_in_dim3A_230 : vector<8x2048xi1>, vector<8x2048xf32>
    %add3A_232 = arith.addf %add3A_223, %select_n3A_231 : vector<8x2048xf32>
    %ge3A_233 = arith.constant 256 : i32
    %ge3A_234 = vector.broadcast %ge3A_233 : i32 to vector<8x2048xi32>
    %ge3A_235 = arith.cmpi sge, %iota3A_161, %ge3A_234 : vector<8x2048xi32>
    %roll3A_236 = arith.constant 256 : i32
    %roll3A_237 = tpu.dynamic_rotate %add3A_232 by %roll3A_236 dim 1 : vector<8x2048xf32>, i32 -> vector<8x2048xf32>
    %jit3A_238 = arith.constant 0.000000e+00 : f32
    %broadcast_in_dim3A_239 = vector.broadcast %jit3A_238 : f32 to vector<8x2048xf32>
    %select_n3A_240 = arith.select %ge3A_235, %roll3A_237, %broadcast_in_dim3A_239 : vector<8x2048xi1>, vector<8x2048xf32>
    %add3A_241 = arith.addf %add3A_232, %select_n3A_240 : vector<8x2048xf32>
    %ge3A_242 = arith.constant 512 : i32
    %ge3A_243 = vector.broadcast %ge3A_242 : i32 to vector<8x2048xi32>
    %ge3A_244 = arith.cmpi sge, %iota3A_161, %ge3A_243 : vector<8x2048xi32>
    %roll3A_245 = arith.constant 512 : i32
    %roll3A_246 = tpu.dynamic_rotate %add3A_241 by %roll3A_245 dim 1 : vector<8x2048xf32>, i32 -> vector<8x2048xf32>
    %jit3A_247 = arith.constant 0.000000e+00 : f32
    %broadcast_in_dim3A_248 = vector.broadcast %jit3A_247 : f32 to vector<8x2048xf32>
    %select_n3A_249 = arith.select %ge3A_244, %roll3A_246, %broadcast_in_dim3A_248 : vector<8x2048xi1>, vector<8x2048xf32>
    %add3A_250 = arith.addf %add3A_241, %select_n3A_249 : vector<8x2048xf32>
    %ge3A_251 = arith.constant 1024 : i32
    %ge3A_252 = vector.broadcast %ge3A_251 : i32 to vector<8x2048xi32>
    %ge3A_253 = arith.cmpi sge, %iota3A_161, %ge3A_252 : vector<8x2048xi32>
    %roll3A_254 = arith.constant 1024 : i32
    %roll3A_255 = tpu.dynamic_rotate %add3A_250 by %roll3A_254 dim 1 : vector<8x2048xf32>, i32 -> vector<8x2048xf32>
    %jit3A_256 = arith.constant 0.000000e+00 : f32
    %broadcast_in_dim3A_257 = vector.broadcast %jit3A_256 : f32 to vector<8x2048xf32>
    %select_n3A_258 = arith.select %ge3A_253, %roll3A_255, %broadcast_in_dim3A_257 : vector<8x2048xi1>, vector<8x2048xf32>
    %add3A_259 = arith.addf %add3A_250, %select_n3A_258 : vector<8x2048xf32>
    %sub3A_260 = arith.subf %add3A_259, %convert_element_type3A_160 : vector<8x2048xf32>
    %slice3A = vector.extract_strided_slice %add3A_259 {offsets = [0, 2047], sizes = [8, 1], strides = [1, 1]} : vector<8x2048xf32> to vector<8x1xf32>
    %add3A_261 = arith.constant 2.550000e+02 : f32
    %add3A_262 = vector.broadcast %add3A_261 : f32 to vector<8x1xf32>
    %add3A_263 = arith.addf %slice3A, %add3A_262 : vector<8x1xf32>
    %div3A_264 = arith.constant 2.560000e+02 : f32
    %div3A_265 = vector.broadcast %div3A_264 : f32 to vector<8x1xf32>
    %div3A_266 = arith.divf %add3A_263, %div3A_265 : vector<8x1xf32>
    %floor3A = math.floor %div3A_266 : vector<8x1xf32>
    %mul3A_267 = arith.constant 2.560000e+02 : f32
    %mul3A_268 = vector.broadcast %mul3A_267 : f32 to vector<8x1xf32>
    %mul3A_269 = arith.mulf %floor3A, %mul3A_268 : vector<8x1xf32>
    %iota3A_270 = tpu.iota {dimensions = array<i32: 0>} : vector<8x8xi32>
    %iota3A_271 = tpu.iota {dimensions = array<i32: 1>} : vector<8x8xi32>
    %gt3A_272 = arith.cmpi sgt, %iota3A_270, %iota3A_271 : vector<8x8xi32>
    %convert_element_type3A_273 = arith.extui %gt3A_272 : vector<8x8xi1> to vector<8x8xi32>
    %convert_element_type3A_274 = arith.sitofp %convert_element_type3A_273 : vector<8x8xi32> to vector<8x8xf32>
    %dot_general3A_275 = arith.constant dense<0.000000e+00> : vector<8x1xf32>
    %dot_general3A_276 = tpu.matmul %convert_element_type3A_274, %mul3A_269, %dot_general3A_275 {dimension_numbers = #tpu.dot_dimension_numbers<[1], [0], [0], [1], [0, 0, 1, 1], [], []>, transpose_lhs_hint = false} : vector<8x8xf32>, vector<8x1xf32>, vector<8x1xf32> -> vector<8x1xf32>
    %add3A_277 = vector.broadcast %dot_general3A_276 : vector<8x1xf32> to vector<8x2048xf32>
    %add3A_278 = arith.addf %add3A_277, %sub3A_260 : vector<8x2048xf32>
    %convert_element_type3A_279 = arith.fptosi %add3A_278 : vector<8x2048xf32> to vector<8x2048xi32>
    %iota3A_280 = tpu.iota {dimensions = array<i32: 0>} : vector<8x2048xi32>
    %jit3A_281 = arith.constant 8 : i32
    %broadcast_in_dim3A_282 = vector.broadcast %jit3A_281 : i32 to vector<8x2048xi32>
    %select_n3A_283 = arith.select %gt3A_159, %iota3A_280, %broadcast_in_dim3A_282 : vector<8x2048xi1>, vector<8x2048xi32>
    %reduce_min3A_284 = arith.constant dense<2147483647> : vector<2048xi32>
    %reduce_min3A_285 = vector.multi_reduction <minsi>, %select_n3A_283, %reduce_min3A_284 [0] : vector<8x2048xi32> to vector<2048xi32>
    %broadcast_in_dim3A_286 = vector.shape_cast %reduce_min3A_285 : vector<2048xi32> to vector<1x2048xi32>
    %jit3A_287 = arith.constant -1 : i32
    %broadcast_in_dim3A_288 = vector.broadcast %jit3A_287 : i32 to vector<8x2048xi32>
    %select_n3A_289 = arith.select %gt3A_159, %iota3A_280, %broadcast_in_dim3A_288 : vector<8x2048xi1>, vector<8x2048xi32>
    %reduce_max3A_290 = arith.constant dense<-2147483648> : vector<2048xi32>
    %reduce_max3A_291 = vector.multi_reduction <maxsi>, %select_n3A_289, %reduce_max3A_290 [0] : vector<8x2048xi32> to vector<2048xi32>
    %broadcast_in_dim3A_292 = vector.shape_cast %reduce_max3A_291 : vector<2048xi32> to vector<1x2048xi32>
    %eq3A_293 = vector.broadcast %broadcast_in_dim3A_286 : vector<1x2048xi32> to vector<8x2048xi32>
    %eq3A_294 = arith.cmpi eq, %iota3A_280, %eq3A_293 : vector<8x2048xi32>
    %jit3A_295 = arith.constant 0 : i32
    %broadcast_in_dim3A_296 = vector.broadcast %jit3A_295 : i32 to vector<8x2048xi32>
    %select_n3A_297 = arith.select %eq3A_294, %convert_element_type3A_279, %broadcast_in_dim3A_296 : vector<8x2048xi1>, vector<8x2048xi32>
    %reduce_sum3A_298 = arith.constant dense<0> : vector<2048xi32>
    %reduce_sum3A_299 = vector.multi_reduction <add>, %select_n3A_297, %reduce_sum3A_298 [0] : vector<8x2048xi32> to vector<2048xi32>
    %broadcast_in_dim3A_300 = vector.shape_cast %reduce_sum3A_299 : vector<2048xi32> to vector<1x2048xi32>
    %eq3A_301 = vector.broadcast %broadcast_in_dim3A_292 : vector<1x2048xi32> to vector<8x2048xi32>
    %eq3A_302 = arith.cmpi eq, %iota3A_280, %eq3A_301 : vector<8x2048xi32>
    %jit3A_303 = arith.constant 0 : i32
    %broadcast_in_dim3A_304 = vector.broadcast %jit3A_303 : i32 to vector<8x2048xi32>
    %select_n3A_305 = arith.select %eq3A_302, %convert_element_type3A_279, %broadcast_in_dim3A_304 : vector<8x2048xi1>, vector<8x2048xi32>
    %reduce_sum3A_306 = arith.constant dense<0> : vector<2048xi32>
    %reduce_sum3A_307 = vector.multi_reduction <add>, %select_n3A_305, %reduce_sum3A_306 [0] : vector<8x2048xi32> to vector<2048xi32>
    %broadcast_in_dim3A_308 = vector.shape_cast %reduce_sum3A_307 : vector<2048xi32> to vector<1x2048xi32>
    %eq3A_309 = vector.broadcast %broadcast_in_dim3A_286 : vector<1x2048xi32> to vector<8x2048xi32>
    %eq3A_310 = arith.cmpi eq, %iota3A_280, %eq3A_309 : vector<8x2048xi32>
    %jit3A_311 = arith.constant 0.000000e+00 : f32
    %broadcast_in_dim3A_312 = vector.broadcast %jit3A_311 : f32 to vector<8x2048xf32>
    %select_n3A_313 = arith.select %eq3A_310, %transpose3A, %broadcast_in_dim3A_312 : vector<8x2048xi1>, vector<8x2048xf32>
    %reduce_sum3A_314 = arith.constant dense<0.000000e+00> : vector<2048xf32>
    %reduce_sum3A_315 = vector.multi_reduction <add>, %select_n3A_313, %reduce_sum3A_314 [0] : vector<8x2048xf32> to vector<2048xf32>
    %broadcast_in_dim3A_316 = vector.shape_cast %reduce_sum3A_315 : vector<2048xf32> to vector<1x2048xf32>
    %eq3A_317 = vector.broadcast %broadcast_in_dim3A_292 : vector<1x2048xi32> to vector<8x2048xi32>
    %eq3A_318 = arith.cmpi eq, %iota3A_280, %eq3A_317 : vector<8x2048xi32>
    %jit3A_319 = arith.constant 0.000000e+00 : f32
    %broadcast_in_dim3A_320 = vector.broadcast %jit3A_319 : f32 to vector<8x2048xf32>
    %select_n3A_321 = arith.select %eq3A_318, %transpose3A, %broadcast_in_dim3A_320 : vector<8x2048xi1>, vector<8x2048xf32>
    %reduce_sum3A_322 = arith.constant dense<0.000000e+00> : vector<2048xf32>
    %reduce_sum3A_323 = vector.multi_reduction <add>, %select_n3A_321, %reduce_sum3A_322 [0] : vector<8x2048xf32> to vector<2048xf32>
    %broadcast_in_dim3A_324 = vector.shape_cast %reduce_sum3A_323 : vector<2048xf32> to vector<1x2048xf32>
    %add3A_325 = arith.addf %broadcast_in_dim3A_316, %broadcast_in_dim3A_324 : vector<1x2048xf32>
    %add3A_326 = arith.constant 9.99999968E-21 : f32
    %add3A_327 = vector.broadcast %add3A_326 : f32 to vector<1x2048xf32>
    %add3A_328 = arith.addf %add3A_325, %add3A_327 : vector<1x2048xf32>
    %swap3A_329 = arith.constant 0 : index
    %swap3A_330 = arith.constant 0 : index
    %swap3A_331 = vector.load %arg9[%swap3A_329, %swap3A_330] : memref<2x2048xi32, #tpu.memory_space<vmem>>, vector<1x2048xi32>
    tpu.vector_store %arg9[%swap3A_329, %swap3A_330], %broadcast_in_dim3A_300 {strides = array<i32>} : memref<2x2048xi32, #tpu.memory_space<vmem>>, vector<1x2048xi32>,
    %swap3A_332 = arith.constant 1 : index
    %swap3A_333 = arith.constant 0 : index
    %swap3A_334 = vector.load %arg9[%swap3A_332, %swap3A_333] : memref<2x2048xi32, #tpu.memory_space<vmem>>, vector<1x2048xi32>
    tpu.vector_store %arg9[%swap3A_332, %swap3A_333], %broadcast_in_dim3A_308 {strides = array<i32>} : memref<2x2048xi32, #tpu.memory_space<vmem>>, vector<1x2048xi32>,
    %div3A_335 = arith.divf %broadcast_in_dim3A_316, %add3A_328 : vector<1x2048xf32>
    %swap3A_336 = arith.constant 0 : index
    %swap3A_337 = arith.constant 0 : index
    %swap3A_338 = vector.load %arg10[%swap3A_336, %swap3A_337] : memref<2x2048xf32, #tpu.memory_space<vmem>>, vector<1x2048xf32>
    tpu.vector_store %arg10[%swap3A_336, %swap3A_337], %div3A_335 {strides = array<i32>} : memref<2x2048xf32, #tpu.memory_space<vmem>>, vector<1x2048xf32>,
    %div3A_339 = arith.divf %broadcast_in_dim3A_324, %add3A_328 : vector<1x2048xf32>
    %swap3A_340 = arith.constant 1 : index
    %swap3A_341 = arith.constant 0 : index
    %swap3A_342 = vector.load %arg10[%swap3A_340, %swap3A_341] : memref<2x2048xf32, #tpu.memory_space<vmem>>, vector<1x2048xf32>
    tpu.vector_store %arg10[%swap3A_340, %swap3A_341], %div3A_339 {strides = array<i32>} : memref<2x2048xf32, #tpu.memory_space<vmem>>, vector<1x2048xf32>,
    %iota3A_343 = tpu.iota {dimensions = array<i32: 1>} : vector<8x24xi32>
    %mul3A_344 = arith.constant 256 : i32
    %mul3A_345 = vector.broadcast %mul3A_344 : i32 to vector<8x24xi32>
    %mul3A_346 = arith.muli %iota3A_343, %mul3A_345 : vector<8x24xi32>
    %convert_element_type3A_347 = arith.sitofp %mul3A_346 : vector<8x24xi32> to vector<8x24xf32>
    %ge3A_348 = vector.broadcast %dot_general3A_276 : vector<8x1xf32> to vector<8x24xf32>
    %ge3A_349 = arith.cmpf oge, %convert_element_type3A_347, %ge3A_348 : vector<8x24xf32>
    %convert_element_type3A_350 = arith.extui %ge3A_349 : vector<8x24xi1> to vector<8x24xi32>
    %reduce_sum3A_351 = arith.constant dense<0> : vector<24xi32>
    %reduce_sum3A_352 = vector.multi_reduction <add>, %convert_element_type3A_350, %reduce_sum3A_351 [0] : vector<8x24xi32> to vector<24xi32>
    %broadcast_in_dim3A_353 = vector.shape_cast %reduce_sum3A_352 : vector<24xi32> to vector<1x24xi32>
    %sub3A_354 = arith.constant 1 : i32
    %sub3A_355 = vector.broadcast %sub3A_354 : i32 to vector<1x24xi32>
    %sub3A_356 = arith.subi %broadcast_in_dim3A_353, %sub3A_355 : vector<1x24xi32>
    %swap3A_357 = arith.constant 0 : index
    %swap3A_358 = arith.constant 0 : index
    %swap3A_359 = vector.load %arg11[%swap3A_357, %swap3A_358] : memref<1x24xi32, #tpu.memory_space<vmem>>, vector<1x24xi32>
    tpu.vector_store %arg11[%swap3A_357, %swap3A_358], %sub3A_356 {strides = array<i32>} : memref<1x24xi32, #tpu.memory_space<vmem>>, vector<1x24xi32>,
    return
  }
  func.func @transform_0(%arg0: i32) -> (i32, i32) {
    %c0_i32 = arith.constant 0 : i32
    %c0_i32_0 = arith.constant 0 : i32
    %c0_i32_1 = arith.constant 0 : i32
    return %c0_i32, %c0_i32_0 : i32, i32
  }
  func.func @transform_1(%arg0: i32) -> (i32, i32) {
    %c0_i32 = arith.constant 0 : i32
    %c0_i32_0 = arith.constant 0 : i32
    %c0_i32_1 = arith.constant 0 : i32
    return %c0_i32, %c0_i32_0 : i32, i32
  }
  func.func @transform_2(%arg0: i32) -> (i32, i32) {
    %c0_i32 = arith.constant 0 : i32
    %c0_i32_0 = arith.constant 0 : i32
    %c0_i32_1 = arith.constant 0 : i32
    return %c0_i32, %c0_i32_0 : i32, i32
  }
  func.func @transform_3(%arg0: i32) -> (i32, i32) {
    %c0_i32 = arith.constant 0 : i32
    %c0_i32_0 = arith.constant 0 : i32
    %c0_i32_1 = arith.constant 0 : i32
    return %c0_i32, %c0_i32_0 : i32, i32
  }
  func.func @transform_4(%arg0: i32) -> (i32, i32) {
    %c0_i32 = arith.constant 0 : i32
    %c0_i32_0 = arith.constant 0 : i32
    %c0_i32_1 = arith.constant 0 : i32
    return %c0_i32, %c0_i32_0 : i32, i32
  }
  func.func @transform_5(%arg0: i32) -> (i32, i32) {
    %c0_i32 = arith.constant 0 : i32
    %c0_i32_0 = arith.constant 0 : i32
    %c0_i32_1 = arith.constant 0 : i32
    return %c0_i32, %c0_i32_0 : i32, i32
  }
  func.func @transform_6(%arg0: i32) -> (i32, i32) {
    %c0_i32 = arith.constant 0 : i32
    %c0_i32_0 = arith.constant 0 : i32
    %c0_i32_1 = arith.constant 0 : i32
    return %c0_i32, %c0_i32_0 : i32, i32
  }
  func.func @transform_7(%arg0: i32) -> (i32, i32) {
    %c0_i32 = arith.constant 0 : i32
    %c0_i32_0 = arith.constant 0 : i32
    %c0_i32_1 = arith.constant 0 : i32
    return %c0_i32, %c0_i32_0 : i32, i32
  }
  func.func @transform_8(%arg0: i32) -> (i32, i32) {
    %c0_i32 = arith.constant 0 : i32
    %c0_i32_0 = arith.constant 0 : i32
    %c0_i32_1 = arith.constant 0 : i32
    return %c0_i32, %c0_i32_0 : i32, i32
  }
  func.func @transform_9(%arg0: i32) -> (i32, i32) {
    %c0_i32 = arith.constant 0 : i32
    %c0_i32_0 = arith.constant 0 : i32
    %c0_i32_1 = arith.constant 0 : i32
    return %c0_i32, %c0_i32_0 : i32, i32
  }
  func.func @transform_10(%arg0: i32) -> (i32, i32) {
    %c0_i32 = arith.constant 0 : i32
    %c0_i32_0 = arith.constant 0 : i32
    %c0_i32_1 = arith.constant 0 : i32
    return %c0_i32, %c0_i32_0 : i32, i32
  }
}

module attributes {stable_mosaic.version = 14 : i64} {
  func.func @_expert_kernel(%arg0: i32, %arg1: memref<24xi32, #tpu.memory_space<smem>>, %arg2: memref<256x1024xf32, #tpu.memory_space<vmem>>, %arg3: memref<8x1024x1024xbf16, #tpu.memory_space<vmem>>, %arg4: memref<8x512x1024xbf16, #tpu.memory_space<vmem>>, %arg5: memref<256x1024xf32, #tpu.memory_space<vmem>>) attributes {dimension_semantics = [#tpu.dimension_semantics<arbitrary>], iteration_bounds = array<i64: 24>, scalar_prefetch = 1 : i64, scratch_operands = 0 : i64, tpu.core_type = #tpu.core_type<tc>, window_params = [{transform_indices = @transform_0, window_bounds = array<i64: 256, 1024>}, {pipeline_mode = #tpu.pipeline_mode<synchronous>, transform_indices = @transform_1, window_bounds = array<i64: 8, 1024, 1024>}, {pipeline_mode = #tpu.pipeline_mode<synchronous>, transform_indices = @transform_2, window_bounds = array<i64: 8, 512, 1024>}, {transform_indices = @transform_3, window_bounds = array<i64: 256, 1024>}]} {
    %get3A = arith.index_cast %arg0 : i32 to index
    %get3A_0 = memref.load %arg1[%get3A] : memref<24xi32, #tpu.memory_space<smem>>
    %get3A_1 = arith.constant 0 : index
    %get3A_2 = arith.constant 0 : index
    %get3A_3 = vector.load %arg2[%get3A_1, %get3A_2] : memref<256x1024xf32, #tpu.memory_space<vmem>>, vector<256x1024xf32>
    %convert_element_type3A = arith.truncf %get3A_3 : vector<256x1024xf32> to vector<256x1024xbf16>
    %get3A_4 = arith.index_cast %get3A_0 : i32 to index
    %get3A_5 = arith.constant 0 : index
    %get3A_6 = arith.constant 0 : index
    %get3A_7 = vector.load %arg3[%get3A_4, %get3A_5, %get3A_6] : memref<8x1024x1024xbf16, #tpu.memory_space<vmem>>, vector<1x1024x1024xbf16>
    %get3A_8 = vector.shape_cast %get3A_7 : vector<1x1024x1024xbf16> to vector<1024x1024xbf16>
    %dot_general3A = arith.constant dense<0.000000e+00> : vector<256x1024xf32>
    %dot_general3A_9 = tpu.matmul %convert_element_type3A, %get3A_8, %dot_general3A {dimension_numbers = #tpu.dot_dimension_numbers<[1], [0], [0], [1], [0, 0, 1, 1], [], []>, transpose_lhs_hint = false} : vector<256x1024xbf16>, vector<1024x1024xbf16>, vector<256x1024xf32> -> vector<256x1024xf32>
    %slice3A = vector.extract_strided_slice %dot_general3A_9 {offsets = [0, 0], sizes = [256, 512], strides = [1, 1]} : vector<256x1024xf32> to vector<256x512xf32>
    %slice3A_10 = vector.extract_strided_slice %dot_general3A_9 {offsets = [0, 512], sizes = [256, 512], strides = [1, 1]} : vector<256x1024xf32> to vector<256x512xf32>
    %logistic3A = arith.negf %slice3A : vector<256x512xf32>
    %logistic3A_11 = math.exp %logistic3A : vector<256x512xf32>
    %logistic3A_12 = arith.constant 1.000000e+00 : f32
    %logistic3A_13 = vector.broadcast %logistic3A_12 : f32 to vector<256x512xf32>
    %logistic3A_14 = arith.addf %logistic3A_13, %logistic3A_11 : vector<256x512xf32>
    %logistic3A_15 = arith.divf %logistic3A_13, %logistic3A_14 : vector<256x512xf32>
    %mul3A = arith.mulf %slice3A, %logistic3A_15 : vector<256x512xf32>
    %mul3A_16 = arith.mulf %mul3A, %slice3A_10 : vector<256x512xf32>
    %convert_element_type3A_17 = arith.truncf %mul3A_16 : vector<256x512xf32> to vector<256x512xbf16>
    %get3A_18 = arith.index_cast %get3A_0 : i32 to index
    %get3A_19 = arith.constant 0 : index
    %get3A_20 = arith.constant 0 : index
    %get3A_21 = vector.load %arg4[%get3A_18, %get3A_19, %get3A_20] : memref<8x512x1024xbf16, #tpu.memory_space<vmem>>, vector<1x512x1024xbf16>
    %get3A_22 = vector.shape_cast %get3A_21 : vector<1x512x1024xbf16> to vector<512x1024xbf16>
    %dot_general3A_23 = arith.constant dense<0.000000e+00> : vector<256x1024xf32>
    %dot_general3A_24 = tpu.matmul %convert_element_type3A_17, %get3A_22, %dot_general3A_23 {dimension_numbers = #tpu.dot_dimension_numbers<[1], [0], [0], [1], [0, 0, 1, 1], [], []>, transpose_lhs_hint = false} : vector<256x512xbf16>, vector<512x1024xbf16>, vector<256x1024xf32> -> vector<256x1024xf32>
    %swap3A = arith.constant 0 : index
    %swap3A_25 = arith.constant 0 : index
    %swap3A_26 = vector.load %arg5[%swap3A, %swap3A_25] : memref<256x1024xf32, #tpu.memory_space<vmem>>, vector<256x1024xf32>
    tpu.vector_store %arg5[%swap3A, %swap3A_25], %dot_general3A_24 {strides = array<i32>} : memref<256x1024xf32, #tpu.memory_space<vmem>>, vector<256x1024xf32>,
    return
  }
  func.func @transform_0(%arg0: i32, %arg1: memref<24xi32, #tpu.memory_space<smem>>) -> (i32, i32) {
    %c0_i32 = arith.constant 0 : i32
    %c0_i32_0 = arith.constant 0 : i32
    return %arg0, %c0_i32 : i32, i32
  }
  func.func @transform_1(%arg0: i32, %arg1: memref<24xi32, #tpu.memory_space<smem>>) -> (i32, i32, i32) {
    %c0_i32 = arith.constant 0 : i32
    %c0_i32_0 = arith.constant 0 : i32
    %c0_i32_1 = arith.constant 0 : i32
    %c0_i32_2 = arith.constant 0 : i32
    return %c0_i32, %c0_i32_0, %c0_i32_1 : i32, i32, i32
  }
  func.func @transform_2(%arg0: i32, %arg1: memref<24xi32, #tpu.memory_space<smem>>) -> (i32, i32, i32) {
    %c0_i32 = arith.constant 0 : i32
    %c0_i32_0 = arith.constant 0 : i32
    %c0_i32_1 = arith.constant 0 : i32
    %c0_i32_2 = arith.constant 0 : i32
    return %c0_i32, %c0_i32_0, %c0_i32_1 : i32, i32, i32
  }
  func.func @transform_3(%arg0: i32, %arg1: memref<24xi32, #tpu.memory_space<smem>>) -> (i32, i32) {
    %c0_i32 = arith.constant 0 : i32
    %c0_i32_0 = arith.constant 0 : i32
    return %arg0, %c0_i32 : i32, i32
  }
}

module attributes {stable_mosaic.version = 14 : i64} {
  func.func @_combine_kernel(%arg0: i32, %arg1: memref<256x1024xf32, #tpu.memory_space<vmem>>, %arg2: memref<256x1024xf32, #tpu.memory_space<vmem>>, %arg3: memref<256x1024xf32, #tpu.memory_space<vmem>>, %arg4: memref<2x256xf32, #tpu.memory_space<vmem>>, %arg5: memref<256x1024xf32, #tpu.memory_space<vmem>>) attributes {dimension_semantics = [#tpu.dimension_semantics<arbitrary>], iteration_bounds = array<i64: 8>, scalar_prefetch = 0 : i64, scratch_operands = 0 : i64, tpu.core_type = #tpu.core_type<tc>, window_params = [{transform_indices = @transform_0, window_bounds = array<i64: 256, 1024>}, {transform_indices = @transform_1, window_bounds = array<i64: 256, 1024>}, {transform_indices = @transform_2, window_bounds = array<i64: 256, 1024>}, {transform_indices = @transform_3, window_bounds = array<i64: 2, 256>}, {transform_indices = @transform_4, window_bounds = array<i64: 256, 1024>}]} {
    %get3A = arith.constant 0 : index
    %get3A_0 = arith.constant 0 : index
    %get3A_1 = vector.load %arg4[%get3A, %get3A_0] : memref<2x256xf32, #tpu.memory_space<vmem>>, vector<1x256xf32>
    %transpose3A = tpu.transpose %get3A_1, [1, 0] : vector<1x256xf32> -> vector<256x1xf32>
    %get3A_2 = arith.constant 1 : index
    %get3A_3 = arith.constant 0 : index
    %get3A_4 = vector.load %arg4[%get3A_2, %get3A_3] : memref<2x256xf32, #tpu.memory_space<vmem>>, vector<1x256xf32>
    %transpose3A_5 = tpu.transpose %get3A_4, [1, 0] : vector<1x256xf32> -> vector<256x1xf32>
    %get3A_6 = arith.constant 0 : index
    %get3A_7 = arith.constant 0 : index
    %get3A_8 = vector.load %arg1[%get3A_6, %get3A_7] : memref<256x1024xf32, #tpu.memory_space<vmem>>, vector<256x1024xf32>
    %get3A_9 = arith.constant 0 : index
    %get3A_10 = arith.constant 0 : index
    %get3A_11 = vector.load %arg2[%get3A_9, %get3A_10] : memref<256x1024xf32, #tpu.memory_space<vmem>>, vector<256x1024xf32>
    %mul3A = vector.broadcast %transpose3A : vector<256x1xf32> to vector<256x1024xf32>
    %mul3A_12 = arith.mulf %mul3A, %get3A_11 : vector<256x1024xf32>
    %add3A = arith.addf %get3A_8, %mul3A_12 : vector<256x1024xf32>
    %get3A_13 = arith.constant 0 : index
    %get3A_14 = arith.constant 0 : index
    %get3A_15 = vector.load %arg3[%get3A_13, %get3A_14] : memref<256x1024xf32, #tpu.memory_space<vmem>>, vector<256x1024xf32>
    %mul3A_16 = vector.broadcast %transpose3A_5 : vector<256x1xf32> to vector<256x1024xf32>
    %mul3A_17 = arith.mulf %mul3A_16, %get3A_15 : vector<256x1024xf32>
    %add3A_18 = arith.addf %add3A, %mul3A_17 : vector<256x1024xf32>
    %swap3A = arith.constant 0 : index
    %swap3A_19 = arith.constant 0 : index
    %swap3A_20 = vector.load %arg5[%swap3A, %swap3A_19] : memref<256x1024xf32, #tpu.memory_space<vmem>>, vector<256x1024xf32>
    tpu.vector_store %arg5[%swap3A, %swap3A_19], %add3A_18 {strides = array<i32>} : memref<256x1024xf32, #tpu.memory_space<vmem>>, vector<256x1024xf32>,
    return
  }
  func.func @transform_0(%arg0: i32) -> (i32, i32) {
    %c0_i32 = arith.constant 0 : i32
    %c0_i32_0 = arith.constant 0 : i32
    return %arg0, %c0_i32 : i32, i32
  }
  func.func @transform_1(%arg0: i32) -> (i32, i32) {
    %c0_i32 = arith.constant 0 : i32
    %c0_i32_0 = arith.constant 0 : i32
    return %arg0, %c0_i32 : i32, i32
  }
  func.func @transform_2(%arg0: i32) -> (i32, i32) {
    %c0_i32 = arith.constant 0 : i32
    %c0_i32_0 = arith.constant 0 : i32
    return %arg0, %c0_i32 : i32, i32
  }
  func.func @transform_3(%arg0: i32) -> (i32, i32) {
    %c0_i32 = arith.constant 0 : i32
    %c0_i32_0 = arith.constant 0 : i32
    return %c0_i32, %arg0 : i32, i32
  }
  func.func @transform_4(%arg0: i32) -> (i32, i32) {
    %c0_i32 = arith.constant 0 : i32
    %c0_i32_0 = arith.constant 0 : i32
    return %arg0, %c0_i32 : i32, i32
  }
}

</mosaic_0001>

<sc_bundles>
// kernel: kernel.12.cloned.1.call-start
scs
__scs_entry_jumppad:
0x0: {  	(pc) =	sbr.rel $0x88, $3  }
0x1: {  	(tag) =	ssettag $0x0;
	lr =	simm.s32 $0x1  }
0x2: {  	[smem:$0x3F97] =	sst lr;
	_ =	strace $0xD0000000  }
0x3: {  	_ = 	snop  }
0x4: {  	_ = 	snop  }
0x5: {  	_ = 	snop  }
0x6: {  	_ = 	snop  }
0x7: {  	_ = 	snop  }
__scs_overlays_trampoline_lowered:
0x8: {  	[smem:$0x3FA6] =	sst s0  }
0x9: {  	[smem:$0x3FA7] =	sst s1  }
0xa: {  	[smem:$0x3FA8] =	sst s2  }
0xb: {  	[smem:$0x3FA9] =	sst s3  }
0xc: {  	[smem:$0x3FAA] =	sst s4  }
0xd: {  	[smem:$0x3FAB] =	sst s5  }
0xe: {  	[smem:$0x3FAC] =	sst s6  }
0xf: {  	[smem:$0x3FAD] =	sst s7  }
0x10: {  	[smem:$0x3FAE] =	sst s8  }
0x11: {  	[smem:$0x3FAF] =	sst s9;
	s0 =	simm.s32 @!p0 $0x0  }
0x12: {  	s1 =	sld [smem:$0x3F95];
	s0 =	simm.s32 @p0 $0x1  }
0x13: {  	[smem:$0x3FB0] =	sst s0;
	s0 =	simm.s32 @!p1 $0x0  }
0x14: {  	s2 =	sld [smem:$0x3F94];
	s0 =	simm.s32 @p1 $0x1  }
0x15: {  	[smem:$0x3FB1] =	sst s0;
	s0 =	simm.s32 @!p2 $0x0  }
0x16: {  	s3 =	sld [smem:$0x3FDB];
	s0 =	simm.s32 @p2 $0x1  }
0x17: {  	s4 =	simm.s32 $0x1BF5;
	[smem:$0x3FB3] =	sst s0  }
0x18: {  	s0 =	sld [smem:$0x3F96];
	_ =	swait.ge [sflag:s4], $0x0  }
0x19: {  	s7 =	sld [smem:$0x3F97]  }
0x1a: {  	s8 =	sadd.s32 $0xFFFFE003, lr  }
0x1b: {  	s9 =	sadd.s32 $0xFFFFFEF7, lr;
	s5 =	simm.s32 $0xFFFFFFFF;
	p2 =	slt.u32 s8, $0xFFFFF086  }
0x1c: {  	p1 =	slt.u32 s9, $0xF7A;
	s5 =	simm.s32 @!p2 $0x0  }
0x1d: {  	s5 =	simm.s32 @p1 $0x1;
	p0 =	seq.s32 s7, s2  }
0x1e: {  	s7 =	smul.u32 @!p0 $0xF7A, s2;
	p2 =	seq.s32 @!p0 s5, $0x0  }
0x1f: {  	s9 =	smul.u32 $0xF7A, s1;
	s8 =	simm.s32 @!p0 $0x1BF5;
	p2 =	por !p2, p0  }
0x20: {  	[sflag:s8] =	ssyncset.s32 @!p0 $0xFFFFF086;
	s6 =	sadd.s32 @!p0 s3, s7;
	s7 =	simm.s32 @!p0 $0x108  }
0x21: {  	s3 =	sadd.s32 s3, s9;
	s6 =	sadd.s32 @!p0 $0x88, s6;
	s7 =	simm.s32 @p2 $0x1082  }
0x22: {  	[simem:s7], [sflag:s8] =	dma.local @!p0 [hbm:s6], $0xF7A  }
0x23: {  	s9 =	sor.u32 $0xD0000000, s2;
	s6 =	simm.s32 $0x108;
	_ =	swait.ge @!p0 [sflag:s8], $0x0  }
0x24: {  	s3 =	sadd.s32 $0x88, s3;
	s6 =	simm.s32 @!p1 $0x1082;
	[sflag:s4] =	ssyncset.s32 $0xFFFFF086  }
0x25: {  	[simem:s6], [sflag:s4] =	dma.local [hbm:s3], $0xF7A  }
0x26: {  	[smem:$0x3F97] =	sst s1;
	(tag) =	ssettag s2;
	_ =	strace s9  }
0x27: {  	s1 =	sld [smem:$0x3FA7]  }
0x28: {  	s2 =	sld [smem:$0x3FA8]  }
0x29: {  	s4 =	sld [smem:$0x3FAA]  }
0x2a: {  	p0 =	seq.s32 s5, $0x0;
	s5 =	sld [smem:$0x3FAB]  }
0x2b: {  	s6 =	sld [smem:$0x3FAC]  }
0x2c: {  	s7 =	sld [smem:$0x3FAD]  }
0x2d: {  	s3 =	simm.s32 $0x108;
	s8 =	sld [smem:$0x3FAE]  }
0x2e: {  	s3 =	simm.s32 @!p0 $0x1082;
	s9 =	sld [smem:$0x3FAF]  }
0x2f: {  	lr =	sadd.s32 s0, s3;
	s0 =	sld [smem:$0x3FA6]  }
0x30: {  	s3 =	sld [smem:$0x3FA9]  }
0x31: {  	[smem:$0x3FB2] =	sst s10  }
0x32: {  	s10 =	sld [smem:$0x3FB0];
	_ =	sdelay $0x3  }
0x33: {  	p0 =	seq.s32 s10, $0x1;
	s10 =	sld [smem:$0x3FB2];
	_ =	sdelay $0x3  }
0x34: {  	[smem:$0x3FB2] =	sst s10  }
0x35: {  	s10 =	sld [smem:$0x3FB1];
	_ =	sdelay $0x3  }
0x36: {  	p1 =	seq.s32 s10, $0x1;
	s10 =	sld [smem:$0x3FB2];
	_ =	sdelay $0x3  }
0x37: {  	[smem:$0x3FB2] =	sst s10  }
0x38: {  	s10 =	sld [smem:$0x3FB3]  }
0x39: {  	_ = 	snop;
	(pc) =	sbr.ind lr, $3  }
0x3a: {  	_ = 	snop  }
0x3b: {  	_ = 	snop  }
0x3c: {  	p2 =	seq.s32 s10, $0x1;
	s10 =	sld [smem:$0x3FB2]  }
0x3d: {  	_ =	shalt  }
0x3e: {  	_ =	shalt  }
0x3f: {  	_ =	shalt  }
0x40: {  	_ =	shalt  }
0x41: {  	_ =	shalt  }
0x42: {  	_ =	shalt  }
0x43: {  	_ =	shalt  }
0x44: {  	_ =	shalt  }
0x45: {  	_ =	shalt  }
0x46: {  	_ =	shalt  }
0x47: {  	_ =	shalt  }
0x48: {  	_ =	shalt  }
0x49: {  	_ =	shalt  }
0x4a: {  	_ =	shalt  }
0x4b: {  	_ =	shalt  }
0x4c: {  	_ =	shalt  }
0x4d: {  	_ =	shalt  }
0x4e: {  	_ =	shalt  }
0x4f: {  	_ =	shalt  }
0x50: {  	_ =	shalt  }
0x51: {  	_ =	shalt  }
0x52: {  	_ =	shalt  }
0x53: {  	_ =	shalt  }
0x54: {  	_ =	shalt  }
0x55: {  	_ =	shalt  }
0x56: {  	_ =	shalt  }
0x57: {  	_ =	shalt  }
0x58: {  	_ =	shalt  }
0x59: {  	_ =	shalt  }
0x5a: {  	_ =	shalt  }
0x5b: {  	_ =	shalt  }
0x5c: {  	_ =	shalt  }
0x5d: {  	_ =	shalt  }
0x5e: {  	_ =	shalt  }
0x5f: {  	_ =	shalt  }
0x60: {  	_ =	shalt  }
0x61: {  	_ =	shalt  }
0x62: {  	_ =	shalt  }
0x63: {  	_ =	shalt  }
0x64: {  	_ =	shalt  }
0x65: {  	_ =	shalt  }
0x66: {  	_ =	shalt  }
0x67: {  	_ =	shalt  }
0x68: {  	_ =	shalt  }
0x69: {  	_ =	shalt  }
0x6a: {  	_ =	shalt  }
0x6b: {  	_ =	shalt  }
0x6c: {  	_ =	shalt  }
0x6d: {  	_ =	shalt  }
0x6e: {  	_ =	shalt  }
0x6f: {  	_ =	shalt  }
0x70: {  	_ =	shalt  }
0x71: {  	_ =	shalt  }
0x72: {  	_ =	shalt  }
0x73: {  	_ =	shalt  }
0x74: {  	_ =	shalt  }
0x75: {  	_ =	shalt  }
0x76: {  	_ =	shalt  }
0x77: {  	_ =	shalt  }
0x78: {  	_ =	shalt  }
0x79: {  	_ =	shalt  }
0x7a: {  	_ =	shalt  }
0x7b: {  	_ =	shalt  }
0x7c: {  	_ =	shalt  }
0x7d: {  	_ =	shalt  }
0x7e: {  	_ =	shalt  }
0x7f: {  	_ =	shalt  }
0x80: {  	_ =	shalt  }
0x81: {  	_ =	shalt  }
0x82: {  	_ =	shalt  }
0x83: {  	_ =	shalt  }
0x84: {  	_ =	shalt  }
0x85: {  	_ =	shalt  }
0x86: {  	_ =	shalt  }
0x87: {  	_ =	shalt  }
.Lfunc_end0:
.L_simem_size_0:
called_computation.1_lowered:
.L_overlay_start_0:
0x88: {  	s2 =	sld [smem:$0x3FD9]  }
0x89: {  	s3 =	sld [smem:$0x3FFE];
	_ =	sdelay $0x1  }
0x8a: {  	s1 =	srdreg.scid  }
0x8b: {  	s0 =	sand.u32 $0x1, s1  }
0x8c: {  	s16 =	sshll.u32 s0, $0xA;
	s2 =	sadd.s32 s3, s2  }
0x8d: {  	s2 =	sadd.s32 s2, s16  }
0x8e: {  	[smem:$0x3FBE] =	sst s2  }
0x8f: {  	_ = 	snop  }
0x90: {  	(tm) =	ssettm $0x1  }
0x91: {  	s17 =	sld [smem:$0x3FFB];
	_ =	sdelay $0x3  }
0x92: {  	_ =	strace s17  }
0x93: {  	s2 =	sld [smem:$0x3FFC];
	_ =	sdelay $0x3  }
0x94: {  	_ =	strace s2  }
0x95: {  	s2 =	sld [smem:$0x3FFD];
	_ =	sdelay $0x3  }
0x96: {  	_ =	strace s2  }
0x97: {  	_ =	strace $0x8FFFFFFF  }
0x98: {  	s18 =	sld [smem:$0x3FDB];
	_ =	sdelay $0x1  }
0x99: {  	s19 =	simm.s32 $_scs_section_size  }
0x9a: {  	s4 =	simm.s32 $_size__tile_overlayer_lowered;
	s5 =	simm.s32 $_tile_overlayer_lowered  }
0x9b: {  	s22 =	simm.s32 $0x1BFF;
	s21 =	sshll.u32 s5, $0x1;
	s2 =	sadd.s32 s19, s18  }
0x9c: {  	s6 =	simm.s32 $0x0;
	s20 =	sshll.u32 s4, $0x1;
	s4 =	sadd.s32 s21, s2  }
0x9d: {  	[timem:s6], [sflag:s22] =	dma.local [hbm:s4], s20  }
0x9e: {  	_ =	swait.ge [sflag:s22], s20  }
0x9f: {  	s3 =	ssub.s32 $0x0, s20;
	[sflag:s22] =	ssyncset.done $0x0  }
0xa0: {  	[sflag:s22] =	ssyncadd.s32 s3;
	_ =	sdelay $0x1  }
0xa1: {  	s23 =	simm.s32 $0x1B8B  }
0xa2: {  	_ =	swait.ge [sflag:s23], $0x1  }
0xa3: {  	[sflag:s23] =	ssyncset.done $0x0  }
0xa4: {  	s25 =	simm.s32 $0x1B8E;
	s24 =	sld [smem:$0x3FFE];
	[sflag:s23] =	ssyncadd.s32 $0xFFFFFFFF  }
0xa5: {  	s26 =	simm.s32 $execute0_lowered;
	[smem:$0x3FD2] =	sst s25  }
0xa6: {  	s4 =	sshll.u32 s26, $0x1;
	_ =	strace $0x8000004F;
	[dreg:$0x1] =	wrdreg $0xFFFFFFFF  }
0xa7: {  	s28 =	simm.s32 $_size_execute0_lowered;
	s2 =	sadd.s32 s2, s4;
	[dreg:$0x0] =	wrdreg $0x0  }
0xa8: {  	s4 =	sshll.u32 s28, $0x1;
	[dreg:$0x2] =	wrdreg s2  }
0xa9: {  	[dreg:$0x3] =	wrdreg s4  }
0xaa: {  	[dreg:$0x4] =	wrdreg $0xC0  }
0xab: {  	_ =	task [dreg:s6], $0x5FFFF  }
0xac: {  	[dreg:$0x1] =	wrdreg $0xFFFFFFFF  }
0xad: {  	[dreg:$0x0] =	wrdreg $0x60  }
0xae: {  	[dreg:$0x2] =	wrdreg s24  }
0xaf: {  	[dreg:$0x3] =	wrdreg $0x9  }
0xb0: {  	_ =	task.clear_ibuf [dreg:s6], $0x4FFFF;
	_ =	strace $0x9000004F  }
0xb1: {  	s29 =	simm.s32 $0x9;
	_ =	strace $0x80000058  }
0xb2: {  	_ =	swait.ge [sflag:s29], $0x1  }
0xb3: {  	[sflag:s29] =	ssyncadd.s32 $0xFFFFFFFF  }
0xb4: {  	_ =	strace $0x90000058  }
0xb5: {  	_ =	sfence  }
0xb6: {  	s30 =	sld [smem:$0x0];
	_ =	sdelay $0x2  }
0xb7: {  	s31 =	sshll.u32 s1, $0xD;
	s1 =	sshrl.u32 s1, $0x2  }
0xb8: {  	s3 =	sand.u32 $0x4000, s31;
	s1 =	sadd.s32 s1, s30  }
0xb9: {  	s0 =	sor.u32 s3, s0;
	s1 =	sshll.u32 s1, $0x11  }
0xba: {  	s0 =	sor.u32 s1, s0  }
0xbb: {  	s0 =	sadd.s32 $0x8F2B, s0  }
0xbc: {  	[sflag:s0] =	ssyncadd.remote.s32 $0x1  }
0xbd: {  	_ =	sfence.sel $0xFFFF  }
0xbe: {  	[dreg:$0x0] =	wrdreg $0xFFFFFFFF;
	(pc) =	sbr.abs _section_cstart, $3  }
0xbf: {  	[dreg:$0x1] =	wrdreg $0xFFFFFFFF  }
0xc0: {  	_ =	task.clear_ibuf [dreg:s6], $0x2FFFF;
	_ =	strace $0x9FFFFFFF  }
0xc1: {  	(tm) =	ssettm $0x7FFFFFFF  }
tec
execute0_lowered:
.L_overlay_start_1:
0x0: {  	(tag) =	ssettag $0x1  }
0x1: {  	s5 =	rddreg [dreg:$0x0]  }
0x2: {  	s0 =	rddreg [dreg:$0x1];
	s1 =	simm.s32 $0x0  }
0x3: {  	s2 =	srdreg.scid;
	s9 =	simm.s32 $0x4;
	s10 =	simm.s32 $0x0  }
0x4: {  	[smem:$0x7FF] =	sst s1;
	s3 =	sadd.s32 $0x104400, s5;
	s4 =	sadd.s32 $0x43C00, s5  }
0x5: {  	s6 =	sand.u32 $0x1, s2;
	s2 =	stileid.u32;
	s5 =	sadd.s32 $0x44400, s5  }
0x6: {  	_ =	strace $0x80000050;
	s7 =	ssub.s32 $0x2, s6;
	s6 =	sshll.u32 s6, $0x4  }
0x7: {  	v2 =	vlaneseq.u32;
	[dreg:$0x2] =	wrdreg s5;
	s8 =	sshrl.u32 s7, $0x1;
	s6 =	sor.u32 s2, s6  }
0x8: {  	vm0 =	vmmov $0xffff;
	v1 =	vshrl.u32 v2, $0x3;
	s7 =	ssub.s32 s7, s8;
	s31 =	sshll.u32 s6, $0x6;
	s5 =	sshll.u32 s6, $0x2  }
0x9: {  	v0 =	vand.u32 $0x7, v2;
	v2 =	vor.u32 $0x8, v2;
	v1 =	vmul.u32 $0x8, v1;
	s8 =	simm.s32 $0x5;
	s6 =	sadd.s32 s4, s31;
	s7 =	smax.u32 s7, $0x1  }
.LBB2_1:
0xa: {  	_ =	strace $0x80000051;
	s11 =	simm.s32 $0x4  }
0xb: {  	s12 =	simm.s32 $0x0;
	s13 =	simm.s32 $0x0;
	s14 =	simm.s32 $0x0  }
0xc: {  	[tilespmem:s1], [sflag:$0x1] =	stream.linear.gather [hbm4b:s6+s1], $0x80, $0x200038;
	[tilespmem:$0x10100] =	vst v63  }
0xd: {  	s15 =	simm.s32 $0x0;
	s16 =	simm.s32 $0x1;
	_ =	strace $0x90000051  }
.LBB2_2:
0xe: {  	s17 =	smov.u32 s12;
	s12 =	sadd.s32 $0x1, s12  }
0xf: {  	p0 =	seq.s32 s12, $0x4  }
0x10: {  	s12 =	simm.s32 @p0 $0x0  }
0x11: {  	p6 =	sne.s32 s11, $0x1;
	p1 =	sne.s32 s17, s12  }
0x12: {  	p0 =	por !p6, !p1  }
0x13: {  	p0 =	por !p0, !p0  }
0x14: {  	s18 =	sadd.s32 @p0 s5, s12  }
0x15: {  	s19 =	sand.u32 @p0 $0x1, s16;
	s18 =	sshll.u32 @p0 s18, $0x4  }
0x16: {  	_ =	strace @p0 $0x80000052;
	s21 =	simm.s32 @p0 $0x0;
	s18 =	sand.u32 @p0 $0x1FFFFFF0, s18  }
0x17: {  	s20 =	sshll.u32 @p0 s19, $0x7;
	s19 =	sadd.s32 @p0 $0x1, s19;
	s18 =	sadd.s32 @p0 s4, s18  }
0x18: {  	[tilespmem:s20], [sflag:s19] =	stream.linear.gather @p0 [hbm4b:s18+s21], $0x80, $0x200038;
	[tilespmem:$0x10100] =	vst v63  }
0x19: {  	s24 =	sand.u32 $0x1, s15;
	_ =	strace @p0 $0x90000052  }
0x1a: {  	s18 =	sadd.s32 $0x1, s24;
	_ =	strace $0x80000053  }
0x1b: {  	_ =	swait.ge [sflag:s18], $0x80  }
0x1c: {  	[sflag:s18] =	ssyncset.done $0x0  }
0x1d: {  	[sflag:s18] =	ssyncadd.s32 $0xFFFFFF80  }
0x1e: {  	s25 =	sshll.u32 s15, $0x7;
	_ =	strace $0x90000053  }
0x1f: {  	s21 =	sand.u32 $0x80, s25;
	_ =	strace $0x80000054  }
0x20: {  	v3 =	vld [tilespmem:s21+$0x0];
	_ =	sdelay $0x4  }
0x21: {  	v4 =	vshll.u32 v3, $0x1  }
0x22: {  	v3 =	vand.u32 $0x7, v3;
	v4 =	vand.u32 $0xFFFFFFF0, v4  }
0x23: {  	v3 =	vor.u32 v3, v4  }
0x24: {  	v4 =	vperm.xlane v3, v0;
	_ =	sdelay $0x1  }
0x25: {  	v3 =	vperm.xlane v3, v2;
	v4 =	vadd.s32 v1, v4;
	_ =	sdelay $0x1  }
0x26: {  	s18 =	sand.u32 $0x1, s14;
	v3 =	vadd.s32 v1, v3  }
0x27: {  	s20 =	sshll.u32 s18, $0xF  }
0x28: {  	s19 =	sor.u32 $0x100, s20  }
0x29: {  	[tilespmem:s19], [sflag:$0x5] =	stream.indirect_vreg.gather [hbm4b:s3+s1], $0x80, v4, vm0, $0x2000b8;
	[tilespmem:$0x10100] =	vst v63  }
0x2a: {  	s22 =	sor.u32 $0x900, s20  }
0x2b: {  	[tilespmem:s22], [sflag:$0x5] =	stream.indirect_vreg.gather [hbm4b:s3+s1], $0x80, v3, vm0, $0x2000b8;
	[tilespmem:$0x10100] =	vst v63  }
0x2c: {  	v3 =	vld [tilespmem:s21+$0x10];
	_ =	sdelay $0x4  }
0x2d: {  	v57 =	vshll.u32 v3, $0x1  }
0x2e: {  	v3 =	vand.u32 $0x7, v3;
	v4 =	vand.u32 $0xFFFFFFF0, v57  }
0x2f: {  	v3 =	vor.u32 v3, v4  }
0x30: {  	v4 =	vperm.xlane v3, v0;
	_ =	sdelay $0x1  }
0x31: {  	v3 =	vperm.xlane v3, v2;
	v4 =	vadd.s32 v1, v4;
	_ =	sdelay $0x1  }
0x32: {  	v3 =	vadd.s32 v1, v3;
	_ =	sdelay $0x1  }
0x33: {  	s26 =	sor.u32 $0x1100, s20  }
0x34: {  	[tilespmem:s26], [sflag:$0x5] =	stream.indirect_vreg.gather [hbm4b:s3+s1], $0x80, v4, vm0, $0x2000b8;
	[tilespmem:$0x10100] =	vst v63  }
0x35: {  	s28 =	sor.u32 $0x1900, s20  }
0x36: {  	[tilespmem:s28], [sflag:$0x5] =	stream.indirect_vreg.gather [hbm4b:s3+s1], $0x80, v3, vm0, $0x2000b8;
	[tilespmem:$0x10100] =	vst v63  }
0x37: {  	v3 =	vld [tilespmem:s21+$0x20];
	_ =	sdelay $0x4  }
0x38: {  	v58 =	vshll.u32 v3, $0x1  }
0x39: {  	v3 =	vand.u32 $0x7, v3;
	v4 =	vand.u32 $0xFFFFFFF0, v58  }
0x3a: {  	v3 =	vor.u32 v3, v4  }
0x3b: {  	v4 =	vperm.xlane v3, v0;
	_ =	sdelay $0x1  }
0x3c: {  	v3 =	vperm.xlane v3, v2;
	v4 =	vadd.s32 v1, v4;
	_ =	sdelay $0x1  }
0x3d: {  	v3 =	vadd.s32 v1, v3;
	_ =	sdelay $0x1  }
0x3e: {  	s29 =	sor.u32 $0x2100, s20  }
0x3f: {  	[tilespmem:s29], [sflag:$0x5] =	stream.indirect_vreg.gather [hbm4b:s3+s1], $0x80, v4, vm0, $0x2000b8;
	[tilespmem:$0x10100] =	vst v63  }
0x40: {  	s30 =	sor.u32 $0x2900, s20  }
0x41: {  	[tilespmem:s30], [sflag:$0x5] =	stream.indirect_vreg.gather [hbm4b:s3+s1], $0x80, v3, vm0, $0x2000b8;
	[tilespmem:$0x10100] =	vst v63  }
0x42: {  	v3 =	vld [tilespmem:s21+$0x30];
	_ =	sdelay $0x4  }
0x43: {  	v59 =	vshll.u32 v3, $0x1  }
0x44: {  	v3 =	vand.u32 $0x7, v3;
	v4 =	vand.u32 $0xFFFFFFF0, v59  }
0x45: {  	v3 =	vor.u32 v3, v4  }
0x46: {  	v4 =	vperm.xlane v3, v0;
	_ =	sdelay $0x1  }
0x47: {  	v3 =	vperm.xlane v3, v2;
	v4 =	vadd.s32 v1, v4;
	_ =	sdelay $0x1  }
0x48: {  	v3 =	vadd.s32 v1, v3;
	_ =	sdelay $0x1  }
0x49: {  	s31 =	sor.u32 $0x3100, s20  }
0x4a: {  	[tilespmem:s31], [sflag:$0x5] =	stream.indirect_vreg.gather [hbm4b:s3+s1], $0x80, v4, vm0, $0x2000b8;
	[tilespmem:$0x10100] =	vst v63  }
0x4b: {  	s23 =	sor.u32 $0x3900, s20  }
0x4c: {  	[tilespmem:s23], [sflag:$0x5] =	stream.indirect_vreg.gather [hbm4b:s3+s1], $0x80, v3, vm0, $0x2000b8;
	[tilespmem:$0x10100] =	vst v63  }
0x4d: {  	v3 =	vld [tilespmem:s21+$0x40];
	_ =	sdelay $0x4  }
0x4e: {  	v60 =	vshll.u32 v3, $0x1  }
0x4f: {  	v3 =	vand.u32 $0x7, v3;
	v4 =	vand.u32 $0xFFFFFFF0, v60  }
0x50: {  	v3 =	vor.u32 v3, v4  }
0x51: {  	v4 =	vperm.xlane v3, v0;
	_ =	sdelay $0x1  }
0x52: {  	v3 =	vperm.xlane v3, v2;
	v4 =	vadd.s32 v1, v4;
	_ =	sdelay $0x1  }
0x53: {  	v3 =	vadd.s32 v1, v3;
	_ =	sdelay $0x1  }
0x54: {  	s24 =	sor.u32 $0x4100, s20  }
0x55: {  	[tilespmem:s24], [sflag:$0x5] =	stream.indirect_vreg.gather [hbm4b:s3+s1], $0x80, v4, vm0, $0x2000b8;
	[tilespmem:$0x10100] =	vst v63  }
0x56: {  	s25 =	sor.u32 $0x4900, s20  }
0x57: {  	[tilespmem:s25], [sflag:$0x5] =	stream.indirect_vreg.gather [hbm4b:s3+s1], $0x80, v3, vm0, $0x2000b8;
	[tilespmem:$0x10100] =	vst v63  }
0x58: {  	v3 =	vld [tilespmem:s21+$0x50];
	_ =	sdelay $0x4  }
0x59: {  	v61 =	vshll.u32 v3, $0x1  }
0x5a: {  	v3 =	vand.u32 $0x7, v3;
	v4 =	vand.u32 $0xFFFFFFF0, v61  }
0x5b: {  	v3 =	vor.u32 v3, v4  }
0x5c: {  	v4 =	vperm.xlane v3, v0;
	_ =	sdelay $0x1  }
0x5d: {  	v3 =	vperm.xlane v3, v2;
	v4 =	vadd.s32 v1, v4;
	_ =	sdelay $0x1  }
0x5e: {  	v3 =	vadd.s32 v1, v3;
	_ =	sdelay $0x1  }
0x5f: {  	s26 =	sor.u32 $0x5100, s20  }
0x60: {  	[tilespmem:s26], [sflag:$0x5] =	stream.indirect_vreg.gather [hbm4b:s3+s1], $0x80, v4, vm0, $0x2000b8;
	[tilespmem:$0x10100] =	vst v63  }
0x61: {  	s28 =	sor.u32 $0x5900, s20  }
0x62: {  	[tilespmem:s28], [sflag:$0x5] =	stream.indirect_vreg.gather [hbm4b:s3+s1], $0x80, v3, vm0, $0x2000b8;
	[tilespmem:$0x10100] =	vst v63  }
0x63: {  	v3 =	vld [tilespmem:s21+$0x60];
	_ =	sdelay $0x4  }
0x64: {  	v62 =	vshll.u32 v3, $0x1  }
0x65: {  	v3 =	vand.u32 $0x7, v3;
	v4 =	vand.u32 $0xFFFFFFF0, v62  }
0x66: {  	v3 =	vor.u32 v3, v4  }
0x67: {  	v4 =	vperm.xlane v3, v0;
	_ =	sdelay $0x1  }
0x68: {  	v3 =	vperm.xlane v3, v2;
	v4 =	vadd.s32 v1, v4;
	_ =	sdelay $0x1  }
0x69: {  	v3 =	vadd.s32 v1, v3;
	_ =	sdelay $0x1  }
0x6a: {  	s29 =	sor.u32 $0x6100, s20  }
0x6b: {  	[tilespmem:s29], [sflag:$0x5] =	stream.indirect_vreg.gather [hbm4b:s3+s1], $0x80, v4, vm0, $0x2000b8;
	[tilespmem:$0x10100] =	vst v63  }
0x6c: {  	s30 =	sor.u32 $0x6900, s20  }
0x6d: {  	[tilespmem:s30], [sflag:$0x5] =	stream.indirect_vreg.gather [hbm4b:s3+s1], $0x80, v3, vm0, $0x2000b8;
	[tilespmem:$0x10100] =	vst v63  }
0x6e: {  	v3 =	vld [tilespmem:s21+$0x70];
	_ =	sdelay $0x4  }
0x6f: {  	v63 =	vshll.u32 v3, $0x1  }
0x70: {  	v3 =	vand.u32 $0x7, v3;
	v4 =	vand.u32 $0xFFFFFFF0, v63  }
0x71: {  	v3 =	vor.u32 v3, v4  }
0x72: {  	v4 =	vperm.xlane v3, v0;
	_ =	sdelay $0x1  }
0x73: {  	v3 =	vperm.xlane v3, v2;
	v4 =	vadd.s32 v1, v4;
	_ =	sdelay $0x1  }
0x74: {  	v3 =	vadd.s32 v1, v3;
	_ =	sdelay $0x1  }
0x75: {  	s31 =	sor.u32 $0x7100, s20  }
0x76: {  	[tilespmem:s31], [sflag:$0x5] =	stream.indirect_vreg.gather [hbm4b:s3+s1], $0x80, v4, vm0, $0x2000b8;
	[tilespmem:$0x10100] =	vst v63  }
0x77: {  	s20 =	sor.u32 $0x7900, s20  }
0x78: {  	[tilespmem:s20], [sflag:$0x5] =	stream.indirect_vreg.gather [hbm4b:s3+s1], $0x80, v3, vm0, $0x2000b8;
	[tilespmem:$0x10100] =	vst v63  }
0x79: {  	_ =	swait.ge [sflag:s8], $0x8000  }
0x7a: {  	p2 =	seq.s32 s11, $0x1;
	[sflag:s8] =	ssyncset.done $0x0  }
0x7b: {  	s17 =	sadd.s32 s5, s17;
	p1 =	por p2, p1;
	[sflag:s8] =	ssyncadd.s32 $0xFFFF8000  }
0x7c: {  	s17 =	sshll.u32 @p1 s17, $0xC;
	_ =	strace $0x90000054  }
0x7d: {  	s17 =	sand.u32 @p1 $0x1FFFF000, s17;
	s21 =	simm.s32 $0x1;
	_ =	strace @p1 $0x80000055  }
0x7e: {  	s18 =	sadd.s32 @p1 $0x3, s18;
	s21 =	simm.s32 @!p0 $0x0;
	s20 =	rddreg [dreg:$0x2]  }
0x7f: {  	p0 =	seq.s32 s11, $0x4;
	s17 =	sadd.s32 @p1 s20, s17;
	s20 =	simm.s32 @p1 $0x0  }
0x80: {  	[hbm4b:s17+s20] =	stream.linear.scatter @p1 [tilespmem:s19], [sflag:s18], $0x8000, $0x200038;
	[tilespmem:$0x10100] =	vst v63  }
0x81: {  	s17 =	simm.s32 $0x1;
	s19 =	simm.s32 $0x1;
	_ =	strace @p1 $0x90000055  }
0x82: {  	s17 =	simm.s32 @!p1 $0x0;
	p1 =	sne.s32 s11, $0x4;
	s11 =	sadd.s32 $0xFFFFFFFF, s11  }
0x83: {  	s18 =	sand.u32 @!p0 $0x1, s13;
	s19 =	simm.s32 @!p1 $0x0;
	p1 =	sne.s32 s11, $0x0  }
.Ltmp0:
0x84: {  	s18 =	sadd.s32 @!p0 $0x3, s18;
	_ =	strace @!p0 $0x80000056;
	(pc) =	sbr.rel @p1 .LBB2_2-.Ltmp0, $4  }
0x85: {  	_ =	swait.ge @!p0 [sflag:s18], $0x8000  }
0x86: {  	[sflag:s18] =	ssyncset.done @!p0 $0x0  }
0x87: {  	s16 =	sadd.s32 s21, s16;
	s14 =	sadd.s32 s17, s14;
	[sflag:s18] =	ssyncadd.s32 @!p0 $0xFFFF8000  }
0x88: {  	s15 =	sadd.s32 s17, s15;
	s13 =	sadd.s32 s19, s13;
	_ =	strace @!p0 $0x90000056  }
0x89: {  	s10 =	sadd.s32 $0x1, s10  }
0x8a: {  	p0 =	sne.s32 s10, s7  }
.Ltmp1:
0x8b: {  	_ =	strace $0x80000057;
	(pc) =	sbr.rel @p0 .LBB2_1-.Ltmp1, $4  }
0x8c: {  	_ =	swait.ge [sflag:s9], $0x8000  }
0x8d: {  	[sflag:s9] =	ssyncset.done $0x0  }
0x8e: {  	[sflag:s9] =	ssyncadd.s32 $0xFFFF8000  }
0x8f: {  	_ =	strace $0x90000057  }
0x90: {  	_ =	sfence.sel $0x180000  }
0x91: {  	[bflag:$0x0] =	sbarrier.arrive $0xFFFF  }
0x92: {  	p0 =	sne.s32 s2, $0x0;
	_ =	strace $0x90000050  }
0x93: {  	s0 =	sadd.s32 @!p0 $0x100000, s0;
	[bflag:$0x2] =	sbarrier.arrive $0xFFFF  }
0x94: {  	[sflag:s0] =	ssyncadd.tile.s32 @!p0 $0x1;
	_ =	shalt  }
.Lfunc_end2:
_tile_overlayer_lowered:
.L_overlay_start_2:
0x95: {  	(tag) =	ssettag $0x2  }
0x96: {  	s0 =	rddreg [dreg:$0x0];
	s2 =	stileid.u32  }
0x97: {  	s1 =	rddreg [dreg:$0x1];
	p0 =	sne.s32 s2, $0x0  }
0x98: {  	s3 =	rddreg [dreg:$0x2];
	[bflag:$0x3] =	sbarrier.arrive $0xFFFF;
	s2 =	simm.s32 @!p0 $0x1C01  }
0x99: {  	[timem:s3], [sflag:s2] =	dma.local @!p0 [hbm:s0], s1  }
0x9a: {  	s0 =	simm.s32 @!p0 $0x1  }
0x9b: {  	_ =	swait.ge @!p0 [sflag:s0], s1  }
0x9c: {  	s1 =	ssub.s32 @!p0 $0x0, s1;
	[sflag:s0] =	ssyncset.done @!p0 $0x0  }
0x9d: {  	[sflag:s0] =	ssyncadd.s32 @!p0 s1  }
0x9e: {  	[bflag:$0x3] =	sbarrier.arrive $0xFFFF  }
0x9f: {  	_ =	shalt  }

// kernel: kernel.9.cloned.1.call-start
scs
__scs_entry_jumppad:
0x0: {  	(pc) =	sbr.rel $0x88, $3  }
0x1: {  	(tag) =	ssettag $0x0;
	lr =	simm.s32 $0x1  }
0x2: {  	[smem:$0x3F97] =	sst lr;
	_ =	strace $0xD0000000  }
0x3: {  	_ = 	snop  }
0x4: {  	_ = 	snop  }
0x5: {  	_ = 	snop  }
0x6: {  	_ = 	snop  }
0x7: {  	_ = 	snop  }
__scs_overlays_trampoline_lowered:
0x8: {  	[smem:$0x3FA6] =	sst s0  }
0x9: {  	[smem:$0x3FA7] =	sst s1  }
0xa: {  	[smem:$0x3FA8] =	sst s2  }
0xb: {  	[smem:$0x3FA9] =	sst s3  }
0xc: {  	[smem:$0x3FAA] =	sst s4  }
0xd: {  	[smem:$0x3FAB] =	sst s5  }
0xe: {  	[smem:$0x3FAC] =	sst s6  }
0xf: {  	[smem:$0x3FAD] =	sst s7  }
0x10: {  	[smem:$0x3FAE] =	sst s8  }
0x11: {  	[smem:$0x3FAF] =	sst s9;
	s0 =	simm.s32 @!p0 $0x0  }
0x12: {  	s1 =	sld [smem:$0x3F95];
	s0 =	simm.s32 @p0 $0x1  }
0x13: {  	[smem:$0x3FB0] =	sst s0;
	s0 =	simm.s32 @!p1 $0x0  }
0x14: {  	s2 =	sld [smem:$0x3F94];
	s0 =	simm.s32 @p1 $0x1  }
0x15: {  	[smem:$0x3FB1] =	sst s0;
	s0 =	simm.s32 @!p2 $0x0  }
0x16: {  	s3 =	sld [smem:$0x3FDB];
	s0 =	simm.s32 @p2 $0x1  }
0x17: {  	s4 =	simm.s32 $0x1BF5;
	[smem:$0x3FB3] =	sst s0  }
0x18: {  	s0 =	sld [smem:$0x3F96];
	_ =	swait.ge [sflag:s4], $0x0  }
0x19: {  	s7 =	sld [smem:$0x3F97]  }
0x1a: {  	s8 =	sadd.s32 $0xFFFFE003, lr  }
0x1b: {  	s9 =	sadd.s32 $0xFFFFFEF7, lr;
	s5 =	simm.s32 $0xFFFFFFFF;
	p2 =	slt.u32 s8, $0xFFFFF086  }
0x1c: {  	p1 =	slt.u32 s9, $0xF7A;
	s5 =	simm.s32 @!p2 $0x0  }
0x1d: {  	s5 =	simm.s32 @p1 $0x1;
	p0 =	seq.s32 s7, s2  }
0x1e: {  	s7 =	smul.u32 @!p0 $0xF7A, s2;
	p2 =	seq.s32 @!p0 s5, $0x0  }
0x1f: {  	s9 =	smul.u32 $0xF7A, s1;
	s8 =	simm.s32 @!p0 $0x1BF5;
	p2 =	por !p2, p0  }
0x20: {  	[sflag:s8] =	ssyncset.s32 @!p0 $0xFFFFF086;
	s6 =	sadd.s32 @!p0 s3, s7;
	s7 =	simm.s32 @!p0 $0x108  }
0x21: {  	s3 =	sadd.s32 s3, s9;
	s6 =	sadd.s32 @!p0 $0x88, s6;
	s7 =	simm.s32 @p2 $0x1082  }
0x22: {  	[simem:s7], [sflag:s8] =	dma.local @!p0 [hbm:s6], $0xF7A  }
0x23: {  	s9 =	sor.u32 $0xD0000000, s2;
	s6 =	simm.s32 $0x108;
	_ =	swait.ge @!p0 [sflag:s8], $0x0  }
0x24: {  	s3 =	sadd.s32 $0x88, s3;
	s6 =	simm.s32 @!p1 $0x1082;
	[sflag:s4] =	ssyncset.s32 $0xFFFFF086  }
0x25: {  	[simem:s6], [sflag:s4] =	dma.local [hbm:s3], $0xF7A  }
0x26: {  	[smem:$0x3F97] =	sst s1;
	(tag) =	ssettag s2;
	_ =	strace s9  }
0x27: {  	s1 =	sld [smem:$0x3FA7]  }
0x28: {  	s2 =	sld [smem:$0x3FA8]  }
0x29: {  	s4 =	sld [smem:$0x3FAA]  }
0x2a: {  	p0 =	seq.s32 s5, $0x0;
	s5 =	sld [smem:$0x3FAB]  }
0x2b: {  	s6 =	sld [smem:$0x3FAC]  }
0x2c: {  	s7 =	sld [smem:$0x3FAD]  }
0x2d: {  	s3 =	simm.s32 $0x108;
	s8 =	sld [smem:$0x3FAE]  }
0x2e: {  	s3 =	simm.s32 @!p0 $0x1082;
	s9 =	sld [smem:$0x3FAF]  }
0x2f: {  	lr =	sadd.s32 s0, s3;
	s0 =	sld [smem:$0x3FA6]  }
0x30: {  	s3 =	sld [smem:$0x3FA9]  }
0x31: {  	[smem:$0x3FB2] =	sst s10  }
0x32: {  	s10 =	sld [smem:$0x3FB0];
	_ =	sdelay $0x3  }
0x33: {  	p0 =	seq.s32 s10, $0x1;
	s10 =	sld [smem:$0x3FB2];
	_ =	sdelay $0x3  }
0x34: {  	[smem:$0x3FB2] =	sst s10  }
0x35: {  	s10 =	sld [smem:$0x3FB1];
	_ =	sdelay $0x3  }
0x36: {  	p1 =	seq.s32 s10, $0x1;
	s10 =	sld [smem:$0x3FB2];
	_ =	sdelay $0x3  }
0x37: {  	[smem:$0x3FB2] =	sst s10  }
0x38: {  	s10 =	sld [smem:$0x3FB3]  }
0x39: {  	_ = 	snop;
	(pc) =	sbr.ind lr, $3  }
0x3a: {  	_ = 	snop  }
0x3b: {  	_ = 	snop  }
0x3c: {  	p2 =	seq.s32 s10, $0x1;
	s10 =	sld [smem:$0x3FB2]  }
0x3d: {  	_ =	shalt  }
0x3e: {  	_ =	shalt  }
0x3f: {  	_ =	shalt  }
0x40: {  	_ =	shalt  }
0x41: {  	_ =	shalt  }
0x42: {  	_ =	shalt  }
0x43: {  	_ =	shalt  }
0x44: {  	_ =	shalt  }
0x45: {  	_ =	shalt  }
0x46: {  	_ =	shalt  }
0x47: {  	_ =	shalt  }
0x48: {  	_ =	shalt  }
0x49: {  	_ =	shalt  }
0x4a: {  	_ =	shalt  }
0x4b: {  	_ =	shalt  }
0x4c: {  	_ =	shalt  }
0x4d: {  	_ =	shalt  }
0x4e: {  	_ =	shalt  }
0x4f: {  	_ =	shalt  }
0x50: {  	_ =	shalt  }
0x51: {  	_ =	shalt  }
0x52: {  	_ =	shalt  }
0x53: {  	_ =	shalt  }
0x54: {  	_ =	shalt  }
0x55: {  	_ =	shalt  }
0x56: {  	_ =	shalt  }
0x57: {  	_ =	shalt  }
0x58: {  	_ =	shalt  }
0x59: {  	_ =	shalt  }
0x5a: {  	_ =	shalt  }
0x5b: {  	_ =	shalt  }
0x5c: {  	_ =	shalt  }
0x5d: {  	_ =	shalt  }
0x5e: {  	_ =	shalt  }
0x5f: {  	_ =	shalt  }
0x60: {  	_ =	shalt  }
0x61: {  	_ =	shalt  }
0x62: {  	_ =	shalt  }
0x63: {  	_ =	shalt  }
0x64: {  	_ =	shalt  }
0x65: {  	_ =	shalt  }
0x66: {  	_ =	shalt  }
0x67: {  	_ =	shalt  }
0x68: {  	_ =	shalt  }
0x69: {  	_ =	shalt  }
0x6a: {  	_ =	shalt  }
0x6b: {  	_ =	shalt  }
0x6c: {  	_ =	shalt  }
0x6d: {  	_ =	shalt  }
0x6e: {  	_ =	shalt  }
0x6f: {  	_ =	shalt  }
0x70: {  	_ =	shalt  }
0x71: {  	_ =	shalt  }
0x72: {  	_ =	shalt  }
0x73: {  	_ =	shalt  }
0x74: {  	_ =	shalt  }
0x75: {  	_ =	shalt  }
0x76: {  	_ =	shalt  }
0x77: {  	_ =	shalt  }
0x78: {  	_ =	shalt  }
0x79: {  	_ =	shalt  }
0x7a: {  	_ =	shalt  }
0x7b: {  	_ =	shalt  }
0x7c: {  	_ =	shalt  }
0x7d: {  	_ =	shalt  }
0x7e: {  	_ =	shalt  }
0x7f: {  	_ =	shalt  }
0x80: {  	_ =	shalt  }
0x81: {  	_ =	shalt  }
0x82: {  	_ =	shalt  }
0x83: {  	_ =	shalt  }
0x84: {  	_ =	shalt  }
0x85: {  	_ =	shalt  }
0x86: {  	_ =	shalt  }
0x87: {  	_ =	shalt  }
.Lfunc_end0:
.L_simem_size_0:
called_computation_lowered:
.L_overlay_start_0:
0x88: {  	s2 =	sld [smem:$0x3FD9]  }
0x89: {  	s3 =	sld [smem:$0x3FFE];
	_ =	sdelay $0x1  }
0x8a: {  	s1 =	srdreg.scid  }
0x8b: {  	s0 =	sand.u32 $0x1, s1  }
0x8c: {  	s16 =	sshll.u32 s0, $0xA;
	s2 =	sadd.s32 s3, s2  }
0x8d: {  	s2 =	sadd.s32 s2, s16  }
0x8e: {  	[smem:$0x3FBE] =	sst s2  }
0x8f: {  	_ = 	snop  }
0x90: {  	(tm) =	ssettm $0x1  }
0x91: {  	s17 =	sld [smem:$0x3FFB];
	_ =	sdelay $0x3  }
0x92: {  	_ =	strace s17  }
0x93: {  	s2 =	sld [smem:$0x3FFC];
	_ =	sdelay $0x3  }
0x94: {  	_ =	strace s2  }
0x95: {  	s2 =	sld [smem:$0x3FFD];
	_ =	sdelay $0x3  }
0x96: {  	_ =	strace s2  }
0x97: {  	_ =	strace $0x8FFFFFFF  }
0x98: {  	s18 =	sld [smem:$0x3FDB];
	_ =	sdelay $0x1  }
0x99: {  	s19 =	simm.s32 $_scs_section_size  }
0x9a: {  	s4 =	simm.s32 $_size__tile_overlayer_lowered;
	s5 =	simm.s32 $_tile_overlayer_lowered  }
0x9b: {  	s22 =	simm.s32 $0x1BFF;
	s21 =	sshll.u32 s5, $0x1;
	s2 =	sadd.s32 s19, s18  }
0x9c: {  	s6 =	simm.s32 $0x0;
	s20 =	sshll.u32 s4, $0x1;
	s4 =	sadd.s32 s21, s2  }
0x9d: {  	[timem:s6], [sflag:s22] =	dma.local [hbm:s4], s20  }
0x9e: {  	_ =	swait.ge [sflag:s22], s20  }
0x9f: {  	s3 =	ssub.s32 $0x0, s20;
	[sflag:s22] =	ssyncset.done $0x0  }
0xa0: {  	[sflag:s22] =	ssyncadd.s32 s3;
	_ =	sdelay $0x1  }
0xa1: {  	s23 =	simm.s32 $0x1B8B  }
0xa2: {  	_ =	swait.ge [sflag:s23], $0x1  }
0xa3: {  	[sflag:s23] =	ssyncset.done $0x0  }
0xa4: {  	s25 =	simm.s32 $0x1B8E;
	s24 =	sld [smem:$0x3FFE];
	[sflag:s23] =	ssyncadd.s32 $0xFFFFFFFF  }
0xa5: {  	s26 =	simm.s32 $execute0_lowered;
	[smem:$0x3FD2] =	sst s25  }
0xa6: {  	s4 =	sshll.u32 s26, $0x1;
	_ =	strace $0x80000046;
	[dreg:$0x1] =	wrdreg $0xFFFFFFFF  }
0xa7: {  	s28 =	simm.s32 $_size_execute0_lowered;
	s2 =	sadd.s32 s2, s4;
	[dreg:$0x0] =	wrdreg $0x0  }
0xa8: {  	s4 =	sshll.u32 s28, $0x1;
	[dreg:$0x2] =	wrdreg s2  }
0xa9: {  	[dreg:$0x3] =	wrdreg s4  }
0xaa: {  	[dreg:$0x4] =	wrdreg $0xC0  }
0xab: {  	_ =	task [dreg:s6], $0x5FFFF  }
0xac: {  	[dreg:$0x1] =	wrdreg $0xFFFFFFFF  }
0xad: {  	[dreg:$0x0] =	wrdreg $0x60  }
0xae: {  	[dreg:$0x2] =	wrdreg s24  }
0xaf: {  	[dreg:$0x3] =	wrdreg $0x9  }
0xb0: {  	_ =	task.clear_ibuf [dreg:s6], $0x4FFFF;
	_ =	strace $0x90000046  }
0xb1: {  	s29 =	simm.s32 $0x9;
	_ =	strace $0x8000004E  }
0xb2: {  	_ =	swait.ge [sflag:s29], $0x1  }
0xb3: {  	[sflag:s29] =	ssyncadd.s32 $0xFFFFFFFF  }
0xb4: {  	_ =	strace $0x9000004E  }
0xb5: {  	_ =	sfence  }
0xb6: {  	s30 =	sld [smem:$0x0];
	_ =	sdelay $0x2  }
0xb7: {  	s31 =	sshll.u32 s1, $0xD;
	s1 =	sshrl.u32 s1, $0x2  }
0xb8: {  	s3 =	sand.u32 $0x4000, s31;
	s1 =	sadd.s32 s1, s30  }
0xb9: {  	s0 =	sor.u32 s3, s0;
	s1 =	sshll.u32 s1, $0x11  }
0xba: {  	s0 =	sor.u32 s1, s0  }
0xbb: {  	s0 =	sadd.s32 $0x8F2B, s0  }
0xbc: {  	[sflag:s0] =	ssyncadd.remote.s32 $0x1  }
0xbd: {  	_ =	sfence.sel $0xFFFF  }
0xbe: {  	[dreg:$0x0] =	wrdreg $0xFFFFFFFF;
	(pc) =	sbr.abs _section_cstart, $3  }
0xbf: {  	[dreg:$0x1] =	wrdreg $0xFFFFFFFF  }
0xc0: {  	_ =	task.clear_ibuf [dreg:s6], $0x2FFFF;
	_ =	strace $0x9FFFFFFF  }
0xc1: {  	(tm) =	ssettm $0x7FFFFFFF  }
tec
execute0_lowered:
.L_overlay_start_1:
0x0: {  	(tag) =	ssettag $0x1  }
0x1: {  	s5 =	rddreg [dreg:$0x0]  }
0x2: {  	s0 =	rddreg [dreg:$0x1];
	s1 =	simm.s32 $0x0;
	s2 =	srdreg.scid  }
0x3: {  	s11 =	simm.s32 $0x5;
	s12 =	simm.s32 $0x0;
	[smem:$0x7FF] =	sst s1  }
0x4: {  	s6 =	sand.u32 $0x1, s2;
	s3 =	sadd.s32 $0x44400, s5;
	s4 =	sadd.s32 $0x43C00, s5  }
0x5: {  	s2 =	stileid.u32;
	s5 =	sadd.s32 $0x84400, s5;
	s7 =	ssub.s32 $0x2, s6  }
0x6: {  	_ =	strace $0x80000047;
	s6 =	sshll.u32 s6, $0x4;
	s8 =	sshrl.u32 s7, $0x1  }
0x7: {  	v2 =	vlaneseq.u32;
	s31 =	sshll.u32 s2, $0xE;
	s30 =	sor.u32 s2, s6;
	s9 =	ssub.s32 s7, s8  }
0x8: {  	vm0 =	vmmov $0xffff;
	v1 =	vshrl.u32 v2, $0x3;
	s6 =	sshll.u32 s30, $0x2;
	s10 =	sshll.u32 s30, $0x6;
	s7 =	sadd.s32 s3, s31  }
0x9: {  	v0 =	vand.u32 $0x7, v2;
	v2 =	vor.u32 $0x8, v2;
	v1 =	vmul.u32 $0x8, v1;
	s8 =	sadd.s32 s4, s10;
	s9 =	smax.u32 s9, $0x1;
	s10 =	simm.s32 $0x10000  }
.LBB2_1:
0xa: {  	_ =	strace $0x80000048;
	s13 =	simm.s32 $0x4  }
0xb: {  	[tilespmem:s1], [sflag:$0x1] =	stream.linear.gather [hbm4b:s7+s1], $0x8000, $0x200038;
	[tilespmem:$0x10100] =	vst v63  }
0xc: {  	s14 =	simm.s32 $0x0;
	s15 =	simm.s32 $0x0;
	s16 =	simm.s32 $0x1  }
0xd: {  	[tilespmem:s10], [sflag:$0x3] =	stream.linear.gather [hbm4b:s8+s1], $0x80, $0x200038;
	[tilespmem:$0x10100] =	vst v63  }
0xe: {  	s17 =	simm.s32 $0x0;
	s18 =	simm.s32 $0x1;
	_ =	strace $0x90000048  }
.LBB2_2:
0xf: {  	s19 =	smov.u32 s14;
	s14 =	sadd.s32 $0x1, s14  }
0x10: {  	p0 =	seq.s32 s14, $0x4  }
0x11: {  	s14 =	simm.s32 @p0 $0x0  }
0x12: {  	s20 =	sadd.s32 s6, s19;
	s21 =	sadd.s32 s6, s14  }
0x13: {  	s20 =	sand.u32 $0x3F, s20;
	s22 =	sand.u32 $0x3F, s21  }
0x14: {  	p3 =	sne.s32 s13, $0x1;
	p0 =	sne.s32 s20, s22  }
0x15: {  	p1 =	por !p3, !p0  }
0x16: {  	p2 =	por !p1, !p1  }
0x17: {  	p1 =	sne.s32 s19, s14;
	s23 =	sand.u32 @p2 $0x1, s18;
	_ =	strace @p2 $0x80000049  }
0x18: {  	s22 =	sshll.u32 @p2 s22, $0xC;
	s25 =	simm.s32 @p2 $0x0;
	p3 =	por !p3, !p1  }
0x19: {  	s24 =	sshll.u32 @p2 s23, $0xF;
	s23 =	sadd.s32 @p2 $0x1, s23;
	s22 =	sadd.s32 @p2 s3, s22  }
0x1a: {  	[tilespmem:s24], [sflag:s23] =	stream.linear.gather @p2 [hbm4b:s22+s25], $0x8000, $0x200038;
	[tilespmem:$0x10100] =	vst v63  }
0x1b: {  	p4 =	seq.s32 s19, $0x0;
	p3 =	por !p3, !p3;
	s22 =	sadd.s32 $0x3F, s19  }
0x1c: {  	s19 =	sand.u32 @p3 $0x1, s16;
	s21 =	sshll.u32 @p3 s21, $0x4;
	s24 =	simm.s32 @p3 $0x0  }
0x1d: {  	s22 =	simm.s32 @p4 $0x3;
	_ =	strace @p2 $0x90000049;
	s23 =	sshll.u32 @p3 s19, $0x7  }
0x1e: {  	s21 =	sand.u32 @p3 $0x1FFFFFF0, s21;
	s19 =	sadd.s32 @p3 $0x3, s19;
	_ =	strace @p3 $0x8000004A  }
0x1f: {  	s22 =	sadd.s32 s6, s22;
	s23 =	sor.u32 @p3 $0x10000, s23;
	s21 =	sadd.s32 @p3 s4, s21  }
0x20: {  	[tilespmem:s23], [sflag:s19] =	stream.linear.gather @p3 [hbm4b:s21+s24], $0x80, $0x200038;
	[tilespmem:$0x10100] =	vst v63  }
0x21: {  	p4 =	seq.s32 s13, $0x4;
	s19 =	sand.u32 $0x3F, s22  }
0x22: {  	p5 =	seq.s32 @!p4 s20, s19  }
0x23: {  	p4 =	por p4, !p5  }
0x24: {  	_ =	strace @p3 $0x9000004A;
	s19 =	sand.u32 @p4 $0x1, s17  }
0x25: {  	_ =	strace @p4 $0x8000004B;
	s19 =	sadd.s32 @p4 $0x1, s19  }
0x26: {  	_ =	swait.ge @p4 [sflag:s19], $0x8000  }
0x27: {  	[sflag:s19] =	ssyncset.done @p4 $0x0  }
0x28: {  	[sflag:s19] =	ssyncadd.s32 @p4 $0xFFFF8000  }
0x29: {  	s23 =	sand.u32 $0x1, s15;
	_ =	strace @p4 $0x9000004B  }
0x2a: {  	s19 =	sadd.s32 $0x3, s23;
	_ =	strace $0x8000004C  }
0x2b: {  	_ =	swait.ge [sflag:s19], $0x80  }
0x2c: {  	[sflag:s19] =	ssyncset.done $0x0  }
0x2d: {  	[sflag:s19] =	ssyncadd.s32 $0xFFFFFF80  }
0x2e: {  	s24 =	sshll.u32 s15, $0x7;
	_ =	strace $0x9000004C  }
0x2f: {  	s20 =	sand.u32 $0x80, s24;
	_ =	strace $0x8000004D  }
0x30: {  	v3 =	vld [tilespmem:s20+$0x10000];
	_ =	sdelay $0x4  }
0x31: {  	v4 =	vshll.u32 v3, $0x1  }
0x32: {  	v3 =	vand.u32 $0x7, v3;
	v4 =	vand.u32 $0xFFFFFFF0, v4  }
0x33: {  	v3 =	vor.u32 v3, v4  }
0x34: {  	v4 =	vperm.xlane v3, v0;
	_ =	sdelay $0x1  }
0x35: {  	v3 =	vperm.xlane v3, v2;
	v4 =	vadd.s32 v1, v4;
	_ =	sdelay $0x1  }
0x36: {  	v3 =	vadd.s32 v1, v3  }
0x37: {  	s25 =	sshll.u32 s17, $0xF  }
0x38: {  	s19 =	sand.u32 $0x8000, s25  }
0x39: {  	[hbm4b:s5+s1] =	stream.indirect_vreg.scatter [tilespmem:s19], [sflag:$0x5], $0x80, v4, vm0, $0x2000b8;
	[tilespmem:$0x10100] =	vst v63  }
0x3a: {  	s26 =	sor.u32 $0x800, s19  }
0x3b: {  	[hbm4b:s5+s1] =	stream.indirect_vreg.scatter [tilespmem:s26], [sflag:$0x5], $0x80, v3, vm0, $0x2000b8;
	[tilespmem:$0x10100] =	vst v63  }
0x3c: {  	v3 =	vld [tilespmem:s20+$0x10010];
	_ =	sdelay $0x4  }
0x3d: {  	v57 =	vshll.u32 v3, $0x1  }
0x3e: {  	v3 =	vand.u32 $0x7, v3;
	v4 =	vand.u32 $0xFFFFFFF0, v57  }
0x3f: {  	v3 =	vor.u32 v3, v4  }
0x40: {  	v4 =	vperm.xlane v3, v0;
	_ =	sdelay $0x1  }
0x41: {  	v3 =	vperm.xlane v3, v2;
	v4 =	vadd.s32 v1, v4;
	_ =	sdelay $0x1  }
0x42: {  	v3 =	vadd.s32 v1, v3;
	_ =	sdelay $0x1  }
0x43: {  	s28 =	sor.u32 $0x1000, s19  }
0x44: {  	[hbm4b:s5+s1] =	stream.indirect_vreg.scatter [tilespmem:s28], [sflag:$0x5], $0x80, v4, vm0, $0x2000b8;
	[tilespmem:$0x10100] =	vst v63  }
0x45: {  	s29 =	sor.u32 $0x1800, s19  }
0x46: {  	[hbm4b:s5+s1] =	stream.indirect_vreg.scatter [tilespmem:s29], [sflag:$0x5], $0x80, v3, vm0, $0x2000b8;
	[tilespmem:$0x10100] =	vst v63  }
0x47: {  	v3 =	vld [tilespmem:s20+$0x10020];
	_ =	sdelay $0x4  }
0x48: {  	v58 =	vshll.u32 v3, $0x1  }
0x49: {  	v3 =	vand.u32 $0x7, v3;
	v4 =	vand.u32 $0xFFFFFFF0, v58  }
0x4a: {  	v3 =	vor.u32 v3, v4  }
0x4b: {  	v4 =	vperm.xlane v3, v0;
	_ =	sdelay $0x1  }
0x4c: {  	v3 =	vperm.xlane v3, v2;
	v4 =	vadd.s32 v1, v4;
	_ =	sdelay $0x1  }
0x4d: {  	v3 =	vadd.s32 v1, v3;
	_ =	sdelay $0x1  }
0x4e: {  	s30 =	sor.u32 $0x2000, s19  }
0x4f: {  	[hbm4b:s5+s1] =	stream.indirect_vreg.scatter [tilespmem:s30], [sflag:$0x5], $0x80, v4, vm0, $0x2000b8;
	[tilespmem:$0x10100] =	vst v63  }
0x50: {  	s31 =	sor.u32 $0x2800, s19  }
0x51: {  	[hbm4b:s5+s1] =	stream.indirect_vreg.scatter [tilespmem:s31], [sflag:$0x5], $0x80, v3, vm0, $0x2000b8;
	[tilespmem:$0x10100] =	vst v63  }
0x52: {  	v3 =	vld [tilespmem:s20+$0x10030];
	_ =	sdelay $0x4  }
0x53: {  	v59 =	vshll.u32 v3, $0x1  }
0x54: {  	v3 =	vand.u32 $0x7, v3;
	v4 =	vand.u32 $0xFFFFFFF0, v59  }
0x55: {  	v3 =	vor.u32 v3, v4  }
0x56: {  	v4 =	vperm.xlane v3, v0;
	_ =	sdelay $0x1  }
0x57: {  	v3 =	vperm.xlane v3, v2;
	v4 =	vadd.s32 v1, v4;
	_ =	sdelay $0x1  }
0x58: {  	v3 =	vadd.s32 v1, v3;
	_ =	sdelay $0x1  }
0x59: {  	s22 =	sor.u32 $0x3000, s19  }
0x5a: {  	[hbm4b:s5+s1] =	stream.indirect_vreg.scatter [tilespmem:s22], [sflag:$0x5], $0x80, v4, vm0, $0x2000b8;
	[tilespmem:$0x10100] =	vst v63  }
0x5b: {  	s23 =	sor.u32 $0x3800, s19  }
0x5c: {  	[hbm4b:s5+s1] =	stream.indirect_vreg.scatter [tilespmem:s23], [sflag:$0x5], $0x80, v3, vm0, $0x2000b8;
	[tilespmem:$0x10100] =	vst v63  }
0x5d: {  	v3 =	vld [tilespmem:s20+$0x10040];
	_ =	sdelay $0x4  }
0x5e: {  	v60 =	vshll.u32 v3, $0x1  }
0x5f: {  	v3 =	vand.u32 $0x7, v3;
	v4 =	vand.u32 $0xFFFFFFF0, v60  }
0x60: {  	v3 =	vor.u32 v3, v4  }
0x61: {  	v4 =	vperm.xlane v3, v0;
	_ =	sdelay $0x1  }
0x62: {  	v3 =	vperm.xlane v3, v2;
	v4 =	vadd.s32 v1, v4;
	_ =	sdelay $0x1  }
0x63: {  	v3 =	vadd.s32 v1, v3;
	_ =	sdelay $0x1  }
0x64: {  	s24 =	sor.u32 $0x4000, s19  }
0x65: {  	[hbm4b:s5+s1] =	stream.indirect_vreg.scatter [tilespmem:s24], [sflag:$0x5], $0x80, v4, vm0, $0x2000b8;
	[tilespmem:$0x10100] =	vst v63  }
0x66: {  	s25 =	sor.u32 $0x4800, s19  }
0x67: {  	[hbm4b:s5+s1] =	stream.indirect_vreg.scatter [tilespmem:s25], [sflag:$0x5], $0x80, v3, vm0, $0x2000b8;
	[tilespmem:$0x10100] =	vst v63  }
0x68: {  	v3 =	vld [tilespmem:s20+$0x10050];
	_ =	sdelay $0x4  }
0x69: {  	v61 =	vshll.u32 v3, $0x1  }
0x6a: {  	v3 =	vand.u32 $0x7, v3;
	v4 =	vand.u32 $0xFFFFFFF0, v61  }
0x6b: {  	v3 =	vor.u32 v3, v4  }
0x6c: {  	v4 =	vperm.xlane v3, v0;
	_ =	sdelay $0x1  }
0x6d: {  	v3 =	vperm.xlane v3, v2;
	v4 =	vadd.s32 v1, v4;
	_ =	sdelay $0x1  }
0x6e: {  	v3 =	vadd.s32 v1, v3;
	_ =	sdelay $0x1  }
0x6f: {  	s26 =	sor.u32 $0x5000, s19  }
0x70: {  	[hbm4b:s5+s1] =	stream.indirect_vreg.scatter [tilespmem:s26], [sflag:$0x5], $0x80, v4, vm0, $0x2000b8;
	[tilespmem:$0x10100] =	vst v63  }
0x71: {  	s28 =	sor.u32 $0x5800, s19  }
0x72: {  	[hbm4b:s5+s1] =	stream.indirect_vreg.scatter [tilespmem:s28], [sflag:$0x5], $0x80, v3, vm0, $0x2000b8;
	[tilespmem:$0x10100] =	vst v63  }
0x73: {  	v3 =	vld [tilespmem:s20+$0x10060];
	_ =	sdelay $0x4  }
0x74: {  	v62 =	vshll.u32 v3, $0x1  }
0x75: {  	v3 =	vand.u32 $0x7, v3;
	v4 =	vand.u32 $0xFFFFFFF0, v62  }
0x76: {  	v3 =	vor.u32 v3, v4  }
0x77: {  	v4 =	vperm.xlane v3, v0;
	_ =	sdelay $0x1  }
0x78: {  	v3 =	vperm.xlane v3, v2;
	v4 =	vadd.s32 v1, v4;
	_ =	sdelay $0x1  }
0x79: {  	v3 =	vadd.s32 v1, v3;
	_ =	sdelay $0x1  }
0x7a: {  	s29 =	sor.u32 $0x6000, s19  }
0x7b: {  	[hbm4b:s5+s1] =	stream.indirect_vreg.scatter [tilespmem:s29], [sflag:$0x5], $0x80, v4, vm0, $0x2000b8;
	[tilespmem:$0x10100] =	vst v63  }
0x7c: {  	s30 =	sor.u32 $0x6800, s19  }
0x7d: {  	[hbm4b:s5+s1] =	stream.indirect_vreg.scatter [tilespmem:s30], [sflag:$0x5], $0x80, v3, vm0, $0x2000b8;
	[tilespmem:$0x10100] =	vst v63  }
0x7e: {  	v3 =	vld [tilespmem:s20+$0x10070];
	_ =	sdelay $0x4  }
0x7f: {  	v63 =	vshll.u32 v3, $0x1  }
0x80: {  	v3 =	vand.u32 $0x7, v3;
	v4 =	vand.u32 $0xFFFFFFF0, v63  }
0x81: {  	v3 =	vor.u32 v3, v4  }
0x82: {  	v4 =	vperm.xlane v3, v0;
	_ =	sdelay $0x1  }
0x83: {  	v3 =	vperm.xlane v3, v2;
	v4 =	vadd.s32 v1, v4;
	_ =	sdelay $0x1  }
0x84: {  	v3 =	vadd.s32 v1, v3;
	_ =	sdelay $0x1  }
0x85: {  	s31 =	sor.u32 $0x7000, s19  }
0x86: {  	[hbm4b:s5+s1] =	stream.indirect_vreg.scatter [tilespmem:s31], [sflag:$0x5], $0x80, v4, vm0, $0x2000b8;
	[tilespmem:$0x10100] =	vst v63  }
0x87: {  	p6 =	seq.s32 s13, $0x1;
	s19 =	sor.u32 $0x7800, s19  }
0x88: {  	[hbm4b:s5+s1] =	stream.indirect_vreg.scatter [tilespmem:s19], [sflag:$0x5], $0x80, v3, vm0, $0x2000b8;
	[tilespmem:$0x10100] =	vst v63  }
0x89: {  	p0 =	por p6, p0;
	s13 =	sadd.s32 $0xFFFFFFFF, s13;
	s19 =	simm.s32 $0x1  }
0x8a: {  	p1 =	por p6, p1;
	s19 =	simm.s32 @!p0 $0x0;
	p0 =	sne.s32 s13, $0x0  }
.Ltmp0:
0x8b: {  	s21 =	simm.s32 $0x1;
	s20 =	simm.s32 $0x1;
	(pc) =	sbr.rel @p0 .LBB2_2-.Ltmp0, $4  }
0x8c: {  	s21 =	simm.s32 @!p3 $0x0;
	s20 =	simm.s32 @!p2 $0x0;
	_ =	swait.ge [sflag:s11], $0x8000  }
0x8d: {  	s18 =	sadd.s32 s20, s18;
	s20 =	simm.s32 $0x1;
	[sflag:s11] =	ssyncset.done $0x0  }
0x8e: {  	s16 =	sadd.s32 s21, s16;
	s20 =	simm.s32 @!p1 $0x0;
	[sflag:s11] =	ssyncadd.s32 $0xFFFF8000  }
0x8f: {  	s15 =	sadd.s32 s20, s15;
	s17 =	sadd.s32 s19, s17;
	_ =	strace $0x9000004D  }
0x90: {  	s12 =	sadd.s32 $0x1, s12  }
0x91: {  	p0 =	sne.s32 s12, s9  }
.Ltmp1:
0x92: {  	_ = 	snop;
	(pc) =	sbr.rel @p0 .LBB2_1-.Ltmp1, $1  }
0x93: {  	_ =	sdelay $0x3  }
0x94: {  	_ =	sfence.sel $0x180000  }
0x95: {  	[bflag:$0x0] =	sbarrier.arrive $0xFFFF  }
0x96: {  	p0 =	sne.s32 s2, $0x0;
	_ =	strace $0x90000047  }
0x97: {  	s0 =	sadd.s32 @!p0 $0x100000, s0;
	[bflag:$0x2] =	sbarrier.arrive $0xFFFF  }
0x98: {  	[sflag:s0] =	ssyncadd.tile.s32 @!p0 $0x1;
	_ =	shalt  }
.Lfunc_end2:
_tile_overlayer_lowered:
.L_overlay_start_2:
0x99: {  	(tag) =	ssettag $0x2  }
0x9a: {  	s0 =	rddreg [dreg:$0x0];
	s2 =	stileid.u32  }
0x9b: {  	s1 =	rddreg [dreg:$0x1];
	p0 =	sne.s32 s2, $0x0  }
0x9c: {  	s3 =	rddreg [dreg:$0x2];
	[bflag:$0x3] =	sbarrier.arrive $0xFFFF;
	s2 =	simm.s32 @!p0 $0x1C01  }
0x9d: {  	[timem:s3], [sflag:s2] =	dma.local @!p0 [hbm:s0], s1  }
0x9e: {  	s0 =	simm.s32 @!p0 $0x1  }
0x9f: {  	_ =	swait.ge @!p0 [sflag:s0], s1  }
0xa0: {  	s1 =	ssub.s32 @!p0 $0x0, s1;
	[sflag:s0] =	ssyncset.done @!p0 $0x0  }
0xa1: {  	[sflag:s0] =	ssyncadd.s32 @!p0 s1  }
0xa2: {  	[bflag:$0x3] =	sbarrier.arrive $0xFFFF  }
0xa3: {  	_ =	shalt  }

</sc_bundles>
